<compile_context>
chip_gen: v7x
topology: tpu7x:2x2x1
jax: 0.10.2.dev20260603
libtpu: 0.0.44.dev20260713+nightly
codegen_flags: <defaults>
</compile_context>

<pallas_src>
import functools

import jax
import jax.numpy as jnp
from jax import lax
from jax.experimental import pallas as pl
from jax.experimental.pallas import tpu as pltpu
from jax.experimental.pallas import tpu_sc as plsc

_N = 10000
_E = 160000
_D = 256
_G = 64
_HD = 128
_NC = 2
_NS = 16
_CH = 125
_EPT = _E // _NS
_NCH = 80
_NCHH = _NCH // 2
_EPT_PAD = _NCH * _CH
_ACC_ROWS = 10240
_BN = 2000
_NB = _N // _BN
_OP = 128



def _segsum_body(yp, srcs, dsts, out, src_v, dst_v, rows0, rows1, acc,
                 sem0, sem1):
    c = lax.axis_index("c")
    s = lax.axis_index("s")

    z16 = jnp.zeros((16,), jnp.float32)

    @pl.loop(0, 64)
    def _zrow(r):
        for k in range(_HD // 16):
            rows0[r, pl.ds(k * 16, 16)] = z16

    rows_per_tile = _ACC_ROWS // _NS

    @pl.loop(0, rows_per_tile // 64)
    def _zacc(i):
        pltpu.sync_copy(rows0.at[pl.ds(0, 64)],
                        acc.at[pl.ds(s * rows_per_tile + i * 64, 64)])

    plsc.subcore_barrier()

    for half in range(2):
        pltpu.sync_copy(srcs.at[c, s, pl.ds(half * _NCHH, _NCHH)], src_v)
        pltpu.sync_copy(dsts.at[s, pl.ds(half * _NCHH, _NCHH)], dst_v)
        pltpu.async_copy(yp.at[src_v.at[0]], rows0, sem0)

        @pl.loop(0, _NCHH // 2 - 1)
        def _chunk(jo):
            j = jo * 2
            pltpu.make_async_copy(yp.at[src_v.at[j]], rows0, sem0).wait()
            pltpu.async_copy(yp.at[src_v.at[j + 1]], rows1, sem1)
            pltpu.sync_copy(rows0, acc.at[dst_v.at[j]], add=True)
            pltpu.make_async_copy(yp.at[src_v.at[j + 1]], rows1, sem1).wait()
            pltpu.async_copy(yp.at[src_v.at[j + 2]], rows0, sem0)
            pltpu.sync_copy(rows1, acc.at[dst_v.at[j + 1]], add=True)

        jl = _NCHH - 2
        pltpu.make_async_copy(yp.at[src_v.at[jl]], rows0, sem0).wait()
        pltpu.async_copy(yp.at[src_v.at[jl + 1]], rows1, sem1)
        pltpu.sync_copy(rows0, acc.at[dst_v.at[jl]], add=True)
        pltpu.make_async_copy(yp.at[src_v.at[jl + 1]], rows1, sem1).wait()
        pltpu.sync_copy(rows1, acc.at[dst_v.at[jl + 1]], add=True)

    plsc.subcore_barrier()

    @pl.when(s < _NS - 1)
    def _wb():
        pltpu.sync_copy(acc.at[pl.ds(s * 624, 624)],
                        out.at[pl.ds(c * _N + s * 624, 624)])

    @pl.when(s == _NS - 1)
    def _wb_last():
        pltpu.sync_copy(acc.at[pl.ds((_NS - 1) * 624, _N - (_NS - 1) * 624)],
                        out.at[pl.ds(c * _N + (_NS - 1) * 624,
                                     _N - (_NS - 1) * 624)])


@functools.cache
def _get_segsum():
    return pl.kernel(
        _segsum_body,
        out_type=jax.ShapeDtypeStruct((2 * _N, _HD), jnp.float32),
        mesh=plsc.VectorSubcoreMesh(core_axis_name="c", subcore_axis_name="s"),
        scratch_types=[
            pltpu.VMEM((_NCHH, _CH), jnp.int32),
            pltpu.VMEM((_NCHH, _CH), jnp.int32),
            pltpu.VMEM((_CH, _HD), jnp.float32),
            pltpu.VMEM((_CH, _HD), jnp.float32),
            pltpu.VMEM_SHARED((_ACC_ROWS, _HD), jnp.float32),
            pltpu.SemaphoreType.DMA,
            pltpu.SemaphoreType.DMA,
        ],
    )



_DN = (((1,), (1,)), ((), ()))



def _l1a_body(x_r, wrel_r, y_r):
    y_r[...] = lax.dot_general(x_r[...], wrel_r[...], _DN,
                               preferred_element_type=jnp.float32)


_l1a = pl.pallas_call(
    _l1a_body,
    grid=(_NB, _NC),
    in_specs=[
        pl.BlockSpec((_BN, _D), lambda n, c: (n, 0)),
        pl.BlockSpec((_HD, _D), lambda n, c: (c, 0)),
    ],
    out_specs=pl.BlockSpec((_BN, _HD), lambda n, c: (c * _NB + n, 0)),
    out_shape=jax.ShapeDtypeStruct((2 * _N, _HD), jnp.float32),
)


def _l1b_body(x_r, wroot_r, b_r, r_r):
    r_r[...] = lax.dot_general(x_r[...], wroot_r[...], _DN,
                               preferred_element_type=jnp.float32) + b_r[0]


_l1b = pl.pallas_call(
    _l1b_body,
    grid=(_NB, _NC),
    in_specs=[
        pl.BlockSpec((_BN, _D), lambda n, c: (n, 0)),
        pl.BlockSpec((_HD, _D), lambda n, c: (c, 0)),
        pl.BlockSpec((1, 1, _HD), lambda n, c: (c, 0, 0)),
    ],
    out_specs=pl.BlockSpec((_BN, _HD), lambda n, c: (n, c)),
    out_shape=jax.ShapeDtypeStruct((_N, _D), jnp.float32),
)


def _l2a_body(lo_r, hi_r, rin_r, wrel_r, y_r):
    agg = jnp.concatenate([lo_r[...], hi_r[...]], axis=1)
    h = jnp.maximum(agg + rin_r[...], 0.0)
    y_r[...] = lax.dot_general(h, wrel_r[...], _DN,
                               preferred_element_type=jnp.float32)


_l2a = pl.pallas_call(
    _l2a_body,
    grid=(_NB, _NC),
    in_specs=[
        pl.BlockSpec((_BN, _HD), lambda n, c: (n, 0)),
        pl.BlockSpec((_BN, _HD), lambda n, c: (_NB + n, 0)),
        pl.BlockSpec((_BN, _D), lambda n, c: (n, 0)),
        pl.BlockSpec((_HD, _D), lambda n, c: (c, 0)),
    ],
    out_specs=pl.BlockSpec((_BN, _HD), lambda n, c: (c * _NB + n, 0)),
    out_shape=jax.ShapeDtypeStruct((2 * _N, _HD), jnp.float32),
)


def _l2b_body(lo_r, hi_r, rin_r, wroot_r, b_r, r_r):
    agg = jnp.concatenate([lo_r[...], hi_r[...]], axis=1)
    h = jnp.maximum(agg + rin_r[...], 0.0)
    r_r[...] = lax.dot_general(h, wroot_r[...], _DN,
                               preferred_element_type=jnp.float32) + b_r[0]


_l2b = pl.pallas_call(
    _l2b_body,
    grid=(_NB, _NC),
    in_specs=[
        pl.BlockSpec((_BN, _HD), lambda n, c: (n, 0)),
        pl.BlockSpec((_BN, _HD), lambda n, c: (_NB + n, 0)),
        pl.BlockSpec((_BN, _D), lambda n, c: (n, 0)),
        pl.BlockSpec((_HD, _D), lambda n, c: (c, 0)),
        pl.BlockSpec((1, 1, _HD), lambda n, c: (c, 0, 0)),
    ],
    out_specs=pl.BlockSpec((_BN, _HD), lambda n, c: (n, c)),
    out_shape=jax.ShapeDtypeStruct((_N, _D), jnp.float32),
)


def _head_body(lo_r, hi_r, rin_r, batch_r, wfc1_r, bfc1_r, wfc2_r, bfc2_r,
               out_r, acc_r, cnt_r):
    n = pl.program_id(0)

    @pl.when(n == 0)
    def _():
        acc_r[...] = jnp.zeros_like(acc_r)
        cnt_r[...] = jnp.zeros_like(cnt_r)

    agg = jnp.concatenate([lo_r[...], hi_r[...]], axis=1)
    h2 = jnp.maximum(agg + rin_r[...], 0.0)
    b = batch_r[0, 0, :]
    gids = lax.broadcasted_iota(jnp.int32, (_G, _BN), 0)
    mask = (gids == b[None, :]).astype(jnp.float32)
    acc_r[...] += lax.dot_general(mask, h2, (((1,), (0,)), ((), ())),
                                  preferred_element_type=jnp.float32)
    cnt_r[...] += jnp.broadcast_to(
        jnp.sum(mask, axis=1, keepdims=True), cnt_r.shape)

    @pl.when(n == _NB - 1)
    def _():
        pooled = acc_r[...] / jnp.clip(cnt_r[:, 0:1], 1.0, None)
        t = jnp.maximum(
            lax.dot_general(pooled, wfc1_r[...], _DN,
                            preferred_element_type=jnp.float32) + bfc1_r[...],
            0.0)
        out_r[...] = lax.dot_general(t, wfc2_r[...], _DN,
                                     preferred_element_type=jnp.float32
                                     ) + bfc2_r[...]


_head = pl.pallas_call(
    _head_body,
    grid=(_NB,),
    in_specs=[
        pl.BlockSpec((_BN, _HD), lambda n: (n, 0)),
        pl.BlockSpec((_BN, _HD), lambda n: (_NB + n, 0)),
        pl.BlockSpec((_BN, _D), lambda n: (n, 0)),
        pl.BlockSpec((1, 1, _BN), lambda n: (n, 0, 0)),
        pl.BlockSpec((_D, _D), lambda n: (0, 0)),
        pl.BlockSpec((1, _D), lambda n: (0, 0)),
        pl.BlockSpec((_OP, _D), lambda n: (0, 0)),
        pl.BlockSpec((1, _OP), lambda n: (0, 0)),
    ],
    out_specs=pl.BlockSpec((_G, _OP), lambda n: (0, 0)),
    out_shape=jax.ShapeDtypeStruct((_G, _OP), jnp.float32),
    scratch_shapes=[
        pltpu.VMEM((_G, _D), jnp.float32),
        pltpu.VMEM((_G, _HD), jnp.float32),
    ],
)



def kernel(x, edge_index, batch, W1_rel, b1_rel, W1_root, W2_rel, b2_rel,
           W2_root, W_fc1, b_fc1, W_fc2, b_fc2):
    ei = edge_index.astype(jnp.int32)
    bt = batch.astype(jnp.int32)
    src = ei[0].reshape(_NS, _EPT)
    dst = ei[1].reshape(_NS, _EPT)
    pad = _EPT_PAD - _EPT
    src_t = jnp.pad(src, ((0, 0), (0, pad))).reshape(_NS, _NCH, _CH)
    dst_t = jnp.pad(dst, ((0, 0), (0, pad)),
                    constant_values=_N).reshape(_NS, _NCH, _CH)
    src2 = jnp.stack([src_t, src_t + _N])

    b1_3 = b1_rel.reshape(_NC, 1, _HD)
    b2_3 = b2_rel.reshape(_NC, 1, _HD)
    batch3 = bt.reshape(_NB, 1, _BN)
    wfc2p = jnp.pad(W_fc2, ((0, _OP - W_fc2.shape[0]), (0, 0)))
    bfc2p = jnp.pad(b_fc2, (0, _OP - b_fc2.shape[0])).reshape(1, _OP)
    bfc1 = b_fc1.reshape(1, _D)

    segsum = _get_segsum()
    y1p = _l1a(x, W1_rel)
    r1 = _l1b(x, W1_root, b1_3)
    agg1 = segsum(y1p, src2, dst_t)
    y2p = _l2a(agg1, agg1, r1, W2_rel)
    r2 = _l2b(agg1, agg1, r1, W2_root, b2_3)
    agg2 = segsum(y2p, src2, dst_t)
    outp = _head(agg2, agg2, r2, batch3, W_fc1, bfc1, wfc2p, bfc2p)
    return outp[:, :10]

# --- scband reference (transcript-rebuilt; emitter-appended) ---
"""Pipeline reference for scband-gnn-24154896073305 (READ-ONLY COPY).

The authoritative reference and input builder live on the scoring server;
editing this copy changes nothing except your own understanding.
"""

import jax, jax.numpy as jnp
import numpy as np

N = 10000
E = 160000
D = 256
H = 256
O = 10
G = 64


def setup_inputs(seed: int = 0) -> dict:
    key = jax.random.key(seed)
    ks = jax.random.split(key, 16)
    x = jax.random.normal(ks[0], (N, D), dtype=jnp.float32)
    edge_index = jax.random.randint(ks[1], (2, E), 0, N, dtype=jnp.int64)
    batch = jnp.sort(jax.random.randint(ks[2], (N,), 0, G, dtype=jnp.int64))
    s = 0.05
    W1_rel = jax.random.normal(ks[3], (H, D), dtype=jnp.float32) * s
    b1_rel = jnp.zeros((H,), dtype=jnp.float32)
    W1_root = jax.random.normal(ks[4], (H, D), dtype=jnp.float32) * s
    W2_rel = jax.random.normal(ks[5], (H, H), dtype=jnp.float32) * s
    b2_rel = jnp.zeros((H,), dtype=jnp.float32)
    W2_root = jax.random.normal(ks[6], (H, H), dtype=jnp.float32) * s
    W_fc1 = jax.random.normal(ks[7], (H, H), dtype=jnp.float32) * s
    b_fc1 = jnp.zeros((H,), dtype=jnp.float32)
    W_fc2 = jax.random.normal(ks[8], (O, H), dtype=jnp.float32) * s
    b_fc2 = jnp.zeros((O,), dtype=jnp.float32)
    return {"x": x, "edge_index": edge_index, "batch": batch,
            "W1_rel": W1_rel, "b1_rel": b1_rel, "W1_root": W1_root,
            "W2_rel": W2_rel, "b2_rel": b2_rel, "W2_root": W2_root,
            "W_fc1": W_fc1, "b_fc1": b_fc1, "W_fc2": W_fc2, "b_fc2": b_fc2}


def _graph_conv(x, src, dst, W_rel, b_rel, W_root):
    # PyG GraphConv (aggr='add'): out = lin_rel(sum_{j->i} x_j) + lin_root(x_i)
    msgs = jnp.take(x, src, axis=0)
    agg = jax.ops.segment_sum(msgs, dst, num_segments=N)
    return agg @ W_rel.T + b_rel + x @ W_root.T


def reference(x, edge_index, batch, W1_rel, b1_rel, W1_root, W2_rel, b2_rel, W2_root, W_fc1, b_fc1, W_fc2, b_fc2):
    src = edge_index[0]
    dst = edge_index[1]
    h = jax.nn.relu(_graph_conv(x, src, dst, W1_rel, b1_rel, W1_root))
    h = jax.nn.relu(_graph_conv(h, src, dst, W2_rel, b2_rel, W2_root))
    # global_mean_pool over batch assignment
    sums = jax.ops.segment_sum(h, batch, num_segments=G)
    counts = jax.ops.segment_sum(jnp.ones((N,), dtype=h.dtype), batch, num_segments=G)
    pooled = sums / jnp.clip(counts, 1.0, None)[:, None]
    h = jax.nn.relu(pooled @ W_fc1.T + b_fc1)
    out = h @ W_fc2.T + b_fc2
    return out

if __name__ == "__main__":
    import jax
    _d = setup_inputs()
    print(jax.jit(kernel)(*tuple(_d.values())))

</pallas_src>

<mosaic_0001>
#map = affine_map<(d0, d1) -> (0, 0)>
#map1 = affine_map<(d0, d1) -> (0, 0, 0, 0)>
#map2 = affine_map<(d0, d1) -> (0, 0, 0)>
module attributes {stable_mosaic.version = 14 : i64} {
  func.func @_segsum_body(%arg0: i32, %arg1: i32, %arg2: memref<20000x128xf32, #tpu.memory_space<hbm>>, %arg3: memref<2x16x80x125xi32, #tpu.memory_space<hbm>>, %arg4: memref<16x80x125xi32, #tpu.memory_space<hbm>>, %arg5: memref<20000x128xf32, #tpu.memory_space<hbm>>, %arg6: memref<40x125xi32, #tpu.memory_space<vmem>>, %arg7: memref<40x125xi32, #tpu.memory_space<vmem>>, %arg8: memref<125x128xf32, #tpu.memory_space<vmem>>, %arg9: memref<125x128xf32, #tpu.memory_space<vmem>>, %arg10: memref<10240x128xf32, #tpu.memory_space<vmem_shared>>, %arg11: memref<!tpu.dma_semaphore, #tpu.memory_space<semaphore_mem>>, %arg12: memref<!tpu.dma_semaphore, #tpu.memory_space<semaphore_mem>>) attributes {dimension_semantics = [#tpu.dimension_semantics<core_parallel>, #tpu.dimension_semantics<subcore_parallel>], iteration_bounds = array<i64: 2, 16>, scalar_prefetch = 0 : i64, scratch_operands = 7 : i64, tpu.core_type = #tpu.core_type<sc_vector_subcore>, window_params = [{transform_indices = #map}, {transform_indices = #map1}, {transform_indices = #map2}, {transform_indices = #map}]} {
    %broadcast_in_dim3A = arith.constant 0.000000e+00 : f32
    %broadcast_in_dim3A_0 = vector.broadcast %broadcast_in_dim3A : f32 to vector<16xf32>
    %scan3A = arith.constant 0 : i32
    %scan3A_1 = arith.constant 64 : i32
    %scan3A_2 = arith.addi %scan3A, %scan3A_1 : i32
    %scan3A_3 = arith.constant 1 : i32
    scf.for %scan3A_84 = %scan3A to %scan3A_2 step %scan3A_3  : i32 {
      %mul3A = arith.constant 1 : i32
      %mul3A_85 = arith.muli %scan3A_84, %mul3A : i32
      %add3A = arith.constant 0 : i32
      %add3A_86 = arith.addi %add3A, %mul3A_85 : i32
      %swap3A = arith.index_cast %add3A_86 : i32 to index
      %swap3A_87 = arith.constant 0 : index
      %swap3A_88 = tpu.vector_load %arg8[%swap3A, %swap3A_87] {strides = array<i32>} : memref<125x128xf32, #tpu.memory_space<vmem>>, vector<1x16xf32>,
      %swap3A_89 = vector.shape_cast %swap3A_88 : vector<1x16xf32> to vector<16xf32>
      %swap3A_90 = vector.shape_cast %broadcast_in_dim3A_0 : vector<16xf32> to vector<1x16xf32>
      tpu.vector_store %arg8[%swap3A, %swap3A_87], %swap3A_90 {strides = array<i32>} : memref<125x128xf32, #tpu.memory_space<vmem>>, vector<1x16xf32>,
      %swap3A_91 = arith.index_cast %add3A_86 : i32 to index
      %swap3A_92 = arith.constant 16 : index
      %swap3A_93 = tpu.vector_load %arg8[%swap3A_91, %swap3A_92] {strides = array<i32>} : memref<125x128xf32, #tpu.memory_space<vmem>>, vector<1x16xf32>,
      %swap3A_94 = vector.shape_cast %swap3A_93 : vector<1x16xf32> to vector<16xf32>
      %swap3A_95 = vector.shape_cast %broadcast_in_dim3A_0 : vector<16xf32> to vector<1x16xf32>
      tpu.vector_store %arg8[%swap3A_91, %swap3A_92], %swap3A_95 {strides = array<i32>} : memref<125x128xf32, #tpu.memory_space<vmem>>, vector<1x16xf32>,
      %swap3A_96 = arith.index_cast %add3A_86 : i32 to index
      %swap3A_97 = arith.constant 32 : index
      %swap3A_98 = tpu.vector_load %arg8[%swap3A_96, %swap3A_97] {strides = array<i32>} : memref<125x128xf32, #tpu.memory_space<vmem>>, vector<1x16xf32>,
      %swap3A_99 = vector.shape_cast %swap3A_98 : vector<1x16xf32> to vector<16xf32>
      %swap3A_100 = vector.shape_cast %broadcast_in_dim3A_0 : vector<16xf32> to vector<1x16xf32>
      tpu.vector_store %arg8[%swap3A_96, %swap3A_97], %swap3A_100 {strides = array<i32>} : memref<125x128xf32, #tpu.memory_space<vmem>>, vector<1x16xf32>,
      %swap3A_101 = arith.index_cast %add3A_86 : i32 to index
      %swap3A_102 = arith.constant 48 : index
      %swap3A_103 = tpu.vector_load %arg8[%swap3A_101, %swap3A_102] {strides = array<i32>} : memref<125x128xf32, #tpu.memory_space<vmem>>, vector<1x16xf32>,
      %swap3A_104 = vector.shape_cast %swap3A_103 : vector<1x16xf32> to vector<16xf32>
      %swap3A_105 = vector.shape_cast %broadcast_in_dim3A_0 : vector<16xf32> to vector<1x16xf32>
      tpu.vector_store %arg8[%swap3A_101, %swap3A_102], %swap3A_105 {strides = array<i32>} : memref<125x128xf32, #tpu.memory_space<vmem>>, vector<1x16xf32>,
      %swap3A_106 = arith.index_cast %add3A_86 : i32 to index
      %swap3A_107 = arith.constant 64 : index
      %swap3A_108 = tpu.vector_load %arg8[%swap3A_106, %swap3A_107] {strides = array<i32>} : memref<125x128xf32, #tpu.memory_space<vmem>>, vector<1x16xf32>,
      %swap3A_109 = vector.shape_cast %swap3A_108 : vector<1x16xf32> to vector<16xf32>
      %swap3A_110 = vector.shape_cast %broadcast_in_dim3A_0 : vector<16xf32> to vector<1x16xf32>
      tpu.vector_store %arg8[%swap3A_106, %swap3A_107], %swap3A_110 {strides = array<i32>} : memref<125x128xf32, #tpu.memory_space<vmem>>, vector<1x16xf32>,
      %swap3A_111 = arith.index_cast %add3A_86 : i32 to index
      %swap3A_112 = arith.constant 80 : index
      %swap3A_113 = tpu.vector_load %arg8[%swap3A_111, %swap3A_112] {strides = array<i32>} : memref<125x128xf32, #tpu.memory_space<vmem>>, vector<1x16xf32>,
      %swap3A_114 = vector.shape_cast %swap3A_113 : vector<1x16xf32> to vector<16xf32>
      %swap3A_115 = vector.shape_cast %broadcast_in_dim3A_0 : vector<16xf32> to vector<1x16xf32>
      tpu.vector_store %arg8[%swap3A_111, %swap3A_112], %swap3A_115 {strides = array<i32>} : memref<125x128xf32, #tpu.memory_space<vmem>>, vector<1x16xf32>,
      %swap3A_116 = arith.index_cast %add3A_86 : i32 to index
      %swap3A_117 = arith.constant 96 : index
      %swap3A_118 = tpu.vector_load %arg8[%swap3A_116, %swap3A_117] {strides = array<i32>} : memref<125x128xf32, #tpu.memory_space<vmem>>, vector<1x16xf32>,
      %swap3A_119 = vector.shape_cast %swap3A_118 : vector<1x16xf32> to vector<16xf32>
      %swap3A_120 = vector.shape_cast %broadcast_in_dim3A_0 : vector<16xf32> to vector<1x16xf32>
      tpu.vector_store %arg8[%swap3A_116, %swap3A_117], %swap3A_120 {strides = array<i32>} : memref<125x128xf32, #tpu.memory_space<vmem>>, vector<1x16xf32>,
      %swap3A_121 = arith.index_cast %add3A_86 : i32 to index
      %swap3A_122 = arith.constant 112 : index
      %swap3A_123 = tpu.vector_load %arg8[%swap3A_121, %swap3A_122] {strides = array<i32>} : memref<125x128xf32, #tpu.memory_space<vmem>>, vector<1x16xf32>,
      %swap3A_124 = vector.shape_cast %swap3A_123 : vector<1x16xf32> to vector<16xf32>
      %swap3A_125 = vector.shape_cast %broadcast_in_dim3A_0 : vector<16xf32> to vector<1x16xf32>
      tpu.vector_store %arg8[%swap3A_121, %swap3A_122], %swap3A_125 {strides = array<i32>} : memref<125x128xf32, #tpu.memory_space<vmem>>, vector<1x16xf32>,
    }
    %scan3A_4 = arith.constant 64 : i32
    %scan3A_5 = arith.constant 0 : i32
    %scan3A_6 = arith.constant 10 : i32
    %scan3A_7 = arith.addi %scan3A_5, %scan3A_6 : i32
    %scan3A_8 = arith.constant 1 : i32
    scf.for %scan3A_84 = %scan3A_5 to %scan3A_7 step %scan3A_8  : i32 {
      %mul3A = arith.constant 1 : i32
      %mul3A_85 = arith.muli %scan3A_84, %mul3A : i32
      %add3A = arith.constant 0 : i32
      %add3A_86 = arith.addi %add3A, %mul3A_85 : i32
      %mul3A_87 = arith.constant 640 : i32
      %mul3A_88 = arith.muli %arg1, %mul3A_87 : i32
      %mul3A_89 = arith.constant 64 : i32
      %mul3A_90 = arith.muli %add3A_86, %mul3A_89 : i32
      %add3A_91 = arith.addi %mul3A_88, %mul3A_90 : i32
      "tpu.region"() ({
        %run_scoped3A_92 = tpu.sem_alloc : memref<!tpu.dma_semaphore, #tpu.memory_space<semaphore_mem>>
        %dma_start3A_93 = arith.constant 0 : i32
        %dma_start3A_94 = arith.constant 0 : i32
        %dma_start3A_95 = tpu.memref_slice %arg8[%dma_start3A_93, %dma_start3A_94] : memref<125x128xf32, #tpu.memory_space<vmem>> -> memref<64x128xf32, #tpu.memory_space<vmem>>
        %dma_start3A_96 = arith.constant 0 : i32
        %dma_start3A_97 = tpu.memref_slice %arg10[%add3A_91, %dma_start3A_96] : memref<10240x128xf32, #tpu.memory_space<vmem_shared>> -> memref<64x128xf32, #tpu.memory_space<vmem_shared>>
        %dma_start3A_98 = arith.constant 0 : i32
        %dma_start3A_99 = tpu.memref_slice %arg10[%add3A_91, %dma_start3A_98] : memref<10240x128xf32, #tpu.memory_space<vmem_shared>> -> memref<64x128xf32, #tpu.memory_space<vmem_shared>>
        %dma_start3A_100 = arith.constant 0 : i32
        %dma_start3A_101 = arith.constant 0 : i32
        %dma_start3A_102 = tpu.memref_slice %arg8[%dma_start3A_100, %dma_start3A_101] : memref<125x128xf32, #tpu.memory_space<vmem>> -> memref<64x128xf32, #tpu.memory_space<vmem>>
        tpu.enqueue_dma source(%dma_start3A_102 : memref<64x128xf32, #tpu.memory_space<vmem>>) target(%dma_start3A_99 : memref<64x128xf32, #tpu.memory_space<vmem_shared>>) target_semaphore(%run_scoped3A_92 : memref<!tpu.dma_semaphore, #tpu.memory_space<semaphore_mem>>)
        %dma_wait3A_103 = arith.constant 0 : i32
        %dma_wait3A_104 = arith.constant 0 : i32
        %dma_wait3A_105 = tpu.memref_slice %arg8[%dma_wait3A_103, %dma_wait3A_104] : memref<125x128xf32, #tpu.memory_space<vmem>> -> memref<64x128xf32, #tpu.memory_space<vmem>>
        %dma_wait3A_106 = arith.constant 0 : i32
        %dma_wait3A_107 = tpu.memref_slice %arg10[%add3A_91, %dma_wait3A_106] : memref<10240x128xf32, #tpu.memory_space<vmem_shared>> -> memref<64x128xf32, #tpu.memory_space<vmem_shared>>
        %dma_wait3A_108 = arith.constant 0 : i32
        %dma_wait3A_109 = tpu.memref_slice %arg10[%add3A_91, %dma_wait3A_108] : memref<10240x128xf32, #tpu.memory_space<vmem_shared>> -> memref<64x128xf32, #tpu.memory_space<vmem_shared>>
        %dma_wait3A_110 = arith.constant 0 : i32
        %dma_wait3A_111 = arith.constant 0 : i32
        %dma_wait3A_112 = tpu.memref_slice %arg8[%dma_wait3A_110, %dma_wait3A_111] : memref<125x128xf32, #tpu.memory_space<vmem>> -> memref<64x128xf32, #tpu.memory_space<vmem>>
        tpu.wait_dma2 semaphore(%run_scoped3A_92 : memref<!tpu.dma_semaphore, #tpu.memory_space<semaphore_mem>>) src(%dma_wait3A_112 : memref<64x128xf32, #tpu.memory_space<vmem>>) dst(%dma_wait3A_109 : memref<64x128xf32, #tpu.memory_space<vmem_shared>>)
        tpu.yield
      }) : () -> ()
    }
    %scan3A_9 = arith.constant 10 : i32
    %barrier3A = arith.constant 0 : index
    tpu.barrier barrier_id(%barrier3A)
    "tpu.region"() ({
      %run_scoped3A_84 = tpu.sem_alloc : memref<!tpu.dma_semaphore, #tpu.memory_space<semaphore_mem>>
      %dma_start3A_85 = arith.constant 0 : i32
      %dma_start3A_86 = arith.constant 0 : i32
      %dma_start3A_87 = tpu.memref_slice %arg3[%arg0, %arg1, %dma_start3A_85, %dma_start3A_86] : memref<2x16x80x125xi32, #tpu.memory_space<hbm>> -> memref<1x1x40x125xi32, #tpu.memory_space<hbm>>
      %dma_start3A_88 = tpu.memref_squeeze %dma_start3A_87 : memref<1x1x40x125xi32, #tpu.memory_space<hbm>> -> memref<40x125xi32, #tpu.memory_space<hbm>>
      %dma_start3A_89 = arith.constant 0 : i32
      %dma_start3A_90 = arith.constant 0 : i32
      %dma_start3A_91 = tpu.memref_slice %arg3[%arg0, %arg1, %dma_start3A_89, %dma_start3A_90] : memref<2x16x80x125xi32, #tpu.memory_space<hbm>> -> memref<1x1x40x125xi32, #tpu.memory_space<hbm>>
      %dma_start3A_92 = tpu.memref_squeeze %dma_start3A_91 : memref<1x1x40x125xi32, #tpu.memory_space<hbm>> -> memref<40x125xi32, #tpu.memory_space<hbm>>
      tpu.enqueue_dma source(%dma_start3A_92 : memref<40x125xi32, #tpu.memory_space<hbm>>) target(%arg6 : memref<40x125xi32, #tpu.memory_space<vmem>>) target_semaphore(%run_scoped3A_84 : memref<!tpu.dma_semaphore, #tpu.memory_space<semaphore_mem>>)
      %dma_wait3A_93 = arith.constant 0 : i32
      %dma_wait3A_94 = arith.constant 0 : i32
      %dma_wait3A_95 = tpu.memref_slice %arg3[%arg0, %arg1, %dma_wait3A_93, %dma_wait3A_94] : memref<2x16x80x125xi32, #tpu.memory_space<hbm>> -> memref<1x1x40x125xi32, #tpu.memory_space<hbm>>
      %dma_wait3A_96 = tpu.memref_squeeze %dma_wait3A_95 : memref<1x1x40x125xi32, #tpu.memory_space<hbm>> -> memref<40x125xi32, #tpu.memory_space<hbm>>
      %dma_wait3A_97 = arith.constant 0 : i32
      %dma_wait3A_98 = arith.constant 0 : i32
      %dma_wait3A_99 = tpu.memref_slice %arg3[%arg0, %arg1, %dma_wait3A_97, %dma_wait3A_98] : memref<2x16x80x125xi32, #tpu.memory_space<hbm>> -> memref<1x1x40x125xi32, #tpu.memory_space<hbm>>
      %dma_wait3A_100 = tpu.memref_squeeze %dma_wait3A_99 : memref<1x1x40x125xi32, #tpu.memory_space<hbm>> -> memref<40x125xi32, #tpu.memory_space<hbm>>
      tpu.wait_dma2 semaphore(%run_scoped3A_84 : memref<!tpu.dma_semaphore, #tpu.memory_space<semaphore_mem>>) src(%dma_wait3A_100 : memref<40x125xi32, #tpu.memory_space<hbm>>) dst(%arg6 : memref<40x125xi32, #tpu.memory_space<vmem>>)
      tpu.yield
    }) : () -> ()
    "tpu.region"() ({
      %run_scoped3A_84 = tpu.sem_alloc : memref<!tpu.dma_semaphore, #tpu.memory_space<semaphore_mem>>
      %dma_start3A_85 = arith.constant 0 : i32
      %dma_start3A_86 = arith.constant 0 : i32
      %dma_start3A_87 = tpu.memref_slice %arg4[%arg1, %dma_start3A_85, %dma_start3A_86] : memref<16x80x125xi32, #tpu.memory_space<hbm>> -> memref<1x40x125xi32, #tpu.memory_space<hbm>>
      %dma_start3A_88 = tpu.memref_squeeze %dma_start3A_87 : memref<1x40x125xi32, #tpu.memory_space<hbm>> -> memref<40x125xi32, #tpu.memory_space<hbm>>
      %dma_start3A_89 = arith.constant 0 : i32
      %dma_start3A_90 = arith.constant 0 : i32
      %dma_start3A_91 = tpu.memref_slice %arg4[%arg1, %dma_start3A_89, %dma_start3A_90] : memref<16x80x125xi32, #tpu.memory_space<hbm>> -> memref<1x40x125xi32, #tpu.memory_space<hbm>>
      %dma_start3A_92 = tpu.memref_squeeze %dma_start3A_91 : memref<1x40x125xi32, #tpu.memory_space<hbm>> -> memref<40x125xi32, #tpu.memory_space<hbm>>
      tpu.enqueue_dma source(%dma_start3A_92 : memref<40x125xi32, #tpu.memory_space<hbm>>) target(%arg7 : memref<40x125xi32, #tpu.memory_space<vmem>>) target_semaphore(%run_scoped3A_84 : memref<!tpu.dma_semaphore, #tpu.memory_space<semaphore_mem>>)
      %dma_wait3A_93 = arith.constant 0 : i32
      %dma_wait3A_94 = arith.constant 0 : i32
      %dma_wait3A_95 = tpu.memref_slice %arg4[%arg1, %dma_wait3A_93, %dma_wait3A_94] : memref<16x80x125xi32, #tpu.memory_space<hbm>> -> memref<1x40x125xi32, #tpu.memory_space<hbm>>
      %dma_wait3A_96 = tpu.memref_squeeze %dma_wait3A_95 : memref<1x40x125xi32, #tpu.memory_space<hbm>> -> memref<40x125xi32, #tpu.memory_space<hbm>>
      %dma_wait3A_97 = arith.constant 0 : i32
      %dma_wait3A_98 = arith.constant 0 : i32
      %dma_wait3A_99 = tpu.memref_slice %arg4[%arg1, %dma_wait3A_97, %dma_wait3A_98] : memref<16x80x125xi32, #tpu.memory_space<hbm>> -> memref<1x40x125xi32, #tpu.memory_space<hbm>>
      %dma_wait3A_100 = tpu.memref_squeeze %dma_wait3A_99 : memref<1x40x125xi32, #tpu.memory_space<hbm>> -> memref<40x125xi32, #tpu.memory_space<hbm>>
      tpu.wait_dma2 semaphore(%run_scoped3A_84 : memref<!tpu.dma_semaphore, #tpu.memory_space<semaphore_mem>>) src(%dma_wait3A_100 : memref<40x125xi32, #tpu.memory_space<hbm>>) dst(%arg7 : memref<40x125xi32, #tpu.memory_space<vmem>>)
      tpu.yield
    }) : () -> ()
    %dma_start3A = arith.constant 0 : i32
    %dma_start3A_10 = arith.constant 0 : i32
    %dma_start3A_11 = tpu.memref_slice %arg6[%dma_start3A, %dma_start3A_10] : memref<40x125xi32, #tpu.memory_space<vmem>> -> memref<1x125xi32, #tpu.memory_space<vmem>>
    %dma_start3A_12 = tpu.memref_squeeze %dma_start3A_11 : memref<1x125xi32, #tpu.memory_space<vmem>> -> memref<125xi32, #tpu.memory_space<vmem>>
    %dma_start3A_13 = arith.constant 0 : i32
    %dma_start3A_14 = arith.constant 0 : i32
    %dma_start3A_15 = tpu.memref_slice %arg2[%dma_start3A_13, %dma_start3A_14] : memref<20000x128xf32, #tpu.memory_space<hbm>> -> memref<20000x128xf32, #tpu.memory_space<hbm>>
    tpu.enqueue_indirect_dma source(%dma_start3A_15 : memref<20000x128xf32, #tpu.memory_space<hbm>>) target(%arg8 : memref<125x128xf32, #tpu.memory_space<vmem>>) offsets(%dma_start3A_12 : memref<125xi32, #tpu.memory_space<vmem>>) semaphore(%arg11 : memref<!tpu.dma_semaphore, #tpu.memory_space<semaphore_mem>>)
    %scan3A_16 = arith.constant 0 : i32
    %scan3A_17 = arith.constant 19 : i32
    %scan3A_18 = arith.addi %scan3A_16, %scan3A_17 : i32
    %scan3A_19 = arith.constant 1 : i32
    scf.for %scan3A_84 = %scan3A_16 to %scan3A_18 step %scan3A_19  : i32 {
      %mul3A = arith.constant 1 : i32
      %mul3A_85 = arith.muli %scan3A_84, %mul3A : i32
      %add3A = arith.constant 0 : i32
      %add3A_86 = arith.addi %add3A, %mul3A_85 : i32
      %mul3A_87 = arith.constant 2 : i32
      %mul3A_88 = arith.muli %add3A_86, %mul3A_87 : i32
      %dma_wait3A_89 = arith.constant 0 : i32
      %dma_wait3A_90 = tpu.memref_slice %arg6[%mul3A_88, %dma_wait3A_89] : memref<40x125xi32, #tpu.memory_space<vmem>> -> memref<1x125xi32, #tpu.memory_space<vmem>>
      %dma_wait3A_91 = tpu.memref_squeeze %dma_wait3A_90 : memref<1x125xi32, #tpu.memory_space<vmem>> -> memref<125xi32, #tpu.memory_space<vmem>>
      %dma_wait3A_92 = arith.constant 0 : i32
      %dma_wait3A_93 = arith.constant 0 : i32
      %dma_wait3A_94 = tpu.memref_slice %arg2[%dma_wait3A_92, %dma_wait3A_93] : memref<20000x128xf32, #tpu.memory_space<hbm>> -> memref<20000x128xf32, #tpu.memory_space<hbm>>
      tpu.wait_indirect_dma semaphore(%arg11 : memref<!tpu.dma_semaphore, #tpu.memory_space<semaphore_mem>>) src(%dma_wait3A_94 : memref<20000x128xf32, #tpu.memory_space<hbm>>) dst(%arg8 : memref<125x128xf32, #tpu.memory_space<vmem>>)
      %add3A_95 = arith.constant 1 : i32
      %add3A_96 = arith.addi %mul3A_88, %add3A_95 : i32
      %dma_start3A_97 = arith.constant 0 : i32
      %dma_start3A_98 = tpu.memref_slice %arg6[%add3A_96, %dma_start3A_97] : memref<40x125xi32, #tpu.memory_space<vmem>> -> memref<1x125xi32, #tpu.memory_space<vmem>>
      %dma_start3A_99 = tpu.memref_squeeze %dma_start3A_98 : memref<1x125xi32, #tpu.memory_space<vmem>> -> memref<125xi32, #tpu.memory_space<vmem>>
      %dma_start3A_100 = arith.constant 0 : i32
      %dma_start3A_101 = arith.constant 0 : i32
      %dma_start3A_102 = tpu.memref_slice %arg2[%dma_start3A_100, %dma_start3A_101] : memref<20000x128xf32, #tpu.memory_space<hbm>> -> memref<20000x128xf32, #tpu.memory_space<hbm>>
      tpu.enqueue_indirect_dma source(%dma_start3A_102 : memref<20000x128xf32, #tpu.memory_space<hbm>>) target(%arg9 : memref<125x128xf32, #tpu.memory_space<vmem>>) offsets(%dma_start3A_99 : memref<125xi32, #tpu.memory_space<vmem>>) semaphore(%arg12 : memref<!tpu.dma_semaphore, #tpu.memory_space<semaphore_mem>>)
      "tpu.region"() ({
        %run_scoped3A_121 = tpu.sem_alloc : memref<!tpu.dma_semaphore, #tpu.memory_space<semaphore_mem>>
        %dma_start3A_122 = arith.constant 0 : i32
        %dma_start3A_123 = tpu.memref_slice %arg7[%mul3A_88, %dma_start3A_122] : memref<40x125xi32, #tpu.memory_space<vmem>> -> memref<1x125xi32, #tpu.memory_space<vmem>>
        %dma_start3A_124 = tpu.memref_squeeze %dma_start3A_123 : memref<1x125xi32, #tpu.memory_space<vmem>> -> memref<125xi32, #tpu.memory_space<vmem>>
        %dma_start3A_125 = arith.constant 0 : i32
        %dma_start3A_126 = arith.constant 0 : i32
        %dma_start3A_127 = tpu.memref_slice %arg10[%dma_start3A_125, %dma_start3A_126] : memref<10240x128xf32, #tpu.memory_space<vmem_shared>> -> memref<10240x128xf32, #tpu.memory_space<vmem_shared>>
        tpu.enqueue_indirect_dma source(%arg8 : memref<125x128xf32, #tpu.memory_space<vmem>>) target(%dma_start3A_127 : memref<10240x128xf32, #tpu.memory_space<vmem_shared>>) offsets(%dma_start3A_124 : memref<125xi32, #tpu.memory_space<vmem>>) semaphore(%run_scoped3A_121 : memref<!tpu.dma_semaphore, #tpu.memory_space<semaphore_mem>>) {add = true}
        %dma_wait3A_128 = arith.constant 0 : i32
        %dma_wait3A_129 = tpu.memref_slice %arg7[%mul3A_88, %dma_wait3A_128] : memref<40x125xi32, #tpu.memory_space<vmem>> -> memref<1x125xi32, #tpu.memory_space<vmem>>
        %dma_wait3A_130 = tpu.memref_squeeze %dma_wait3A_129 : memref<1x125xi32, #tpu.memory_space<vmem>> -> memref<125xi32, #tpu.memory_space<vmem>>
        %dma_wait3A_131 = arith.constant 0 : i32
        %dma_wait3A_132 = arith.constant 0 : i32
        %dma_wait3A_133 = tpu.memref_slice %arg10[%dma_wait3A_131, %dma_wait3A_132] : memref<10240x128xf32, #tpu.memory_space<vmem_shared>> -> memref<10240x128xf32, #tpu.memory_space<vmem_shared>>
        tpu.wait_indirect_dma semaphore(%run_scoped3A_121 : memref<!tpu.dma_semaphore, #tpu.memory_space<semaphore_mem>>) src(%arg8 : memref<125x128xf32, #tpu.memory_space<vmem>>) dst(%dma_wait3A_133 : memref<10240x128xf32, #tpu.memory_space<vmem_shared>>)
        tpu.yield
      }) : () -> ()
      %add3A_103 = arith.constant 1 : i32
      %add3A_104 = arith.addi %mul3A_88, %add3A_103 : i32
      %dma_wait3A_105 = arith.constant 0 : i32
      %dma_wait3A_106 = tpu.memref_slice %arg6[%add3A_104, %dma_wait3A_105] : memref<40x125xi32, #tpu.memory_space<vmem>> -> memref<1x125xi32, #tpu.memory_space<vmem>>
      %dma_wait3A_107 = tpu.memref_squeeze %dma_wait3A_106 : memref<1x125xi32, #tpu.memory_space<vmem>> -> memref<125xi32, #tpu.memory_space<vmem>>
      %dma_wait3A_108 = arith.constant 0 : i32
      %dma_wait3A_109 = arith.constant 0 : i32
      %dma_wait3A_110 = tpu.memref_slice %arg2[%dma_wait3A_108, %dma_wait3A_109] : memref<20000x128xf32, #tpu.memory_space<hbm>> -> memref<20000x128xf32, #tpu.memory_space<hbm>>
      tpu.wait_indirect_dma semaphore(%arg12 : memref<!tpu.dma_semaphore, #tpu.memory_space<semaphore_mem>>) src(%dma_wait3A_110 : memref<20000x128xf32, #tpu.memory_space<hbm>>) dst(%arg9 : memref<125x128xf32, #tpu.memory_space<vmem>>)
      %add3A_111 = arith.constant 2 : i32
      %add3A_112 = arith.addi %mul3A_88, %add3A_111 : i32
      %dma_start3A_113 = arith.constant 0 : i32
      %dma_start3A_114 = tpu.memref_slice %arg6[%add3A_112, %dma_start3A_113] : memref<40x125xi32, #tpu.memory_space<vmem>> -> memref<1x125xi32, #tpu.memory_space<vmem>>
      %dma_start3A_115 = tpu.memref_squeeze %dma_start3A_114 : memref<1x125xi32, #tpu.memory_space<vmem>> -> memref<125xi32, #tpu.memory_space<vmem>>
      %dma_start3A_116 = arith.constant 0 : i32
      %dma_start3A_117 = arith.constant 0 : i32
      %dma_start3A_118 = tpu.memref_slice %arg2[%dma_start3A_116, %dma_start3A_117] : memref<20000x128xf32, #tpu.memory_space<hbm>> -> memref<20000x128xf32, #tpu.memory_space<hbm>>
      tpu.enqueue_indirect_dma source(%dma_start3A_118 : memref<20000x128xf32, #tpu.memory_space<hbm>>) target(%arg8 : memref<125x128xf32, #tpu.memory_space<vmem>>) offsets(%dma_start3A_115 : memref<125xi32, #tpu.memory_space<vmem>>) semaphore(%arg11 : memref<!tpu.dma_semaphore, #tpu.memory_space<semaphore_mem>>)
      %add3A_119 = arith.constant 1 : i32
      %add3A_120 = arith.addi %mul3A_88, %add3A_119 : i32
      "tpu.region"() ({
        %run_scoped3A_121 = tpu.sem_alloc : memref<!tpu.dma_semaphore, #tpu.memory_space<semaphore_mem>>
        %dma_start3A_122 = arith.constant 0 : i32
        %dma_start3A_123 = tpu.memref_slice %arg7[%add3A_120, %dma_start3A_122] : memref<40x125xi32, #tpu.memory_space<vmem>> -> memref<1x125xi32, #tpu.memory_space<vmem>>
        %dma_start3A_124 = tpu.memref_squeeze %dma_start3A_123 : memref<1x125xi32, #tpu.memory_space<vmem>> -> memref<125xi32, #tpu.memory_space<vmem>>
        %dma_start3A_125 = arith.constant 0 : i32
        %dma_start3A_126 = arith.constant 0 : i32
        %dma_start3A_127 = tpu.memref_slice %arg10[%dma_start3A_125, %dma_start3A_126] : memref<10240x128xf32, #tpu.memory_space<vmem_shared>> -> memref<10240x128xf32, #tpu.memory_space<vmem_shared>>
        tpu.enqueue_indirect_dma source(%arg9 : memref<125x128xf32, #tpu.memory_space<vmem>>) target(%dma_start3A_127 : memref<10240x128xf32, #tpu.memory_space<vmem_shared>>) offsets(%dma_start3A_124 : memref<125xi32, #tpu.memory_space<vmem>>) semaphore(%run_scoped3A_121 : memref<!tpu.dma_semaphore, #tpu.memory_space<semaphore_mem>>) {add = true}
        %dma_wait3A_128 = arith.constant 0 : i32
        %dma_wait3A_129 = tpu.memref_slice %arg7[%add3A_120, %dma_wait3A_128] : memref<40x125xi32, #tpu.memory_space<vmem>> -> memref<1x125xi32, #tpu.memory_space<vmem>>
        %dma_wait3A_130 = tpu.memref_squeeze %dma_wait3A_129 : memref<1x125xi32, #tpu.memory_space<vmem>> -> memref<125xi32, #tpu.memory_space<vmem>>
        %dma_wait3A_131 = arith.constant 0 : i32
        %dma_wait3A_132 = arith.constant 0 : i32
        %dma_wait3A_133 = tpu.memref_slice %arg10[%dma_wait3A_131, %dma_wait3A_132] : memref<10240x128xf32, #tpu.memory_space<vmem_shared>> -> memref<10240x128xf32, #tpu.memory_space<vmem_shared>>
        tpu.wait_indirect_dma semaphore(%run_scoped3A_121 : memref<!tpu.dma_semaphore, #tpu.memory_space<semaphore_mem>>) src(%arg9 : memref<125x128xf32, #tpu.memory_space<vmem>>) dst(%dma_wait3A_133 : memref<10240x128xf32, #tpu.memory_space<vmem_shared>>)
        tpu.yield
      }) : () -> ()
    }
    %scan3A_20 = arith.constant 19 : i32
    %dma_wait3A = arith.constant 38 : i32
    %dma_wait3A_21 = arith.constant 0 : i32
    %dma_wait3A_22 = tpu.memref_slice %arg6[%dma_wait3A, %dma_wait3A_21] : memref<40x125xi32, #tpu.memory_space<vmem>> -> memref<1x125xi32, #tpu.memory_space<vmem>>
    %dma_wait3A_23 = tpu.memref_squeeze %dma_wait3A_22 : memref<1x125xi32, #tpu.memory_space<vmem>> -> memref<125xi32, #tpu.memory_space<vmem>>
    %dma_wait3A_24 = arith.constant 0 : i32
    %dma_wait3A_25 = arith.constant 0 : i32
    %dma_wait3A_26 = tpu.memref_slice %arg2[%dma_wait3A_24, %dma_wait3A_25] : memref<20000x128xf32, #tpu.memory_space<hbm>> -> memref<20000x128xf32, #tpu.memory_space<hbm>>
    tpu.wait_indirect_dma semaphore(%arg11 : memref<!tpu.dma_semaphore, #tpu.memory_space<semaphore_mem>>) src(%dma_wait3A_26 : memref<20000x128xf32, #tpu.memory_space<hbm>>) dst(%arg8 : memref<125x128xf32, #tpu.memory_space<vmem>>)
    %dma_start3A_27 = arith.constant 39 : i32
    %dma_start3A_28 = arith.constant 0 : i32
    %dma_start3A_29 = tpu.memref_slice %arg6[%dma_start3A_27, %dma_start3A_28] : memref<40x125xi32, #tpu.memory_space<vmem>> -> memref<1x125xi32, #tpu.memory_space<vmem>>
    %dma_start3A_30 = tpu.memref_squeeze %dma_start3A_29 : memref<1x125xi32, #tpu.memory_space<vmem>> -> memref<125xi32, #tpu.memory_space<vmem>>
    %dma_start3A_31 = arith.constant 0 : i32
    %dma_start3A_32 = arith.constant 0 : i32
    %dma_start3A_33 = tpu.memref_slice %arg2[%dma_start3A_31, %dma_start3A_32] : memref<20000x128xf32, #tpu.memory_space<hbm>> -> memref<20000x128xf32, #tpu.memory_space<hbm>>
    tpu.enqueue_indirect_dma source(%dma_start3A_33 : memref<20000x128xf32, #tpu.memory_space<hbm>>) target(%arg9 : memref<125x128xf32, #tpu.memory_space<vmem>>) offsets(%dma_start3A_30 : memref<125xi32, #tpu.memory_space<vmem>>) semaphore(%arg12 : memref<!tpu.dma_semaphore, #tpu.memory_space<semaphore_mem>>)
    %run_scoped3A = arith.constant 38 : i32
    "tpu.region"() ({
      %run_scoped3A_84 = tpu.sem_alloc : memref<!tpu.dma_semaphore, #tpu.memory_space<semaphore_mem>>
      %dma_start3A_85 = arith.constant 0 : i32
      %dma_start3A_86 = tpu.memref_slice %arg7[%run_scoped3A, %dma_start3A_85] : memref<40x125xi32, #tpu.memory_space<vmem>> -> memref<1x125xi32, #tpu.memory_space<vmem>>
      %dma_start3A_87 = tpu.memref_squeeze %dma_start3A_86 : memref<1x125xi32, #tpu.memory_space<vmem>> -> memref<125xi32, #tpu.memory_space<vmem>>
      %dma_start3A_88 = arith.constant 0 : i32
      %dma_start3A_89 = arith.constant 0 : i32
      %dma_start3A_90 = tpu.memref_slice %arg10[%dma_start3A_88, %dma_start3A_89] : memref<10240x128xf32, #tpu.memory_space<vmem_shared>> -> memref<10240x128xf32, #tpu.memory_space<vmem_shared>>
      tpu.enqueue_indirect_dma source(%arg8 : memref<125x128xf32, #tpu.memory_space<vmem>>) target(%dma_start3A_90 : memref<10240x128xf32, #tpu.memory_space<vmem_shared>>) offsets(%dma_start3A_87 : memref<125xi32, #tpu.memory_space<vmem>>) semaphore(%run_scoped3A_84 : memref<!tpu.dma_semaphore, #tpu.memory_space<semaphore_mem>>) {add = true}
      %dma_wait3A_91 = arith.constant 0 : i32
      %dma_wait3A_92 = tpu.memref_slice %arg7[%run_scoped3A, %dma_wait3A_91] : memref<40x125xi32, #tpu.memory_space<vmem>> -> memref<1x125xi32, #tpu.memory_space<vmem>>
      %dma_wait3A_93 = tpu.memref_squeeze %dma_wait3A_92 : memref<1x125xi32, #tpu.memory_space<vmem>> -> memref<125xi32, #tpu.memory_space<vmem>>
      %dma_wait3A_94 = arith.constant 0 : i32
      %dma_wait3A_95 = arith.constant 0 : i32
      %dma_wait3A_96 = tpu.memref_slice %arg10[%dma_wait3A_94, %dma_wait3A_95] : memref<10240x128xf32, #tpu.memory_space<vmem_shared>> -> memref<10240x128xf32, #tpu.memory_space<vmem_shared>>
      tpu.wait_indirect_dma semaphore(%run_scoped3A_84 : memref<!tpu.dma_semaphore, #tpu.memory_space<semaphore_mem>>) src(%arg8 : memref<125x128xf32, #tpu.memory_space<vmem>>) dst(%dma_wait3A_96 : memref<10240x128xf32, #tpu.memory_space<vmem_shared>>)
      tpu.yield
    }) : () -> ()
    %dma_wait3A_34 = arith.constant 39 : i32
    %dma_wait3A_35 = arith.constant 0 : i32
    %dma_wait3A_36 = tpu.memref_slice %arg6[%dma_wait3A_34, %dma_wait3A_35] : memref<40x125xi32, #tpu.memory_space<vmem>> -> memref<1x125xi32, #tpu.memory_space<vmem>>
    %dma_wait3A_37 = tpu.memref_squeeze %dma_wait3A_36 : memref<1x125xi32, #tpu.memory_space<vmem>> -> memref<125xi32, #tpu.memory_space<vmem>>
    %dma_wait3A_38 = arith.constant 0 : i32
    %dma_wait3A_39 = arith.constant 0 : i32
    %dma_wait3A_40 = tpu.memref_slice %arg2[%dma_wait3A_38, %dma_wait3A_39] : memref<20000x128xf32, #tpu.memory_space<hbm>> -> memref<20000x128xf32, #tpu.memory_space<hbm>>
    tpu.wait_indirect_dma semaphore(%arg12 : memref<!tpu.dma_semaphore, #tpu.memory_space<semaphore_mem>>) src(%dma_wait3A_40 : memref<20000x128xf32, #tpu.memory_space<hbm>>) dst(%arg9 : memref<125x128xf32, #tpu.memory_space<vmem>>)
    %run_scoped3A_41 = arith.constant 39 : i32
    "tpu.region"() ({
      %run_scoped3A_84 = tpu.sem_alloc : memref<!tpu.dma_semaphore, #tpu.memory_space<semaphore_mem>>
      %dma_start3A_85 = arith.constant 0 : i32
      %dma_start3A_86 = tpu.memref_slice %arg7[%run_scoped3A_41, %dma_start3A_85] : memref<40x125xi32, #tpu.memory_space<vmem>> -> memref<1x125xi32, #tpu.memory_space<vmem>>
      %dma_start3A_87 = tpu.memref_squeeze %dma_start3A_86 : memref<1x125xi32, #tpu.memory_space<vmem>> -> memref<125xi32, #tpu.memory_space<vmem>>
      %dma_start3A_88 = arith.constant 0 : i32
      %dma_start3A_89 = arith.constant 0 : i32
      %dma_start3A_90 = tpu.memref_slice %arg10[%dma_start3A_88, %dma_start3A_89] : memref<10240x128xf32, #tpu.memory_space<vmem_shared>> -> memref<10240x128xf32, #tpu.memory_space<vmem_shared>>
      tpu.enqueue_indirect_dma source(%arg9 : memref<125x128xf32, #tpu.memory_space<vmem>>) target(%dma_start3A_90 : memref<10240x128xf32, #tpu.memory_space<vmem_shared>>) offsets(%dma_start3A_87 : memref<125xi32, #tpu.memory_space<vmem>>) semaphore(%run_scoped3A_84 : memref<!tpu.dma_semaphore, #tpu.memory_space<semaphore_mem>>) {add = true}
      %dma_wait3A_91 = arith.constant 0 : i32
      %dma_wait3A_92 = tpu.memref_slice %arg7[%run_scoped3A_41, %dma_wait3A_91] : memref<40x125xi32, #tpu.memory_space<vmem>> -> memref<1x125xi32, #tpu.memory_space<vmem>>
      %dma_wait3A_93 = tpu.memref_squeeze %dma_wait3A_92 : memref<1x125xi32, #tpu.memory_space<vmem>> -> memref<125xi32, #tpu.memory_space<vmem>>
      %dma_wait3A_94 = arith.constant 0 : i32
      %dma_wait3A_95 = arith.constant 0 : i32
      %dma_wait3A_96 = tpu.memref_slice %arg10[%dma_wait3A_94, %dma_wait3A_95] : memref<10240x128xf32, #tpu.memory_space<vmem_shared>> -> memref<10240x128xf32, #tpu.memory_space<vmem_shared>>
      tpu.wait_indirect_dma semaphore(%run_scoped3A_84 : memref<!tpu.dma_semaphore, #tpu.memory_space<semaphore_mem>>) src(%arg9 : memref<125x128xf32, #tpu.memory_space<vmem>>) dst(%dma_wait3A_96 : memref<10240x128xf32, #tpu.memory_space<vmem_shared>>)
      tpu.yield
    }) : () -> ()
    "tpu.region"() ({
      %run_scoped3A_84 = tpu.sem_alloc : memref<!tpu.dma_semaphore, #tpu.memory_space<semaphore_mem>>
      %dma_start3A_85 = arith.constant 40 : i32
      %dma_start3A_86 = arith.constant 0 : i32
      %dma_start3A_87 = tpu.memref_slice %arg3[%arg0, %arg1, %dma_start3A_85, %dma_start3A_86] : memref<2x16x80x125xi32, #tpu.memory_space<hbm>> -> memref<1x1x40x125xi32, #tpu.memory_space<hbm>>
      %dma_start3A_88 = tpu.memref_squeeze %dma_start3A_87 : memref<1x1x40x125xi32, #tpu.memory_space<hbm>> -> memref<40x125xi32, #tpu.memory_space<hbm>>
      %dma_start3A_89 = arith.constant 40 : i32
      %dma_start3A_90 = arith.constant 0 : i32
      %dma_start3A_91 = tpu.memref_slice %arg3[%arg0, %arg1, %dma_start3A_89, %dma_start3A_90] : memref<2x16x80x125xi32, #tpu.memory_space<hbm>> -> memref<1x1x40x125xi32, #tpu.memory_space<hbm>>
      %dma_start3A_92 = tpu.memref_squeeze %dma_start3A_91 : memref<1x1x40x125xi32, #tpu.memory_space<hbm>> -> memref<40x125xi32, #tpu.memory_space<hbm>>
      tpu.enqueue_dma source(%dma_start3A_92 : memref<40x125xi32, #tpu.memory_space<hbm>>) target(%arg6 : memref<40x125xi32, #tpu.memory_space<vmem>>) target_semaphore(%run_scoped3A_84 : memref<!tpu.dma_semaphore, #tpu.memory_space<semaphore_mem>>)
      %dma_wait3A_93 = arith.constant 40 : i32
      %dma_wait3A_94 = arith.constant 0 : i32
      %dma_wait3A_95 = tpu.memref_slice %arg3[%arg0, %arg1, %dma_wait3A_93, %dma_wait3A_94] : memref<2x16x80x125xi32, #tpu.memory_space<hbm>> -> memref<1x1x40x125xi32, #tpu.memory_space<hbm>>
      %dma_wait3A_96 = tpu.memref_squeeze %dma_wait3A_95 : memref<1x1x40x125xi32, #tpu.memory_space<hbm>> -> memref<40x125xi32, #tpu.memory_space<hbm>>
      %dma_wait3A_97 = arith.constant 40 : i32
      %dma_wait3A_98 = arith.constant 0 : i32
      %dma_wait3A_99 = tpu.memref_slice %arg3[%arg0, %arg1, %dma_wait3A_97, %dma_wait3A_98] : memref<2x16x80x125xi32, #tpu.memory_space<hbm>> -> memref<1x1x40x125xi32, #tpu.memory_space<hbm>>
      %dma_wait3A_100 = tpu.memref_squeeze %dma_wait3A_99 : memref<1x1x40x125xi32, #tpu.memory_space<hbm>> -> memref<40x125xi32, #tpu.memory_space<hbm>>
      tpu.wait_dma2 semaphore(%run_scoped3A_84 : memref<!tpu.dma_semaphore, #tpu.memory_space<semaphore_mem>>) src(%dma_wait3A_100 : memref<40x125xi32, #tpu.memory_space<hbm>>) dst(%arg6 : memref<40x125xi32, #tpu.memory_space<vmem>>)
      tpu.yield
    }) : () -> ()
    "tpu.region"() ({
      %run_scoped3A_84 = tpu.sem_alloc : memref<!tpu.dma_semaphore, #tpu.memory_space<semaphore_mem>>
      %dma_start3A_85 = arith.constant 40 : i32
      %dma_start3A_86 = arith.constant 0 : i32
      %dma_start3A_87 = tpu.memref_slice %arg4[%arg1, %dma_start3A_85, %dma_start3A_86] : memref<16x80x125xi32, #tpu.memory_space<hbm>> -> memref<1x40x125xi32, #tpu.memory_space<hbm>>
      %dma_start3A_88 = tpu.memref_squeeze %dma_start3A_87 : memref<1x40x125xi32, #tpu.memory_space<hbm>> -> memref<40x125xi32, #tpu.memory_space<hbm>>
      %dma_start3A_89 = arith.constant 40 : i32
      %dma_start3A_90 = arith.constant 0 : i32
      %dma_start3A_91 = tpu.memref_slice %arg4[%arg1, %dma_start3A_89, %dma_start3A_90] : memref<16x80x125xi32, #tpu.memory_space<hbm>> -> memref<1x40x125xi32, #tpu.memory_space<hbm>>
      %dma_start3A_92 = tpu.memref_squeeze %dma_start3A_91 : memref<1x40x125xi32, #tpu.memory_space<hbm>> -> memref<40x125xi32, #tpu.memory_space<hbm>>
      tpu.enqueue_dma source(%dma_start3A_92 : memref<40x125xi32, #tpu.memory_space<hbm>>) target(%arg7 : memref<40x125xi32, #tpu.memory_space<vmem>>) target_semaphore(%run_scoped3A_84 : memref<!tpu.dma_semaphore, #tpu.memory_space<semaphore_mem>>)
      %dma_wait3A_93 = arith.constant 40 : i32
      %dma_wait3A_94 = arith.constant 0 : i32
      %dma_wait3A_95 = tpu.memref_slice %arg4[%arg1, %dma_wait3A_93, %dma_wait3A_94] : memref<16x80x125xi32, #tpu.memory_space<hbm>> -> memref<1x40x125xi32, #tpu.memory_space<hbm>>
      %dma_wait3A_96 = tpu.memref_squeeze %dma_wait3A_95 : memref<1x40x125xi32, #tpu.memory_space<hbm>> -> memref<40x125xi32, #tpu.memory_space<hbm>>
      %dma_wait3A_97 = arith.constant 40 : i32
      %dma_wait3A_98 = arith.constant 0 : i32
      %dma_wait3A_99 = tpu.memref_slice %arg4[%arg1, %dma_wait3A_97, %dma_wait3A_98] : memref<16x80x125xi32, #tpu.memory_space<hbm>> -> memref<1x40x125xi32, #tpu.memory_space<hbm>>
      %dma_wait3A_100 = tpu.memref_squeeze %dma_wait3A_99 : memref<1x40x125xi32, #tpu.memory_space<hbm>> -> memref<40x125xi32, #tpu.memory_space<hbm>>
      tpu.wait_dma2 semaphore(%run_scoped3A_84 : memref<!tpu.dma_semaphore, #tpu.memory_space<semaphore_mem>>) src(%dma_wait3A_100 : memref<40x125xi32, #tpu.memory_space<hbm>>) dst(%arg7 : memref<40x125xi32, #tpu.memory_space<vmem>>)
      tpu.yield
    }) : () -> ()
    %dma_start3A_42 = arith.constant 0 : i32
    %dma_start3A_43 = arith.constant 0 : i32
    %dma_start3A_44 = tpu.memref_slice %arg6[%dma_start3A_42, %dma_start3A_43] : memref<40x125xi32, #tpu.memory_space<vmem>> -> memref<1x125xi32, #tpu.memory_space<vmem>>
    %dma_start3A_45 = tpu.memref_squeeze %dma_start3A_44 : memref<1x125xi32, #tpu.memory_space<vmem>> -> memref<125xi32, #tpu.memory_space<vmem>>
    %dma_start3A_46 = arith.constant 0 : i32
    %dma_start3A_47 = arith.constant 0 : i32
    %dma_start3A_48 = tpu.memref_slice %arg2[%dma_start3A_46, %dma_start3A_47] : memref<20000x128xf32, #tpu.memory_space<hbm>> -> memref<20000x128xf32, #tpu.memory_space<hbm>>
    tpu.enqueue_indirect_dma source(%dma_start3A_48 : memref<20000x128xf32, #tpu.memory_space<hbm>>) target(%arg8 : memref<125x128xf32, #tpu.memory_space<vmem>>) offsets(%dma_start3A_45 : memref<125xi32, #tpu.memory_space<vmem>>) semaphore(%arg11 : memref<!tpu.dma_semaphore, #tpu.memory_space<semaphore_mem>>)
    %scan3A_49 = arith.constant 0 : i32
    %scan3A_50 = arith.constant 19 : i32
    %scan3A_51 = arith.addi %scan3A_49, %scan3A_50 : i32
    %scan3A_52 = arith.constant 1 : i32
    scf.for %scan3A_84 = %scan3A_49 to %scan3A_51 step %scan3A_52  : i32 {
      %mul3A = arith.constant 1 : i32
      %mul3A_85 = arith.muli %scan3A_84, %mul3A : i32
      %add3A = arith.constant 0 : i32
      %add3A_86 = arith.addi %add3A, %mul3A_85 : i32
      %mul3A_87 = arith.constant 2 : i32
      %mul3A_88 = arith.muli %add3A_86, %mul3A_87 : i32
      %dma_wait3A_89 = arith.constant 0 : i32
      %dma_wait3A_90 = tpu.memref_slice %arg6[%mul3A_88, %dma_wait3A_89] : memref<40x125xi32, #tpu.memory_space<vmem>> -> memref<1x125xi32, #tpu.memory_space<vmem>>
      %dma_wait3A_91 = tpu.memref_squeeze %dma_wait3A_90 : memref<1x125xi32, #tpu.memory_space<vmem>> -> memref<125xi32, #tpu.memory_space<vmem>>
      %dma_wait3A_92 = arith.constant 0 : i32
      %dma_wait3A_93 = arith.constant 0 : i32
      %dma_wait3A_94 = tpu.memref_slice %arg2[%dma_wait3A_92, %dma_wait3A_93] : memref<20000x128xf32, #tpu.memory_space<hbm>> -> memref<20000x128xf32, #tpu.memory_space<hbm>>
      tpu.wait_indirect_dma semaphore(%arg11 : memref<!tpu.dma_semaphore, #tpu.memory_space<semaphore_mem>>) src(%dma_wait3A_94 : memref<20000x128xf32, #tpu.memory_space<hbm>>) dst(%arg8 : memref<125x128xf32, #tpu.memory_space<vmem>>)
      %add3A_95 = arith.constant 1 : i32
      %add3A_96 = arith.addi %mul3A_88, %add3A_95 : i32
      %dma_start3A_97 = arith.constant 0 : i32
      %dma_start3A_98 = tpu.memref_slice %arg6[%add3A_96, %dma_start3A_97] : memref<40x125xi32, #tpu.memory_space<vmem>> -> memref<1x125xi32, #tpu.memory_space<vmem>>
      %dma_start3A_99 = tpu.memref_squeeze %dma_start3A_98 : memref<1x125xi32, #tpu.memory_space<vmem>> -> memref<125xi32, #tpu.memory_space<vmem>>
      %dma_start3A_100 = arith.constant 0 : i32
      %dma_start3A_101 = arith.constant 0 : i32
      %dma_start3A_102 = tpu.memref_slice %arg2[%dma_start3A_100, %dma_start3A_101] : memref<20000x128xf32, #tpu.memory_space<hbm>> -> memref<20000x128xf32, #tpu.memory_space<hbm>>
      tpu.enqueue_indirect_dma source(%dma_start3A_102 : memref<20000x128xf32, #tpu.memory_space<hbm>>) target(%arg9 : memref<125x128xf32, #tpu.memory_space<vmem>>) offsets(%dma_start3A_99 : memref<125xi32, #tpu.memory_space<vmem>>) semaphore(%arg12 : memref<!tpu.dma_semaphore, #tpu.memory_space<semaphore_mem>>)
      "tpu.region"() ({
        %run_scoped3A_121 = tpu.sem_alloc : memref<!tpu.dma_semaphore, #tpu.memory_space<semaphore_mem>>
        %dma_start3A_122 = arith.constant 0 : i32
        %dma_start3A_123 = tpu.memref_slice %arg7[%mul3A_88, %dma_start3A_122] : memref<40x125xi32, #tpu.memory_space<vmem>> -> memref<1x125xi32, #tpu.memory_space<vmem>>
        %dma_start3A_124 = tpu.memref_squeeze %dma_start3A_123 : memref<1x125xi32, #tpu.memory_space<vmem>> -> memref<125xi32, #tpu.memory_space<vmem>>
        %dma_start3A_125 = arith.constant 0 : i32
        %dma_start3A_126 = arith.constant 0 : i32
        %dma_start3A_127 = tpu.memref_slice %arg10[%dma_start3A_125, %dma_start3A_126] : memref<10240x128xf32, #tpu.memory_space<vmem_shared>> -> memref<10240x128xf32, #tpu.memory_space<vmem_shared>>
        tpu.enqueue_indirect_dma source(%arg8 : memref<125x128xf32, #tpu.memory_space<vmem>>) target(%dma_start3A_127 : memref<10240x128xf32, #tpu.memory_space<vmem_shared>>) offsets(%dma_start3A_124 : memref<125xi32, #tpu.memory_space<vmem>>) semaphore(%run_scoped3A_121 : memref<!tpu.dma_semaphore, #tpu.memory_space<semaphore_mem>>) {add = true}
        %dma_wait3A_128 = arith.constant 0 : i32
        %dma_wait3A_129 = tpu.memref_slice %arg7[%mul3A_88, %dma_wait3A_128] : memref<40x125xi32, #tpu.memory_space<vmem>> -> memref<1x125xi32, #tpu.memory_space<vmem>>
        %dma_wait3A_130 = tpu.memref_squeeze %dma_wait3A_129 : memref<1x125xi32, #tpu.memory_space<vmem>> -> memref<125xi32, #tpu.memory_space<vmem>>
        %dma_wait3A_131 = arith.constant 0 : i32
        %dma_wait3A_132 = arith.constant 0 : i32
        %dma_wait3A_133 = tpu.memref_slice %arg10[%dma_wait3A_131, %dma_wait3A_132] : memref<10240x128xf32, #tpu.memory_space<vmem_shared>> -> memref<10240x128xf32, #tpu.memory_space<vmem_shared>>
        tpu.wait_indirect_dma semaphore(%run_scoped3A_121 : memref<!tpu.dma_semaphore, #tpu.memory_space<semaphore_mem>>) src(%arg8 : memref<125x128xf32, #tpu.memory_space<vmem>>) dst(%dma_wait3A_133 : memref<10240x128xf32, #tpu.memory_space<vmem_shared>>)
        tpu.yield
      }) : () -> ()
      %add3A_103 = arith.constant 1 : i32
      %add3A_104 = arith.addi %mul3A_88, %add3A_103 : i32
      %dma_wait3A_105 = arith.constant 0 : i32
      %dma_wait3A_106 = tpu.memref_slice %arg6[%add3A_104, %dma_wait3A_105] : memref<40x125xi32, #tpu.memory_space<vmem>> -> memref<1x125xi32, #tpu.memory_space<vmem>>
      %dma_wait3A_107 = tpu.memref_squeeze %dma_wait3A_106 : memref<1x125xi32, #tpu.memory_space<vmem>> -> memref<125xi32, #tpu.memory_space<vmem>>
      %dma_wait3A_108 = arith.constant 0 : i32
      %dma_wait3A_109 = arith.constant 0 : i32
      %dma_wait3A_110 = tpu.memref_slice %arg2[%dma_wait3A_108, %dma_wait3A_109] : memref<20000x128xf32, #tpu.memory_space<hbm>> -> memref<20000x128xf32, #tpu.memory_space<hbm>>
      tpu.wait_indirect_dma semaphore(%arg12 : memref<!tpu.dma_semaphore, #tpu.memory_space<semaphore_mem>>) src(%dma_wait3A_110 : memref<20000x128xf32, #tpu.memory_space<hbm>>) dst(%arg9 : memref<125x128xf32, #tpu.memory_space<vmem>>)
      %add3A_111 = arith.constant 2 : i32
      %add3A_112 = arith.addi %mul3A_88, %add3A_111 : i32
      %dma_start3A_113 = arith.constant 0 : i32
      %dma_start3A_114 = tpu.memref_slice %arg6[%add3A_112, %dma_start3A_113] : memref<40x125xi32, #tpu.memory_space<vmem>> -> memref<1x125xi32, #tpu.memory_space<vmem>>
      %dma_start3A_115 = tpu.memref_squeeze %dma_start3A_114 : memref<1x125xi32, #tpu.memory_space<vmem>> -> memref<125xi32, #tpu.memory_space<vmem>>
      %dma_start3A_116 = arith.constant 0 : i32
      %dma_start3A_117 = arith.constant 0 : i32
      %dma_start3A_118 = tpu.memref_slice %arg2[%dma_start3A_116, %dma_start3A_117] : memref<20000x128xf32, #tpu.memory_space<hbm>> -> memref<20000x128xf32, #tpu.memory_space<hbm>>
      tpu.enqueue_indirect_dma source(%dma_start3A_118 : memref<20000x128xf32, #tpu.memory_space<hbm>>) target(%arg8 : memref<125x128xf32, #tpu.memory_space<vmem>>) offsets(%dma_start3A_115 : memref<125xi32, #tpu.memory_space<vmem>>) semaphore(%arg11 : memref<!tpu.dma_semaphore, #tpu.memory_space<semaphore_mem>>)
      %add3A_119 = arith.constant 1 : i32
      %add3A_120 = arith.addi %mul3A_88, %add3A_119 : i32
      "tpu.region"() ({
        %run_scoped3A_121 = tpu.sem_alloc : memref<!tpu.dma_semaphore, #tpu.memory_space<semaphore_mem>>
        %dma_start3A_122 = arith.constant 0 : i32
        %dma_start3A_123 = tpu.memref_slice %arg7[%add3A_120, %dma_start3A_122] : memref<40x125xi32, #tpu.memory_space<vmem>> -> memref<1x125xi32, #tpu.memory_space<vmem>>
        %dma_start3A_124 = tpu.memref_squeeze %dma_start3A_123 : memref<1x125xi32, #tpu.memory_space<vmem>> -> memref<125xi32, #tpu.memory_space<vmem>>
        %dma_start3A_125 = arith.constant 0 : i32
        %dma_start3A_126 = arith.constant 0 : i32
        %dma_start3A_127 = tpu.memref_slice %arg10[%dma_start3A_125, %dma_start3A_126] : memref<10240x128xf32, #tpu.memory_space<vmem_shared>> -> memref<10240x128xf32, #tpu.memory_space<vmem_shared>>
        tpu.enqueue_indirect_dma source(%arg9 : memref<125x128xf32, #tpu.memory_space<vmem>>) target(%dma_start3A_127 : memref<10240x128xf32, #tpu.memory_space<vmem_shared>>) offsets(%dma_start3A_124 : memref<125xi32, #tpu.memory_space<vmem>>) semaphore(%run_scoped3A_121 : memref<!tpu.dma_semaphore, #tpu.memory_space<semaphore_mem>>) {add = true}
        %dma_wait3A_128 = arith.constant 0 : i32
        %dma_wait3A_129 = tpu.memref_slice %arg7[%add3A_120, %dma_wait3A_128] : memref<40x125xi32, #tpu.memory_space<vmem>> -> memref<1x125xi32, #tpu.memory_space<vmem>>
        %dma_wait3A_130 = tpu.memref_squeeze %dma_wait3A_129 : memref<1x125xi32, #tpu.memory_space<vmem>> -> memref<125xi32, #tpu.memory_space<vmem>>
        %dma_wait3A_131 = arith.constant 0 : i32
        %dma_wait3A_132 = arith.constant 0 : i32
        %dma_wait3A_133 = tpu.memref_slice %arg10[%dma_wait3A_131, %dma_wait3A_132] : memref<10240x128xf32, #tpu.memory_space<vmem_shared>> -> memref<10240x128xf32, #tpu.memory_space<vmem_shared>>
        tpu.wait_indirect_dma semaphore(%run_scoped3A_121 : memref<!tpu.dma_semaphore, #tpu.memory_space<semaphore_mem>>) src(%arg9 : memref<125x128xf32, #tpu.memory_space<vmem>>) dst(%dma_wait3A_133 : memref<10240x128xf32, #tpu.memory_space<vmem_shared>>)
        tpu.yield
      }) : () -> ()
    }
    %scan3A_53 = arith.constant 19 : i32
    %dma_wait3A_54 = arith.constant 38 : i32
    %dma_wait3A_55 = arith.constant 0 : i32
    %dma_wait3A_56 = tpu.memref_slice %arg6[%dma_wait3A_54, %dma_wait3A_55] : memref<40x125xi32, #tpu.memory_space<vmem>> -> memref<1x125xi32, #tpu.memory_space<vmem>>
    %dma_wait3A_57 = tpu.memref_squeeze %dma_wait3A_56 : memref<1x125xi32, #tpu.memory_space<vmem>> -> memref<125xi32, #tpu.memory_space<vmem>>
    %dma_wait3A_58 = arith.constant 0 : i32
    %dma_wait3A_59 = arith.constant 0 : i32
    %dma_wait3A_60 = tpu.memref_slice %arg2[%dma_wait3A_58, %dma_wait3A_59] : memref<20000x128xf32, #tpu.memory_space<hbm>> -> memref<20000x128xf32, #tpu.memory_space<hbm>>
    tpu.wait_indirect_dma semaphore(%arg11 : memref<!tpu.dma_semaphore, #tpu.memory_space<semaphore_mem>>) src(%dma_wait3A_60 : memref<20000x128xf32, #tpu.memory_space<hbm>>) dst(%arg8 : memref<125x128xf32, #tpu.memory_space<vmem>>)
    %dma_start3A_61 = arith.constant 39 : i32
    %dma_start3A_62 = arith.constant 0 : i32
    %dma_start3A_63 = tpu.memref_slice %arg6[%dma_start3A_61, %dma_start3A_62] : memref<40x125xi32, #tpu.memory_space<vmem>> -> memref<1x125xi32, #tpu.memory_space<vmem>>
    %dma_start3A_64 = tpu.memref_squeeze %dma_start3A_63 : memref<1x125xi32, #tpu.memory_space<vmem>> -> memref<125xi32, #tpu.memory_space<vmem>>
    %dma_start3A_65 = arith.constant 0 : i32
    %dma_start3A_66 = arith.constant 0 : i32
    %dma_start3A_67 = tpu.memref_slice %arg2[%dma_start3A_65, %dma_start3A_66] : memref<20000x128xf32, #tpu.memory_space<hbm>> -> memref<20000x128xf32, #tpu.memory_space<hbm>>
    tpu.enqueue_indirect_dma source(%dma_start3A_67 : memref<20000x128xf32, #tpu.memory_space<hbm>>) target(%arg9 : memref<125x128xf32, #tpu.memory_space<vmem>>) offsets(%dma_start3A_64 : memref<125xi32, #tpu.memory_space<vmem>>) semaphore(%arg12 : memref<!tpu.dma_semaphore, #tpu.memory_space<semaphore_mem>>)
    %run_scoped3A_68 = arith.constant 38 : i32
    "tpu.region"() ({
      %run_scoped3A_84 = tpu.sem_alloc : memref<!tpu.dma_semaphore, #tpu.memory_space<semaphore_mem>>
      %dma_start3A_85 = arith.constant 0 : i32
      %dma_start3A_86 = tpu.memref_slice %arg7[%run_scoped3A_68, %dma_start3A_85] : memref<40x125xi32, #tpu.memory_space<vmem>> -> memref<1x125xi32, #tpu.memory_space<vmem>>
      %dma_start3A_87 = tpu.memref_squeeze %dma_start3A_86 : memref<1x125xi32, #tpu.memory_space<vmem>> -> memref<125xi32, #tpu.memory_space<vmem>>
      %dma_start3A_88 = arith.constant 0 : i32
      %dma_start3A_89 = arith.constant 0 : i32
      %dma_start3A_90 = tpu.memref_slice %arg10[%dma_start3A_88, %dma_start3A_89] : memref<10240x128xf32, #tpu.memory_space<vmem_shared>> -> memref<10240x128xf32, #tpu.memory_space<vmem_shared>>
      tpu.enqueue_indirect_dma source(%arg8 : memref<125x128xf32, #tpu.memory_space<vmem>>) target(%dma_start3A_90 : memref<10240x128xf32, #tpu.memory_space<vmem_shared>>) offsets(%dma_start3A_87 : memref<125xi32, #tpu.memory_space<vmem>>) semaphore(%run_scoped3A_84 : memref<!tpu.dma_semaphore, #tpu.memory_space<semaphore_mem>>) {add = true}
      %dma_wait3A_91 = arith.constant 0 : i32
      %dma_wait3A_92 = tpu.memref_slice %arg7[%run_scoped3A_68, %dma_wait3A_91] : memref<40x125xi32, #tpu.memory_space<vmem>> -> memref<1x125xi32, #tpu.memory_space<vmem>>
      %dma_wait3A_93 = tpu.memref_squeeze %dma_wait3A_92 : memref<1x125xi32, #tpu.memory_space<vmem>> -> memref<125xi32, #tpu.memory_space<vmem>>
      %dma_wait3A_94 = arith.constant 0 : i32
      %dma_wait3A_95 = arith.constant 0 : i32
      %dma_wait3A_96 = tpu.memref_slice %arg10[%dma_wait3A_94, %dma_wait3A_95] : memref<10240x128xf32, #tpu.memory_space<vmem_shared>> -> memref<10240x128xf32, #tpu.memory_space<vmem_shared>>
      tpu.wait_indirect_dma semaphore(%run_scoped3A_84 : memref<!tpu.dma_semaphore, #tpu.memory_space<semaphore_mem>>) src(%arg8 : memref<125x128xf32, #tpu.memory_space<vmem>>) dst(%dma_wait3A_96 : memref<10240x128xf32, #tpu.memory_space<vmem_shared>>)
      tpu.yield
    }) : () -> ()
    %dma_wait3A_69 = arith.constant 39 : i32
    %dma_wait3A_70 = arith.constant 0 : i32
    %dma_wait3A_71 = tpu.memref_slice %arg6[%dma_wait3A_69, %dma_wait3A_70] : memref<40x125xi32, #tpu.memory_space<vmem>> -> memref<1x125xi32, #tpu.memory_space<vmem>>
    %dma_wait3A_72 = tpu.memref_squeeze %dma_wait3A_71 : memref<1x125xi32, #tpu.memory_space<vmem>> -> memref<125xi32, #tpu.memory_space<vmem>>
    %dma_wait3A_73 = arith.constant 0 : i32
    %dma_wait3A_74 = arith.constant 0 : i32
    %dma_wait3A_75 = tpu.memref_slice %arg2[%dma_wait3A_73, %dma_wait3A_74] : memref<20000x128xf32, #tpu.memory_space<hbm>> -> memref<20000x128xf32, #tpu.memory_space<hbm>>
    tpu.wait_indirect_dma semaphore(%arg12 : memref<!tpu.dma_semaphore, #tpu.memory_space<semaphore_mem>>) src(%dma_wait3A_75 : memref<20000x128xf32, #tpu.memory_space<hbm>>) dst(%arg9 : memref<125x128xf32, #tpu.memory_space<vmem>>)
    %run_scoped3A_76 = arith.constant 39 : i32
    "tpu.region"() ({
      %run_scoped3A_84 = tpu.sem_alloc : memref<!tpu.dma_semaphore, #tpu.memory_space<semaphore_mem>>
      %dma_start3A_85 = arith.constant 0 : i32
      %dma_start3A_86 = tpu.memref_slice %arg7[%run_scoped3A_76, %dma_start3A_85] : memref<40x125xi32, #tpu.memory_space<vmem>> -> memref<1x125xi32, #tpu.memory_space<vmem>>
      %dma_start3A_87 = tpu.memref_squeeze %dma_start3A_86 : memref<1x125xi32, #tpu.memory_space<vmem>> -> memref<125xi32, #tpu.memory_space<vmem>>
      %dma_start3A_88 = arith.constant 0 : i32
      %dma_start3A_89 = arith.constant 0 : i32
      %dma_start3A_90 = tpu.memref_slice %arg10[%dma_start3A_88, %dma_start3A_89] : memref<10240x128xf32, #tpu.memory_space<vmem_shared>> -> memref<10240x128xf32, #tpu.memory_space<vmem_shared>>
      tpu.enqueue_indirect_dma source(%arg9 : memref<125x128xf32, #tpu.memory_space<vmem>>) target(%dma_start3A_90 : memref<10240x128xf32, #tpu.memory_space<vmem_shared>>) offsets(%dma_start3A_87 : memref<125xi32, #tpu.memory_space<vmem>>) semaphore(%run_scoped3A_84 : memref<!tpu.dma_semaphore, #tpu.memory_space<semaphore_mem>>) {add = true}
      %dma_wait3A_91 = arith.constant 0 : i32
      %dma_wait3A_92 = tpu.memref_slice %arg7[%run_scoped3A_76, %dma_wait3A_91] : memref<40x125xi32, #tpu.memory_space<vmem>> -> memref<1x125xi32, #tpu.memory_space<vmem>>
      %dma_wait3A_93 = tpu.memref_squeeze %dma_wait3A_92 : memref<1x125xi32, #tpu.memory_space<vmem>> -> memref<125xi32, #tpu.memory_space<vmem>>
      %dma_wait3A_94 = arith.constant 0 : i32
      %dma_wait3A_95 = arith.constant 0 : i32
      %dma_wait3A_96 = tpu.memref_slice %arg10[%dma_wait3A_94, %dma_wait3A_95] : memref<10240x128xf32, #tpu.memory_space<vmem_shared>> -> memref<10240x128xf32, #tpu.memory_space<vmem_shared>>
      tpu.wait_indirect_dma semaphore(%run_scoped3A_84 : memref<!tpu.dma_semaphore, #tpu.memory_space<semaphore_mem>>) src(%arg9 : memref<125x128xf32, #tpu.memory_space<vmem>>) dst(%dma_wait3A_96 : memref<10240x128xf32, #tpu.memory_space<vmem_shared>>)
      tpu.yield
    }) : () -> ()
    %barrier3A_77 = arith.constant 0 : index
    tpu.barrier barrier_id(%barrier3A_77)
    %lt3A = arith.constant 15 : i32
    %lt3A_78 = arith.cmpi slt, %arg1, %lt3A : i32
    %convert_element_type3A = arith.extui %lt3A_78 : i1 to i32
    %cond3A = arith.constant 0 : i32
    %cond3A_79 = arith.cmpi ne, %convert_element_type3A, %cond3A : i32
    scf.if %cond3A_79 {
      %mul3A = arith.constant 624 : i32
      %mul3A_84 = arith.muli %arg1, %mul3A : i32
      %mul3A_85 = arith.constant 10000 : i32
      %mul3A_86 = arith.muli %arg0, %mul3A_85 : i32
      %mul3A_87 = arith.constant 624 : i32
      %mul3A_88 = arith.muli %arg1, %mul3A_87 : i32
      %add3A = arith.addi %mul3A_86, %mul3A_88 : i32
      "tpu.region"() ({
        %run_scoped3A_89 = tpu.sem_alloc : memref<!tpu.dma_semaphore, #tpu.memory_space<semaphore_mem>>
        %dma_start3A_90 = arith.constant 0 : i32
        %dma_start3A_91 = tpu.memref_slice %arg5[%add3A, %dma_start3A_90] : memref<20000x128xf32, #tpu.memory_space<hbm>> -> memref<624x128xf32, #tpu.memory_space<hbm>>
        %dma_start3A_92 = arith.constant 0 : i32
        %dma_start3A_93 = tpu.memref_slice %arg10[%mul3A_84, %dma_start3A_92] : memref<10240x128xf32, #tpu.memory_space<vmem_shared>> -> memref<624x128xf32, #tpu.memory_space<vmem_shared>>
        tpu.enqueue_dma source(%dma_start3A_93 : memref<624x128xf32, #tpu.memory_space<vmem_shared>>) target(%dma_start3A_91 : memref<624x128xf32, #tpu.memory_space<hbm>>) target_semaphore(%run_scoped3A_89 : memref<!tpu.dma_semaphore, #tpu.memory_space<semaphore_mem>>)
        %dma_wait3A_94 = arith.constant 0 : i32
        %dma_wait3A_95 = tpu.memref_slice %arg5[%add3A, %dma_wait3A_94] : memref<20000x128xf32, #tpu.memory_space<hbm>> -> memref<624x128xf32, #tpu.memory_space<hbm>>
        %dma_wait3A_96 = arith.constant 0 : i32
        %dma_wait3A_97 = tpu.memref_slice %arg10[%mul3A_84, %dma_wait3A_96] : memref<10240x128xf32, #tpu.memory_space<vmem_shared>> -> memref<624x128xf32, #tpu.memory_space<vmem_shared>>
        tpu.wait_dma2 semaphore(%run_scoped3A_89 : memref<!tpu.dma_semaphore, #tpu.memory_space<semaphore_mem>>) src(%dma_wait3A_97 : memref<624x128xf32, #tpu.memory_space<vmem_shared>>) dst(%dma_wait3A_95 : memref<624x128xf32, #tpu.memory_space<hbm>>)
        tpu.yield
      }) : () -> ()
    } else {
    }
    %eq3A = arith.constant 15 : i32
    %eq3A_80 = arith.cmpi eq, %arg1, %eq3A : i32
    %convert_element_type3A_81 = arith.extui %eq3A_80 : i1 to i32
    %cond3A_82 = arith.constant 0 : i32
    %cond3A_83 = arith.cmpi ne, %convert_element_type3A_81, %cond3A_82 : i32
    scf.if %cond3A_83 {
      %mul3A = arith.constant 10000 : i32
      %mul3A_84 = arith.muli %arg0, %mul3A : i32
      %add3A = arith.constant 9360 : i32
      %add3A_85 = arith.addi %mul3A_84, %add3A : i32
      "tpu.region"() ({
        %run_scoped3A_86 = tpu.sem_alloc : memref<!tpu.dma_semaphore, #tpu.memory_space<semaphore_mem>>
        %dma_start3A_87 = arith.constant 0 : i32
        %dma_start3A_88 = tpu.memref_slice %arg5[%add3A_85, %dma_start3A_87] : memref<20000x128xf32, #tpu.memory_space<hbm>> -> memref<640x128xf32, #tpu.memory_space<hbm>>
        %dma_start3A_89 = arith.constant 9360 : i32
        %dma_start3A_90 = arith.constant 0 : i32
        %dma_start3A_91 = tpu.memref_slice %arg10[%dma_start3A_89, %dma_start3A_90] : memref<10240x128xf32, #tpu.memory_space<vmem_shared>> -> memref<640x128xf32, #tpu.memory_space<vmem_shared>>
        tpu.enqueue_dma source(%dma_start3A_91 : memref<640x128xf32, #tpu.memory_space<vmem_shared>>) target(%dma_start3A_88 : memref<640x128xf32, #tpu.memory_space<hbm>>) target_semaphore(%run_scoped3A_86 : memref<!tpu.dma_semaphore, #tpu.memory_space<semaphore_mem>>)
        %dma_wait3A_92 = arith.constant 0 : i32
        %dma_wait3A_93 = tpu.memref_slice %arg5[%add3A_85, %dma_wait3A_92] : memref<20000x128xf32, #tpu.memory_space<hbm>> -> memref<640x128xf32, #tpu.memory_space<hbm>>
        %dma_wait3A_94 = arith.constant 9360 : i32
        %dma_wait3A_95 = arith.constant 0 : i32
        %dma_wait3A_96 = tpu.memref_slice %arg10[%dma_wait3A_94, %dma_wait3A_95] : memref<10240x128xf32, #tpu.memory_space<vmem_shared>> -> memref<640x128xf32, #tpu.memory_space<vmem_shared>>
        tpu.wait_dma2 semaphore(%run_scoped3A_86 : memref<!tpu.dma_semaphore, #tpu.memory_space<semaphore_mem>>) src(%dma_wait3A_96 : memref<640x128xf32, #tpu.memory_space<vmem_shared>>) dst(%dma_wait3A_93 : memref<640x128xf32, #tpu.memory_space<hbm>>)
        tpu.yield
      }) : () -> ()
    } else {
    }
    return
  }
}

#map = affine_map<(d0, d1) -> (0, 0)>
#map1 = affine_map<(d0, d1) -> (0, 0, 0, 0)>
#map2 = affine_map<(d0, d1) -> (0, 0, 0)>
module attributes {stable_mosaic.version = 14 : i64} {
  func.func @_segsum_body(%arg0: i32, %arg1: i32, %arg2: memref<20000x128xf32, #tpu.memory_space<hbm>>, %arg3: memref<2x16x80x125xi32, #tpu.memory_space<hbm>>, %arg4: memref<16x80x125xi32, #tpu.memory_space<hbm>>, %arg5: memref<20000x128xf32, #tpu.memory_space<hbm>>, %arg6: memref<40x125xi32, #tpu.memory_space<vmem>>, %arg7: memref<40x125xi32, #tpu.memory_space<vmem>>, %arg8: memref<125x128xf32, #tpu.memory_space<vmem>>, %arg9: memref<125x128xf32, #tpu.memory_space<vmem>>, %arg10: memref<10240x128xf32, #tpu.memory_space<vmem_shared>>, %arg11: memref<!tpu.dma_semaphore, #tpu.memory_space<semaphore_mem>>, %arg12: memref<!tpu.dma_semaphore, #tpu.memory_space<semaphore_mem>>) attributes {dimension_semantics = [#tpu.dimension_semantics<core_parallel>, #tpu.dimension_semantics<subcore_parallel>], iteration_bounds = array<i64: 2, 16>, scalar_prefetch = 0 : i64, scratch_operands = 7 : i64, tpu.core_type = #tpu.core_type<sc_vector_subcore>, window_params = [{transform_indices = #map}, {transform_indices = #map1}, {transform_indices = #map2}, {transform_indices = #map}]} {
    %broadcast_in_dim3A = arith.constant 0.000000e+00 : f32
    %broadcast_in_dim3A_0 = vector.broadcast %broadcast_in_dim3A : f32 to vector<16xf32>
    %scan3A = arith.constant 0 : i32
    %scan3A_1 = arith.constant 64 : i32
    %scan3A_2 = arith.addi %scan3A, %scan3A_1 : i32
    %scan3A_3 = arith.constant 1 : i32
    scf.for %scan3A_84 = %scan3A to %scan3A_2 step %scan3A_3  : i32 {
      %mul3A = arith.constant 1 : i32
      %mul3A_85 = arith.muli %scan3A_84, %mul3A : i32
      %add3A = arith.constant 0 : i32
      %add3A_86 = arith.addi %add3A, %mul3A_85 : i32
      %swap3A = arith.index_cast %add3A_86 : i32 to index
      %swap3A_87 = arith.constant 0 : index
      %swap3A_88 = tpu.vector_load %arg8[%swap3A, %swap3A_87] {strides = array<i32>} : memref<125x128xf32, #tpu.memory_space<vmem>>, vector<1x16xf32>,
      %swap3A_89 = vector.shape_cast %swap3A_88 : vector<1x16xf32> to vector<16xf32>
      %swap3A_90 = vector.shape_cast %broadcast_in_dim3A_0 : vector<16xf32> to vector<1x16xf32>
      tpu.vector_store %arg8[%swap3A, %swap3A_87], %swap3A_90 {strides = array<i32>} : memref<125x128xf32, #tpu.memory_space<vmem>>, vector<1x16xf32>,
      %swap3A_91 = arith.index_cast %add3A_86 : i32 to index
      %swap3A_92 = arith.constant 16 : index
      %swap3A_93 = tpu.vector_load %arg8[%swap3A_91, %swap3A_92] {strides = array<i32>} : memref<125x128xf32, #tpu.memory_space<vmem>>, vector<1x16xf32>,
      %swap3A_94 = vector.shape_cast %swap3A_93 : vector<1x16xf32> to vector<16xf32>
      %swap3A_95 = vector.shape_cast %broadcast_in_dim3A_0 : vector<16xf32> to vector<1x16xf32>
      tpu.vector_store %arg8[%swap3A_91, %swap3A_92], %swap3A_95 {strides = array<i32>} : memref<125x128xf32, #tpu.memory_space<vmem>>, vector<1x16xf32>,
      %swap3A_96 = arith.index_cast %add3A_86 : i32 to index
      %swap3A_97 = arith.constant 32 : index
      %swap3A_98 = tpu.vector_load %arg8[%swap3A_96, %swap3A_97] {strides = array<i32>} : memref<125x128xf32, #tpu.memory_space<vmem>>, vector<1x16xf32>,
      %swap3A_99 = vector.shape_cast %swap3A_98 : vector<1x16xf32> to vector<16xf32>
      %swap3A_100 = vector.shape_cast %broadcast_in_dim3A_0 : vector<16xf32> to vector<1x16xf32>
      tpu.vector_store %arg8[%swap3A_96, %swap3A_97], %swap3A_100 {strides = array<i32>} : memref<125x128xf32, #tpu.memory_space<vmem>>, vector<1x16xf32>,
      %swap3A_101 = arith.index_cast %add3A_86 : i32 to index
      %swap3A_102 = arith.constant 48 : index
      %swap3A_103 = tpu.vector_load %arg8[%swap3A_101, %swap3A_102] {strides = array<i32>} : memref<125x128xf32, #tpu.memory_space<vmem>>, vector<1x16xf32>,
      %swap3A_104 = vector.shape_cast %swap3A_103 : vector<1x16xf32> to vector<16xf32>
      %swap3A_105 = vector.shape_cast %broadcast_in_dim3A_0 : vector<16xf32> to vector<1x16xf32>
      tpu.vector_store %arg8[%swap3A_101, %swap3A_102], %swap3A_105 {strides = array<i32>} : memref<125x128xf32, #tpu.memory_space<vmem>>, vector<1x16xf32>,
      %swap3A_106 = arith.index_cast %add3A_86 : i32 to index
      %swap3A_107 = arith.constant 64 : index
      %swap3A_108 = tpu.vector_load %arg8[%swap3A_106, %swap3A_107] {strides = array<i32>} : memref<125x128xf32, #tpu.memory_space<vmem>>, vector<1x16xf32>,
      %swap3A_109 = vector.shape_cast %swap3A_108 : vector<1x16xf32> to vector<16xf32>
      %swap3A_110 = vector.shape_cast %broadcast_in_dim3A_0 : vector<16xf32> to vector<1x16xf32>
      tpu.vector_store %arg8[%swap3A_106, %swap3A_107], %swap3A_110 {strides = array<i32>} : memref<125x128xf32, #tpu.memory_space<vmem>>, vector<1x16xf32>,
      %swap3A_111 = arith.index_cast %add3A_86 : i32 to index
      %swap3A_112 = arith.constant 80 : index
      %swap3A_113 = tpu.vector_load %arg8[%swap3A_111, %swap3A_112] {strides = array<i32>} : memref<125x128xf32, #tpu.memory_space<vmem>>, vector<1x16xf32>,
      %swap3A_114 = vector.shape_cast %swap3A_113 : vector<1x16xf32> to vector<16xf32>
      %swap3A_115 = vector.shape_cast %broadcast_in_dim3A_0 : vector<16xf32> to vector<1x16xf32>
      tpu.vector_store %arg8[%swap3A_111, %swap3A_112], %swap3A_115 {strides = array<i32>} : memref<125x128xf32, #tpu.memory_space<vmem>>, vector<1x16xf32>,
      %swap3A_116 = arith.index_cast %add3A_86 : i32 to index
      %swap3A_117 = arith.constant 96 : index
      %swap3A_118 = tpu.vector_load %arg8[%swap3A_116, %swap3A_117] {strides = array<i32>} : memref<125x128xf32, #tpu.memory_space<vmem>>, vector<1x16xf32>,
      %swap3A_119 = vector.shape_cast %swap3A_118 : vector<1x16xf32> to vector<16xf32>
      %swap3A_120 = vector.shape_cast %broadcast_in_dim3A_0 : vector<16xf32> to vector<1x16xf32>
      tpu.vector_store %arg8[%swap3A_116, %swap3A_117], %swap3A_120 {strides = array<i32>} : memref<125x128xf32, #tpu.memory_space<vmem>>, vector<1x16xf32>,
      %swap3A_121 = arith.index_cast %add3A_86 : i32 to index
      %swap3A_122 = arith.constant 112 : index
      %swap3A_123 = tpu.vector_load %arg8[%swap3A_121, %swap3A_122] {strides = array<i32>} : memref<125x128xf32, #tpu.memory_space<vmem>>, vector<1x16xf32>,
      %swap3A_124 = vector.shape_cast %swap3A_123 : vector<1x16xf32> to vector<16xf32>
      %swap3A_125 = vector.shape_cast %broadcast_in_dim3A_0 : vector<16xf32> to vector<1x16xf32>
      tpu.vector_store %arg8[%swap3A_121, %swap3A_122], %swap3A_125 {strides = array<i32>} : memref<125x128xf32, #tpu.memory_space<vmem>>, vector<1x16xf32>,
    }
    %scan3A_4 = arith.constant 64 : i32
    %scan3A_5 = arith.constant 0 : i32
    %scan3A_6 = arith.constant 10 : i32
    %scan3A_7 = arith.addi %scan3A_5, %scan3A_6 : i32
    %scan3A_8 = arith.constant 1 : i32
    scf.for %scan3A_84 = %scan3A_5 to %scan3A_7 step %scan3A_8  : i32 {
      %mul3A = arith.constant 1 : i32
      %mul3A_85 = arith.muli %scan3A_84, %mul3A : i32
      %add3A = arith.constant 0 : i32
      %add3A_86 = arith.addi %add3A, %mul3A_85 : i32
      %mul3A_87 = arith.constant 640 : i32
      %mul3A_88 = arith.muli %arg1, %mul3A_87 : i32
      %mul3A_89 = arith.constant 64 : i32
      %mul3A_90 = arith.muli %add3A_86, %mul3A_89 : i32
      %add3A_91 = arith.addi %mul3A_88, %mul3A_90 : i32
      "tpu.region"() ({
        %run_scoped3A_92 = tpu.sem_alloc : memref<!tpu.dma_semaphore, #tpu.memory_space<semaphore_mem>>
        %dma_start3A_93 = arith.constant 0 : i32
        %dma_start3A_94 = arith.constant 0 : i32
        %dma_start3A_95 = tpu.memref_slice %arg8[%dma_start3A_93, %dma_start3A_94] : memref<125x128xf32, #tpu.memory_space<vmem>> -> memref<64x128xf32, #tpu.memory_space<vmem>>
        %dma_start3A_96 = arith.constant 0 : i32
        %dma_start3A_97 = tpu.memref_slice %arg10[%add3A_91, %dma_start3A_96] : memref<10240x128xf32, #tpu.memory_space<vmem_shared>> -> memref<64x128xf32, #tpu.memory_space<vmem_shared>>
        %dma_start3A_98 = arith.constant 0 : i32
        %dma_start3A_99 = tpu.memref_slice %arg10[%add3A_91, %dma_start3A_98] : memref<10240x128xf32, #tpu.memory_space<vmem_shared>> -> memref<64x128xf32, #tpu.memory_space<vmem_shared>>
        %dma_start3A_100 = arith.constant 0 : i32
        %dma_start3A_101 = arith.constant 0 : i32
        %dma_start3A_102 = tpu.memref_slice %arg8[%dma_start3A_100, %dma_start3A_101] : memref<125x128xf32, #tpu.memory_space<vmem>> -> memref<64x128xf32, #tpu.memory_space<vmem>>
        tpu.enqueue_dma source(%dma_start3A_102 : memref<64x128xf32, #tpu.memory_space<vmem>>) target(%dma_start3A_99 : memref<64x128xf32, #tpu.memory_space<vmem_shared>>) target_semaphore(%run_scoped3A_92 : memref<!tpu.dma_semaphore, #tpu.memory_space<semaphore_mem>>)
        %dma_wait3A_103 = arith.constant 0 : i32
        %dma_wait3A_104 = arith.constant 0 : i32
        %dma_wait3A_105 = tpu.memref_slice %arg8[%dma_wait3A_103, %dma_wait3A_104] : memref<125x128xf32, #tpu.memory_space<vmem>> -> memref<64x128xf32, #tpu.memory_space<vmem>>
        %dma_wait3A_106 = arith.constant 0 : i32
        %dma_wait3A_107 = tpu.memref_slice %arg10[%add3A_91, %dma_wait3A_106] : memref<10240x128xf32, #tpu.memory_space<vmem_shared>> -> memref<64x128xf32, #tpu.memory_space<vmem_shared>>
        %dma_wait3A_108 = arith.constant 0 : i32
        %dma_wait3A_109 = tpu.memref_slice %arg10[%add3A_91, %dma_wait3A_108] : memref<10240x128xf32, #tpu.memory_space<vmem_shared>> -> memref<64x128xf32, #tpu.memory_space<vmem_shared>>
        %dma_wait3A_110 = arith.constant 0 : i32
        %dma_wait3A_111 = arith.constant 0 : i32
        %dma_wait3A_112 = tpu.memref_slice %arg8[%dma_wait3A_110, %dma_wait3A_111] : memref<125x128xf32, #tpu.memory_space<vmem>> -> memref<64x128xf32, #tpu.memory_space<vmem>>
        tpu.wait_dma2 semaphore(%run_scoped3A_92 : memref<!tpu.dma_semaphore, #tpu.memory_space<semaphore_mem>>) src(%dma_wait3A_112 : memref<64x128xf32, #tpu.memory_space<vmem>>) dst(%dma_wait3A_109 : memref<64x128xf32, #tpu.memory_space<vmem_shared>>)
        tpu.yield
      }) : () -> ()
    }
    %scan3A_9 = arith.constant 10 : i32
    %barrier3A = arith.constant 0 : index
    tpu.barrier barrier_id(%barrier3A)
    "tpu.region"() ({
      %run_scoped3A_84 = tpu.sem_alloc : memref<!tpu.dma_semaphore, #tpu.memory_space<semaphore_mem>>
      %dma_start3A_85 = arith.constant 0 : i32
      %dma_start3A_86 = arith.constant 0 : i32
      %dma_start3A_87 = tpu.memref_slice %arg3[%arg0, %arg1, %dma_start3A_85, %dma_start3A_86] : memref<2x16x80x125xi32, #tpu.memory_space<hbm>> -> memref<1x1x40x125xi32, #tpu.memory_space<hbm>>
      %dma_start3A_88 = tpu.memref_squeeze %dma_start3A_87 : memref<1x1x40x125xi32, #tpu.memory_space<hbm>> -> memref<40x125xi32, #tpu.memory_space<hbm>>
      %dma_start3A_89 = arith.constant 0 : i32
      %dma_start3A_90 = arith.constant 0 : i32
      %dma_start3A_91 = tpu.memref_slice %arg3[%arg0, %arg1, %dma_start3A_89, %dma_start3A_90] : memref<2x16x80x125xi32, #tpu.memory_space<hbm>> -> memref<1x1x40x125xi32, #tpu.memory_space<hbm>>
      %dma_start3A_92 = tpu.memref_squeeze %dma_start3A_91 : memref<1x1x40x125xi32, #tpu.memory_space<hbm>> -> memref<40x125xi32, #tpu.memory_space<hbm>>
      tpu.enqueue_dma source(%dma_start3A_92 : memref<40x125xi32, #tpu.memory_space<hbm>>) target(%arg6 : memref<40x125xi32, #tpu.memory_space<vmem>>) target_semaphore(%run_scoped3A_84 : memref<!tpu.dma_semaphore, #tpu.memory_space<semaphore_mem>>)
      %dma_wait3A_93 = arith.constant 0 : i32
      %dma_wait3A_94 = arith.constant 0 : i32
      %dma_wait3A_95 = tpu.memref_slice %arg3[%arg0, %arg1, %dma_wait3A_93, %dma_wait3A_94] : memref<2x16x80x125xi32, #tpu.memory_space<hbm>> -> memref<1x1x40x125xi32, #tpu.memory_space<hbm>>
      %dma_wait3A_96 = tpu.memref_squeeze %dma_wait3A_95 : memref<1x1x40x125xi32, #tpu.memory_space<hbm>> -> memref<40x125xi32, #tpu.memory_space<hbm>>
      %dma_wait3A_97 = arith.constant 0 : i32
      %dma_wait3A_98 = arith.constant 0 : i32
      %dma_wait3A_99 = tpu.memref_slice %arg3[%arg0, %arg1, %dma_wait3A_97, %dma_wait3A_98] : memref<2x16x80x125xi32, #tpu.memory_space<hbm>> -> memref<1x1x40x125xi32, #tpu.memory_space<hbm>>
      %dma_wait3A_100 = tpu.memref_squeeze %dma_wait3A_99 : memref<1x1x40x125xi32, #tpu.memory_space<hbm>> -> memref<40x125xi32, #tpu.memory_space<hbm>>
      tpu.wait_dma2 semaphore(%run_scoped3A_84 : memref<!tpu.dma_semaphore, #tpu.memory_space<semaphore_mem>>) src(%dma_wait3A_100 : memref<40x125xi32, #tpu.memory_space<hbm>>) dst(%arg6 : memref<40x125xi32, #tpu.memory_space<vmem>>)
      tpu.yield
    }) : () -> ()
    "tpu.region"() ({
      %run_scoped3A_84 = tpu.sem_alloc : memref<!tpu.dma_semaphore, #tpu.memory_space<semaphore_mem>>
      %dma_start3A_85 = arith.constant 0 : i32
      %dma_start3A_86 = arith.constant 0 : i32
      %dma_start3A_87 = tpu.memref_slice %arg4[%arg1, %dma_start3A_85, %dma_start3A_86] : memref<16x80x125xi32, #tpu.memory_space<hbm>> -> memref<1x40x125xi32, #tpu.memory_space<hbm>>
      %dma_start3A_88 = tpu.memref_squeeze %dma_start3A_87 : memref<1x40x125xi32, #tpu.memory_space<hbm>> -> memref<40x125xi32, #tpu.memory_space<hbm>>
      %dma_start3A_89 = arith.constant 0 : i32
      %dma_start3A_90 = arith.constant 0 : i32
      %dma_start3A_91 = tpu.memref_slice %arg4[%arg1, %dma_start3A_89, %dma_start3A_90] : memref<16x80x125xi32, #tpu.memory_space<hbm>> -> memref<1x40x125xi32, #tpu.memory_space<hbm>>
      %dma_start3A_92 = tpu.memref_squeeze %dma_start3A_91 : memref<1x40x125xi32, #tpu.memory_space<hbm>> -> memref<40x125xi32, #tpu.memory_space<hbm>>
      tpu.enqueue_dma source(%dma_start3A_92 : memref<40x125xi32, #tpu.memory_space<hbm>>) target(%arg7 : memref<40x125xi32, #tpu.memory_space<vmem>>) target_semaphore(%run_scoped3A_84 : memref<!tpu.dma_semaphore, #tpu.memory_space<semaphore_mem>>)
      %dma_wait3A_93 = arith.constant 0 : i32
      %dma_wait3A_94 = arith.constant 0 : i32
      %dma_wait3A_95 = tpu.memref_slice %arg4[%arg1, %dma_wait3A_93, %dma_wait3A_94] : memref<16x80x125xi32, #tpu.memory_space<hbm>> -> memref<1x40x125xi32, #tpu.memory_space<hbm>>
      %dma_wait3A_96 = tpu.memref_squeeze %dma_wait3A_95 : memref<1x40x125xi32, #tpu.memory_space<hbm>> -> memref<40x125xi32, #tpu.memory_space<hbm>>
      %dma_wait3A_97 = arith.constant 0 : i32
      %dma_wait3A_98 = arith.constant 0 : i32
      %dma_wait3A_99 = tpu.memref_slice %arg4[%arg1, %dma_wait3A_97, %dma_wait3A_98] : memref<16x80x125xi32, #tpu.memory_space<hbm>> -> memref<1x40x125xi32, #tpu.memory_space<hbm>>
      %dma_wait3A_100 = tpu.memref_squeeze %dma_wait3A_99 : memref<1x40x125xi32, #tpu.memory_space<hbm>> -> memref<40x125xi32, #tpu.memory_space<hbm>>
      tpu.wait_dma2 semaphore(%run_scoped3A_84 : memref<!tpu.dma_semaphore, #tpu.memory_space<semaphore_mem>>) src(%dma_wait3A_100 : memref<40x125xi32, #tpu.memory_space<hbm>>) dst(%arg7 : memref<40x125xi32, #tpu.memory_space<vmem>>)
      tpu.yield
    }) : () -> ()
    %dma_start3A = arith.constant 0 : i32
    %dma_start3A_10 = arith.constant 0 : i32
    %dma_start3A_11 = tpu.memref_slice %arg6[%dma_start3A, %dma_start3A_10] : memref<40x125xi32, #tpu.memory_space<vmem>> -> memref<1x125xi32, #tpu.memory_space<vmem>>
    %dma_start3A_12 = tpu.memref_squeeze %dma_start3A_11 : memref<1x125xi32, #tpu.memory_space<vmem>> -> memref<125xi32, #tpu.memory_space<vmem>>
    %dma_start3A_13 = arith.constant 0 : i32
    %dma_start3A_14 = arith.constant 0 : i32
    %dma_start3A_15 = tpu.memref_slice %arg2[%dma_start3A_13, %dma_start3A_14] : memref<20000x128xf32, #tpu.memory_space<hbm>> -> memref<20000x128xf32, #tpu.memory_space<hbm>>
    tpu.enqueue_indirect_dma source(%dma_start3A_15 : memref<20000x128xf32, #tpu.memory_space<hbm>>) target(%arg8 : memref<125x128xf32, #tpu.memory_space<vmem>>) offsets(%dma_start3A_12 : memref<125xi32, #tpu.memory_space<vmem>>) semaphore(%arg11 : memref<!tpu.dma_semaphore, #tpu.memory_space<semaphore_mem>>)
    %scan3A_16 = arith.constant 0 : i32
    %scan3A_17 = arith.constant 19 : i32
    %scan3A_18 = arith.addi %scan3A_16, %scan3A_17 : i32
    %scan3A_19 = arith.constant 1 : i32
    scf.for %scan3A_84 = %scan3A_16 to %scan3A_18 step %scan3A_19  : i32 {
      %mul3A = arith.constant 1 : i32
      %mul3A_85 = arith.muli %scan3A_84, %mul3A : i32
      %add3A = arith.constant 0 : i32
      %add3A_86 = arith.addi %add3A, %mul3A_85 : i32
      %mul3A_87 = arith.constant 2 : i32
      %mul3A_88 = arith.muli %add3A_86, %mul3A_87 : i32
      %dma_wait3A_89 = arith.constant 0 : i32
      %dma_wait3A_90 = tpu.memref_slice %arg6[%mul3A_88, %dma_wait3A_89] : memref<40x125xi32, #tpu.memory_space<vmem>> -> memref<1x125xi32, #tpu.memory_space<vmem>>
      %dma_wait3A_91 = tpu.memref_squeeze %dma_wait3A_90 : memref<1x125xi32, #tpu.memory_space<vmem>> -> memref<125xi32, #tpu.memory_space<vmem>>
      %dma_wait3A_92 = arith.constant 0 : i32
      %dma_wait3A_93 = arith.constant 0 : i32
      %dma_wait3A_94 = tpu.memref_slice %arg2[%dma_wait3A_92, %dma_wait3A_93] : memref<20000x128xf32, #tpu.memory_space<hbm>> -> memref<20000x128xf32, #tpu.memory_space<hbm>>
      tpu.wait_indirect_dma semaphore(%arg11 : memref<!tpu.dma_semaphore, #tpu.memory_space<semaphore_mem>>) src(%dma_wait3A_94 : memref<20000x128xf32, #tpu.memory_space<hbm>>) dst(%arg8 : memref<125x128xf32, #tpu.memory_space<vmem>>)
      %add3A_95 = arith.constant 1 : i32
      %add3A_96 = arith.addi %mul3A_88, %add3A_95 : i32
      %dma_start3A_97 = arith.constant 0 : i32
      %dma_start3A_98 = tpu.memref_slice %arg6[%add3A_96, %dma_start3A_97] : memref<40x125xi32, #tpu.memory_space<vmem>> -> memref<1x125xi32, #tpu.memory_space<vmem>>
      %dma_start3A_99 = tpu.memref_squeeze %dma_start3A_98 : memref<1x125xi32, #tpu.memory_space<vmem>> -> memref<125xi32, #tpu.memory_space<vmem>>
      %dma_start3A_100 = arith.constant 0 : i32
      %dma_start3A_101 = arith.constant 0 : i32
      %dma_start3A_102 = tpu.memref_slice %arg2[%dma_start3A_100, %dma_start3A_101] : memref<20000x128xf32, #tpu.memory_space<hbm>> -> memref<20000x128xf32, #tpu.memory_space<hbm>>
      tpu.enqueue_indirect_dma source(%dma_start3A_102 : memref<20000x128xf32, #tpu.memory_space<hbm>>) target(%arg9 : memref<125x128xf32, #tpu.memory_space<vmem>>) offsets(%dma_start3A_99 : memref<125xi32, #tpu.memory_space<vmem>>) semaphore(%arg12 : memref<!tpu.dma_semaphore, #tpu.memory_space<semaphore_mem>>)
      "tpu.region"() ({
        %run_scoped3A_121 = tpu.sem_alloc : memref<!tpu.dma_semaphore, #tpu.memory_space<semaphore_mem>>
        %dma_start3A_122 = arith.constant 0 : i32
        %dma_start3A_123 = tpu.memref_slice %arg7[%mul3A_88, %dma_start3A_122] : memref<40x125xi32, #tpu.memory_space<vmem>> -> memref<1x125xi32, #tpu.memory_space<vmem>>
        %dma_start3A_124 = tpu.memref_squeeze %dma_start3A_123 : memref<1x125xi32, #tpu.memory_space<vmem>> -> memref<125xi32, #tpu.memory_space<vmem>>
        %dma_start3A_125 = arith.constant 0 : i32
        %dma_start3A_126 = arith.constant 0 : i32
        %dma_start3A_127 = tpu.memref_slice %arg10[%dma_start3A_125, %dma_start3A_126] : memref<10240x128xf32, #tpu.memory_space<vmem_shared>> -> memref<10240x128xf32, #tpu.memory_space<vmem_shared>>
        tpu.enqueue_indirect_dma source(%arg8 : memref<125x128xf32, #tpu.memory_space<vmem>>) target(%dma_start3A_127 : memref<10240x128xf32, #tpu.memory_space<vmem_shared>>) offsets(%dma_start3A_124 : memref<125xi32, #tpu.memory_space<vmem>>) semaphore(%run_scoped3A_121 : memref<!tpu.dma_semaphore, #tpu.memory_space<semaphore_mem>>) {add = true}
        %dma_wait3A_128 = arith.constant 0 : i32
        %dma_wait3A_129 = tpu.memref_slice %arg7[%mul3A_88, %dma_wait3A_128] : memref<40x125xi32, #tpu.memory_space<vmem>> -> memref<1x125xi32, #tpu.memory_space<vmem>>
        %dma_wait3A_130 = tpu.memref_squeeze %dma_wait3A_129 : memref<1x125xi32, #tpu.memory_space<vmem>> -> memref<125xi32, #tpu.memory_space<vmem>>
        %dma_wait3A_131 = arith.constant 0 : i32
        %dma_wait3A_132 = arith.constant 0 : i32
        %dma_wait3A_133 = tpu.memref_slice %arg10[%dma_wait3A_131, %dma_wait3A_132] : memref<10240x128xf32, #tpu.memory_space<vmem_shared>> -> memref<10240x128xf32, #tpu.memory_space<vmem_shared>>
        tpu.wait_indirect_dma semaphore(%run_scoped3A_121 : memref<!tpu.dma_semaphore, #tpu.memory_space<semaphore_mem>>) src(%arg8 : memref<125x128xf32, #tpu.memory_space<vmem>>) dst(%dma_wait3A_133 : memref<10240x128xf32, #tpu.memory_space<vmem_shared>>)
        tpu.yield
      }) : () -> ()
      %add3A_103 = arith.constant 1 : i32
      %add3A_104 = arith.addi %mul3A_88, %add3A_103 : i32
      %dma_wait3A_105 = arith.constant 0 : i32
      %dma_wait3A_106 = tpu.memref_slice %arg6[%add3A_104, %dma_wait3A_105] : memref<40x125xi32, #tpu.memory_space<vmem>> -> memref<1x125xi32, #tpu.memory_space<vmem>>
      %dma_wait3A_107 = tpu.memref_squeeze %dma_wait3A_106 : memref<1x125xi32, #tpu.memory_space<vmem>> -> memref<125xi32, #tpu.memory_space<vmem>>
      %dma_wait3A_108 = arith.constant 0 : i32
      %dma_wait3A_109 = arith.constant 0 : i32
      %dma_wait3A_110 = tpu.memref_slice %arg2[%dma_wait3A_108, %dma_wait3A_109] : memref<20000x128xf32, #tpu.memory_space<hbm>> -> memref<20000x128xf32, #tpu.memory_space<hbm>>
      tpu.wait_indirect_dma semaphore(%arg12 : memref<!tpu.dma_semaphore, #tpu.memory_space<semaphore_mem>>) src(%dma_wait3A_110 : memref<20000x128xf32, #tpu.memory_space<hbm>>) dst(%arg9 : memref<125x128xf32, #tpu.memory_space<vmem>>)
      %add3A_111 = arith.constant 2 : i32
      %add3A_112 = arith.addi %mul3A_88, %add3A_111 : i32
      %dma_start3A_113 = arith.constant 0 : i32
      %dma_start3A_114 = tpu.memref_slice %arg6[%add3A_112, %dma_start3A_113] : memref<40x125xi32, #tpu.memory_space<vmem>> -> memref<1x125xi32, #tpu.memory_space<vmem>>
      %dma_start3A_115 = tpu.memref_squeeze %dma_start3A_114 : memref<1x125xi32, #tpu.memory_space<vmem>> -> memref<125xi32, #tpu.memory_space<vmem>>
      %dma_start3A_116 = arith.constant 0 : i32
      %dma_start3A_117 = arith.constant 0 : i32
      %dma_start3A_118 = tpu.memref_slice %arg2[%dma_start3A_116, %dma_start3A_117] : memref<20000x128xf32, #tpu.memory_space<hbm>> -> memref<20000x128xf32, #tpu.memory_space<hbm>>
      tpu.enqueue_indirect_dma source(%dma_start3A_118 : memref<20000x128xf32, #tpu.memory_space<hbm>>) target(%arg8 : memref<125x128xf32, #tpu.memory_space<vmem>>) offsets(%dma_start3A_115 : memref<125xi32, #tpu.memory_space<vmem>>) semaphore(%arg11 : memref<!tpu.dma_semaphore, #tpu.memory_space<semaphore_mem>>)
      %add3A_119 = arith.constant 1 : i32
      %add3A_120 = arith.addi %mul3A_88, %add3A_119 : i32
      "tpu.region"() ({
        %run_scoped3A_121 = tpu.sem_alloc : memref<!tpu.dma_semaphore, #tpu.memory_space<semaphore_mem>>
        %dma_start3A_122 = arith.constant 0 : i32
        %dma_start3A_123 = tpu.memref_slice %arg7[%add3A_120, %dma_start3A_122] : memref<40x125xi32, #tpu.memory_space<vmem>> -> memref<1x125xi32, #tpu.memory_space<vmem>>
        %dma_start3A_124 = tpu.memref_squeeze %dma_start3A_123 : memref<1x125xi32, #tpu.memory_space<vmem>> -> memref<125xi32, #tpu.memory_space<vmem>>
        %dma_start3A_125 = arith.constant 0 : i32
        %dma_start3A_126 = arith.constant 0 : i32
        %dma_start3A_127 = tpu.memref_slice %arg10[%dma_start3A_125, %dma_start3A_126] : memref<10240x128xf32, #tpu.memory_space<vmem_shared>> -> memref<10240x128xf32, #tpu.memory_space<vmem_shared>>
        tpu.enqueue_indirect_dma source(%arg9 : memref<125x128xf32, #tpu.memory_space<vmem>>) target(%dma_start3A_127 : memref<10240x128xf32, #tpu.memory_space<vmem_shared>>) offsets(%dma_start3A_124 : memref<125xi32, #tpu.memory_space<vmem>>) semaphore(%run_scoped3A_121 : memref<!tpu.dma_semaphore, #tpu.memory_space<semaphore_mem>>) {add = true}
        %dma_wait3A_128 = arith.constant 0 : i32
        %dma_wait3A_129 = tpu.memref_slice %arg7[%add3A_120, %dma_wait3A_128] : memref<40x125xi32, #tpu.memory_space<vmem>> -> memref<1x125xi32, #tpu.memory_space<vmem>>
        %dma_wait3A_130 = tpu.memref_squeeze %dma_wait3A_129 : memref<1x125xi32, #tpu.memory_space<vmem>> -> memref<125xi32, #tpu.memory_space<vmem>>
        %dma_wait3A_131 = arith.constant 0 : i32
        %dma_wait3A_132 = arith.constant 0 : i32
        %dma_wait3A_133 = tpu.memref_slice %arg10[%dma_wait3A_131, %dma_wait3A_132] : memref<10240x128xf32, #tpu.memory_space<vmem_shared>> -> memref<10240x128xf32, #tpu.memory_space<vmem_shared>>
        tpu.wait_indirect_dma semaphore(%run_scoped3A_121 : memref<!tpu.dma_semaphore, #tpu.memory_space<semaphore_mem>>) src(%arg9 : memref<125x128xf32, #tpu.memory_space<vmem>>) dst(%dma_wait3A_133 : memref<10240x128xf32, #tpu.memory_space<vmem_shared>>)
        tpu.yield
      }) : () -> ()
    }
    %scan3A_20 = arith.constant 19 : i32
    %dma_wait3A = arith.constant 38 : i32
    %dma_wait3A_21 = arith.constant 0 : i32
    %dma_wait3A_22 = tpu.memref_slice %arg6[%dma_wait3A, %dma_wait3A_21] : memref<40x125xi32, #tpu.memory_space<vmem>> -> memref<1x125xi32, #tpu.memory_space<vmem>>
    %dma_wait3A_23 = tpu.memref_squeeze %dma_wait3A_22 : memref<1x125xi32, #tpu.memory_space<vmem>> -> memref<125xi32, #tpu.memory_space<vmem>>
    %dma_wait3A_24 = arith.constant 0 : i32
    %dma_wait3A_25 = arith.constant 0 : i32
    %dma_wait3A_26 = tpu.memref_slice %arg2[%dma_wait3A_24, %dma_wait3A_25] : memref<20000x128xf32, #tpu.memory_space<hbm>> -> memref<20000x128xf32, #tpu.memory_space<hbm>>
    tpu.wait_indirect_dma semaphore(%arg11 : memref<!tpu.dma_semaphore, #tpu.memory_space<semaphore_mem>>) src(%dma_wait3A_26 : memref<20000x128xf32, #tpu.memory_space<hbm>>) dst(%arg8 : memref<125x128xf32, #tpu.memory_space<vmem>>)
    %dma_start3A_27 = arith.constant 39 : i32
    %dma_start3A_28 = arith.constant 0 : i32
    %dma_start3A_29 = tpu.memref_slice %arg6[%dma_start3A_27, %dma_start3A_28] : memref<40x125xi32, #tpu.memory_space<vmem>> -> memref<1x125xi32, #tpu.memory_space<vmem>>
    %dma_start3A_30 = tpu.memref_squeeze %dma_start3A_29 : memref<1x125xi32, #tpu.memory_space<vmem>> -> memref<125xi32, #tpu.memory_space<vmem>>
    %dma_start3A_31 = arith.constant 0 : i32
    %dma_start3A_32 = arith.constant 0 : i32
    %dma_start3A_33 = tpu.memref_slice %arg2[%dma_start3A_31, %dma_start3A_32] : memref<20000x128xf32, #tpu.memory_space<hbm>> -> memref<20000x128xf32, #tpu.memory_space<hbm>>
    tpu.enqueue_indirect_dma source(%dma_start3A_33 : memref<20000x128xf32, #tpu.memory_space<hbm>>) target(%arg9 : memref<125x128xf32, #tpu.memory_space<vmem>>) offsets(%dma_start3A_30 : memref<125xi32, #tpu.memory_space<vmem>>) semaphore(%arg12 : memref<!tpu.dma_semaphore, #tpu.memory_space<semaphore_mem>>)
    %run_scoped3A = arith.constant 38 : i32
    "tpu.region"() ({
      %run_scoped3A_84 = tpu.sem_alloc : memref<!tpu.dma_semaphore, #tpu.memory_space<semaphore_mem>>
      %dma_start3A_85 = arith.constant 0 : i32
      %dma_start3A_86 = tpu.memref_slice %arg7[%run_scoped3A, %dma_start3A_85] : memref<40x125xi32, #tpu.memory_space<vmem>> -> memref<1x125xi32, #tpu.memory_space<vmem>>
      %dma_start3A_87 = tpu.memref_squeeze %dma_start3A_86 : memref<1x125xi32, #tpu.memory_space<vmem>> -> memref<125xi32, #tpu.memory_space<vmem>>
      %dma_start3A_88 = arith.constant 0 : i32
      %dma_start3A_89 = arith.constant 0 : i32
      %dma_start3A_90 = tpu.memref_slice %arg10[%dma_start3A_88, %dma_start3A_89] : memref<10240x128xf32, #tpu.memory_space<vmem_shared>> -> memref<10240x128xf32, #tpu.memory_space<vmem_shared>>
      tpu.enqueue_indirect_dma source(%arg8 : memref<125x128xf32, #tpu.memory_space<vmem>>) target(%dma_start3A_90 : memref<10240x128xf32, #tpu.memory_space<vmem_shared>>) offsets(%dma_start3A_87 : memref<125xi32, #tpu.memory_space<vmem>>) semaphore(%run_scoped3A_84 : memref<!tpu.dma_semaphore, #tpu.memory_space<semaphore_mem>>) {add = true}
      %dma_wait3A_91 = arith.constant 0 : i32
      %dma_wait3A_92 = tpu.memref_slice %arg7[%run_scoped3A, %dma_wait3A_91] : memref<40x125xi32, #tpu.memory_space<vmem>> -> memref<1x125xi32, #tpu.memory_space<vmem>>
      %dma_wait3A_93 = tpu.memref_squeeze %dma_wait3A_92 : memref<1x125xi32, #tpu.memory_space<vmem>> -> memref<125xi32, #tpu.memory_space<vmem>>
      %dma_wait3A_94 = arith.constant 0 : i32
      %dma_wait3A_95 = arith.constant 0 : i32
      %dma_wait3A_96 = tpu.memref_slice %arg10[%dma_wait3A_94, %dma_wait3A_95] : memref<10240x128xf32, #tpu.memory_space<vmem_shared>> -> memref<10240x128xf32, #tpu.memory_space<vmem_shared>>
      tpu.wait_indirect_dma semaphore(%run_scoped3A_84 : memref<!tpu.dma_semaphore, #tpu.memory_space<semaphore_mem>>) src(%arg8 : memref<125x128xf32, #tpu.memory_space<vmem>>) dst(%dma_wait3A_96 : memref<10240x128xf32, #tpu.memory_space<vmem_shared>>)
      tpu.yield
    }) : () -> ()
    %dma_wait3A_34 = arith.constant 39 : i32
    %dma_wait3A_35 = arith.constant 0 : i32
    %dma_wait3A_36 = tpu.memref_slice %arg6[%dma_wait3A_34, %dma_wait3A_35] : memref<40x125xi32, #tpu.memory_space<vmem>> -> memref<1x125xi32, #tpu.memory_space<vmem>>
    %dma_wait3A_37 = tpu.memref_squeeze %dma_wait3A_36 : memref<1x125xi32, #tpu.memory_space<vmem>> -> memref<125xi32, #tpu.memory_space<vmem>>
    %dma_wait3A_38 = arith.constant 0 : i32
    %dma_wait3A_39 = arith.constant 0 : i32
    %dma_wait3A_40 = tpu.memref_slice %arg2[%dma_wait3A_38, %dma_wait3A_39] : memref<20000x128xf32, #tpu.memory_space<hbm>> -> memref<20000x128xf32, #tpu.memory_space<hbm>>
    tpu.wait_indirect_dma semaphore(%arg12 : memref<!tpu.dma_semaphore, #tpu.memory_space<semaphore_mem>>) src(%dma_wait3A_40 : memref<20000x128xf32, #tpu.memory_space<hbm>>) dst(%arg9 : memref<125x128xf32, #tpu.memory_space<vmem>>)
    %run_scoped3A_41 = arith.constant 39 : i32
    "tpu.region"() ({
      %run_scoped3A_84 = tpu.sem_alloc : memref<!tpu.dma_semaphore, #tpu.memory_space<semaphore_mem>>
      %dma_start3A_85 = arith.constant 0 : i32
      %dma_start3A_86 = tpu.memref_slice %arg7[%run_scoped3A_41, %dma_start3A_85] : memref<40x125xi32, #tpu.memory_space<vmem>> -> memref<1x125xi32, #tpu.memory_space<vmem>>
      %dma_start3A_87 = tpu.memref_squeeze %dma_start3A_86 : memref<1x125xi32, #tpu.memory_space<vmem>> -> memref<125xi32, #tpu.memory_space<vmem>>
      %dma_start3A_88 = arith.constant 0 : i32
      %dma_start3A_89 = arith.constant 0 : i32
      %dma_start3A_90 = tpu.memref_slice %arg10[%dma_start3A_88, %dma_start3A_89] : memref<10240x128xf32, #tpu.memory_space<vmem_shared>> -> memref<10240x128xf32, #tpu.memory_space<vmem_shared>>
      tpu.enqueue_indirect_dma source(%arg9 : memref<125x128xf32, #tpu.memory_space<vmem>>) target(%dma_start3A_90 : memref<10240x128xf32, #tpu.memory_space<vmem_shared>>) offsets(%dma_start3A_87 : memref<125xi32, #tpu.memory_space<vmem>>) semaphore(%run_scoped3A_84 : memref<!tpu.dma_semaphore, #tpu.memory_space<semaphore_mem>>) {add = true}
      %dma_wait3A_91 = arith.constant 0 : i32
      %dma_wait3A_92 = tpu.memref_slice %arg7[%run_scoped3A_41, %dma_wait3A_91] : memref<40x125xi32, #tpu.memory_space<vmem>> -> memref<1x125xi32, #tpu.memory_space<vmem>>
      %dma_wait3A_93 = tpu.memref_squeeze %dma_wait3A_92 : memref<1x125xi32, #tpu.memory_space<vmem>> -> memref<125xi32, #tpu.memory_space<vmem>>
      %dma_wait3A_94 = arith.constant 0 : i32
      %dma_wait3A_95 = arith.constant 0 : i32
      %dma_wait3A_96 = tpu.memref_slice %arg10[%dma_wait3A_94, %dma_wait3A_95] : memref<10240x128xf32, #tpu.memory_space<vmem_shared>> -> memref<10240x128xf32, #tpu.memory_space<vmem_shared>>
      tpu.wait_indirect_dma semaphore(%run_scoped3A_84 : memref<!tpu.dma_semaphore, #tpu.memory_space<semaphore_mem>>) src(%arg9 : memref<125x128xf32, #tpu.memory_space<vmem>>) dst(%dma_wait3A_96 : memref<10240x128xf32, #tpu.memory_space<vmem_shared>>)
      tpu.yield
    }) : () -> ()
    "tpu.region"() ({
      %run_scoped3A_84 = tpu.sem_alloc : memref<!tpu.dma_semaphore, #tpu.memory_space<semaphore_mem>>
      %dma_start3A_85 = arith.constant 40 : i32
      %dma_start3A_86 = arith.constant 0 : i32
      %dma_start3A_87 = tpu.memref_slice %arg3[%arg0, %arg1, %dma_start3A_85, %dma_start3A_86] : memref<2x16x80x125xi32, #tpu.memory_space<hbm>> -> memref<1x1x40x125xi32, #tpu.memory_space<hbm>>
      %dma_start3A_88 = tpu.memref_squeeze %dma_start3A_87 : memref<1x1x40x125xi32, #tpu.memory_space<hbm>> -> memref<40x125xi32, #tpu.memory_space<hbm>>
      %dma_start3A_89 = arith.constant 40 : i32
      %dma_start3A_90 = arith.constant 0 : i32
      %dma_start3A_91 = tpu.memref_slice %arg3[%arg0, %arg1, %dma_start3A_89, %dma_start3A_90] : memref<2x16x80x125xi32, #tpu.memory_space<hbm>> -> memref<1x1x40x125xi32, #tpu.memory_space<hbm>>
      %dma_start3A_92 = tpu.memref_squeeze %dma_start3A_91 : memref<1x1x40x125xi32, #tpu.memory_space<hbm>> -> memref<40x125xi32, #tpu.memory_space<hbm>>
      tpu.enqueue_dma source(%dma_start3A_92 : memref<40x125xi32, #tpu.memory_space<hbm>>) target(%arg6 : memref<40x125xi32, #tpu.memory_space<vmem>>) target_semaphore(%run_scoped3A_84 : memref<!tpu.dma_semaphore, #tpu.memory_space<semaphore_mem>>)
      %dma_wait3A_93 = arith.constant 40 : i32
      %dma_wait3A_94 = arith.constant 0 : i32
      %dma_wait3A_95 = tpu.memref_slice %arg3[%arg0, %arg1, %dma_wait3A_93, %dma_wait3A_94] : memref<2x16x80x125xi32, #tpu.memory_space<hbm>> -> memref<1x1x40x125xi32, #tpu.memory_space<hbm>>
      %dma_wait3A_96 = tpu.memref_squeeze %dma_wait3A_95 : memref<1x1x40x125xi32, #tpu.memory_space<hbm>> -> memref<40x125xi32, #tpu.memory_space<hbm>>
      %dma_wait3A_97 = arith.constant 40 : i32
      %dma_wait3A_98 = arith.constant 0 : i32
      %dma_wait3A_99 = tpu.memref_slice %arg3[%arg0, %arg1, %dma_wait3A_97, %dma_wait3A_98] : memref<2x16x80x125xi32, #tpu.memory_space<hbm>> -> memref<1x1x40x125xi32, #tpu.memory_space<hbm>>
      %dma_wait3A_100 = tpu.memref_squeeze %dma_wait3A_99 : memref<1x1x40x125xi32, #tpu.memory_space<hbm>> -> memref<40x125xi32, #tpu.memory_space<hbm>>
      tpu.wait_dma2 semaphore(%run_scoped3A_84 : memref<!tpu.dma_semaphore, #tpu.memory_space<semaphore_mem>>) src(%dma_wait3A_100 : memref<40x125xi32, #tpu.memory_space<hbm>>) dst(%arg6 : memref<40x125xi32, #tpu.memory_space<vmem>>)
      tpu.yield
    }) : () -> ()
    "tpu.region"() ({
      %run_scoped3A_84 = tpu.sem_alloc : memref<!tpu.dma_semaphore, #tpu.memory_space<semaphore_mem>>
      %dma_start3A_85 = arith.constant 40 : i32
      %dma_start3A_86 = arith.constant 0 : i32
      %dma_start3A_87 = tpu.memref_slice %arg4[%arg1, %dma_start3A_85, %dma_start3A_86] : memref<16x80x125xi32, #tpu.memory_space<hbm>> -> memref<1x40x125xi32, #tpu.memory_space<hbm>>
      %dma_start3A_88 = tpu.memref_squeeze %dma_start3A_87 : memref<1x40x125xi32, #tpu.memory_space<hbm>> -> memref<40x125xi32, #tpu.memory_space<hbm>>
      %dma_start3A_89 = arith.constant 40 : i32
      %dma_start3A_90 = arith.constant 0 : i32
      %dma_start3A_91 = tpu.memref_slice %arg4[%arg1, %dma_start3A_89, %dma_start3A_90] : memref<16x80x125xi32, #tpu.memory_space<hbm>> -> memref<1x40x125xi32, #tpu.memory_space<hbm>>
      %dma_start3A_92 = tpu.memref_squeeze %dma_start3A_91 : memref<1x40x125xi32, #tpu.memory_space<hbm>> -> memref<40x125xi32, #tpu.memory_space<hbm>>
      tpu.enqueue_dma source(%dma_start3A_92 : memref<40x125xi32, #tpu.memory_space<hbm>>) target(%arg7 : memref<40x125xi32, #tpu.memory_space<vmem>>) target_semaphore(%run_scoped3A_84 : memref<!tpu.dma_semaphore, #tpu.memory_space<semaphore_mem>>)
      %dma_wait3A_93 = arith.constant 40 : i32
      %dma_wait3A_94 = arith.constant 0 : i32
      %dma_wait3A_95 = tpu.memref_slice %arg4[%arg1, %dma_wait3A_93, %dma_wait3A_94] : memref<16x80x125xi32, #tpu.memory_space<hbm>> -> memref<1x40x125xi32, #tpu.memory_space<hbm>>
      %dma_wait3A_96 = tpu.memref_squeeze %dma_wait3A_95 : memref<1x40x125xi32, #tpu.memory_space<hbm>> -> memref<40x125xi32, #tpu.memory_space<hbm>>
      %dma_wait3A_97 = arith.constant 40 : i32
      %dma_wait3A_98 = arith.constant 0 : i32
      %dma_wait3A_99 = tpu.memref_slice %arg4[%arg1, %dma_wait3A_97, %dma_wait3A_98] : memref<16x80x125xi32, #tpu.memory_space<hbm>> -> memref<1x40x125xi32, #tpu.memory_space<hbm>>
      %dma_wait3A_100 = tpu.memref_squeeze %dma_wait3A_99 : memref<1x40x125xi32, #tpu.memory_space<hbm>> -> memref<40x125xi32, #tpu.memory_space<hbm>>
      tpu.wait_dma2 semaphore(%run_scoped3A_84 : memref<!tpu.dma_semaphore, #tpu.memory_space<semaphore_mem>>) src(%dma_wait3A_100 : memref<40x125xi32, #tpu.memory_space<hbm>>) dst(%arg7 : memref<40x125xi32, #tpu.memory_space<vmem>>)
      tpu.yield
    }) : () -> ()
    %dma_start3A_42 = arith.constant 0 : i32
    %dma_start3A_43 = arith.constant 0 : i32
    %dma_start3A_44 = tpu.memref_slice %arg6[%dma_start3A_42, %dma_start3A_43] : memref<40x125xi32, #tpu.memory_space<vmem>> -> memref<1x125xi32, #tpu.memory_space<vmem>>
    %dma_start3A_45 = tpu.memref_squeeze %dma_start3A_44 : memref<1x125xi32, #tpu.memory_space<vmem>> -> memref<125xi32, #tpu.memory_space<vmem>>
    %dma_start3A_46 = arith.constant 0 : i32
    %dma_start3A_47 = arith.constant 0 : i32
    %dma_start3A_48 = tpu.memref_slice %arg2[%dma_start3A_46, %dma_start3A_47] : memref<20000x128xf32, #tpu.memory_space<hbm>> -> memref<20000x128xf32, #tpu.memory_space<hbm>>
    tpu.enqueue_indirect_dma source(%dma_start3A_48 : memref<20000x128xf32, #tpu.memory_space<hbm>>) target(%arg8 : memref<125x128xf32, #tpu.memory_space<vmem>>) offsets(%dma_start3A_45 : memref<125xi32, #tpu.memory_space<vmem>>) semaphore(%arg11 : memref<!tpu.dma_semaphore, #tpu.memory_space<semaphore_mem>>)
    %scan3A_49 = arith.constant 0 : i32
    %scan3A_50 = arith.constant 19 : i32
    %scan3A_51 = arith.addi %scan3A_49, %scan3A_50 : i32
    %scan3A_52 = arith.constant 1 : i32
    scf.for %scan3A_84 = %scan3A_49 to %scan3A_51 step %scan3A_52  : i32 {
      %mul3A = arith.constant 1 : i32
      %mul3A_85 = arith.muli %scan3A_84, %mul3A : i32
      %add3A = arith.constant 0 : i32
      %add3A_86 = arith.addi %add3A, %mul3A_85 : i32
      %mul3A_87 = arith.constant 2 : i32
      %mul3A_88 = arith.muli %add3A_86, %mul3A_87 : i32
      %dma_wait3A_89 = arith.constant 0 : i32
      %dma_wait3A_90 = tpu.memref_slice %arg6[%mul3A_88, %dma_wait3A_89] : memref<40x125xi32, #tpu.memory_space<vmem>> -> memref<1x125xi32, #tpu.memory_space<vmem>>
      %dma_wait3A_91 = tpu.memref_squeeze %dma_wait3A_90 : memref<1x125xi32, #tpu.memory_space<vmem>> -> memref<125xi32, #tpu.memory_space<vmem>>
      %dma_wait3A_92 = arith.constant 0 : i32
      %dma_wait3A_93 = arith.constant 0 : i32
      %dma_wait3A_94 = tpu.memref_slice %arg2[%dma_wait3A_92, %dma_wait3A_93] : memref<20000x128xf32, #tpu.memory_space<hbm>> -> memref<20000x128xf32, #tpu.memory_space<hbm>>
      tpu.wait_indirect_dma semaphore(%arg11 : memref<!tpu.dma_semaphore, #tpu.memory_space<semaphore_mem>>) src(%dma_wait3A_94 : memref<20000x128xf32, #tpu.memory_space<hbm>>) dst(%arg8 : memref<125x128xf32, #tpu.memory_space<vmem>>)
      %add3A_95 = arith.constant 1 : i32
      %add3A_96 = arith.addi %mul3A_88, %add3A_95 : i32
      %dma_start3A_97 = arith.constant 0 : i32
      %dma_start3A_98 = tpu.memref_slice %arg6[%add3A_96, %dma_start3A_97] : memref<40x125xi32, #tpu.memory_space<vmem>> -> memref<1x125xi32, #tpu.memory_space<vmem>>
      %dma_start3A_99 = tpu.memref_squeeze %dma_start3A_98 : memref<1x125xi32, #tpu.memory_space<vmem>> -> memref<125xi32, #tpu.memory_space<vmem>>
      %dma_start3A_100 = arith.constant 0 : i32
      %dma_start3A_101 = arith.constant 0 : i32
      %dma_start3A_102 = tpu.memref_slice %arg2[%dma_start3A_100, %dma_start3A_101] : memref<20000x128xf32, #tpu.memory_space<hbm>> -> memref<20000x128xf32, #tpu.memory_space<hbm>>
      tpu.enqueue_indirect_dma source(%dma_start3A_102 : memref<20000x128xf32, #tpu.memory_space<hbm>>) target(%arg9 : memref<125x128xf32, #tpu.memory_space<vmem>>) offsets(%dma_start3A_99 : memref<125xi32, #tpu.memory_space<vmem>>) semaphore(%arg12 : memref<!tpu.dma_semaphore, #tpu.memory_space<semaphore_mem>>)
      "tpu.region"() ({
        %run_scoped3A_121 = tpu.sem_alloc : memref<!tpu.dma_semaphore, #tpu.memory_space<semaphore_mem>>
        %dma_start3A_122 = arith.constant 0 : i32
        %dma_start3A_123 = tpu.memref_slice %arg7[%mul3A_88, %dma_start3A_122] : memref<40x125xi32, #tpu.memory_space<vmem>> -> memref<1x125xi32, #tpu.memory_space<vmem>>
        %dma_start3A_124 = tpu.memref_squeeze %dma_start3A_123 : memref<1x125xi32, #tpu.memory_space<vmem>> -> memref<125xi32, #tpu.memory_space<vmem>>
        %dma_start3A_125 = arith.constant 0 : i32
        %dma_start3A_126 = arith.constant 0 : i32
        %dma_start3A_127 = tpu.memref_slice %arg10[%dma_start3A_125, %dma_start3A_126] : memref<10240x128xf32, #tpu.memory_space<vmem_shared>> -> memref<10240x128xf32, #tpu.memory_space<vmem_shared>>
        tpu.enqueue_indirect_dma source(%arg8 : memref<125x128xf32, #tpu.memory_space<vmem>>) target(%dma_start3A_127 : memref<10240x128xf32, #tpu.memory_space<vmem_shared>>) offsets(%dma_start3A_124 : memref<125xi32, #tpu.memory_space<vmem>>) semaphore(%run_scoped3A_121 : memref<!tpu.dma_semaphore, #tpu.memory_space<semaphore_mem>>) {add = true}
        %dma_wait3A_128 = arith.constant 0 : i32
        %dma_wait3A_129 = tpu.memref_slice %arg7[%mul3A_88, %dma_wait3A_128] : memref<40x125xi32, #tpu.memory_space<vmem>> -> memref<1x125xi32, #tpu.memory_space<vmem>>
        %dma_wait3A_130 = tpu.memref_squeeze %dma_wait3A_129 : memref<1x125xi32, #tpu.memory_space<vmem>> -> memref<125xi32, #tpu.memory_space<vmem>>
        %dma_wait3A_131 = arith.constant 0 : i32
        %dma_wait3A_132 = arith.constant 0 : i32
        %dma_wait3A_133 = tpu.memref_slice %arg10[%dma_wait3A_131, %dma_wait3A_132] : memref<10240x128xf32, #tpu.memory_space<vmem_shared>> -> memref<10240x128xf32, #tpu.memory_space<vmem_shared>>
        tpu.wait_indirect_dma semaphore(%run_scoped3A_121 : memref<!tpu.dma_semaphore, #tpu.memory_space<semaphore_mem>>) src(%arg8 : memref<125x128xf32, #tpu.memory_space<vmem>>) dst(%dma_wait3A_133 : memref<10240x128xf32, #tpu.memory_space<vmem_shared>>)
        tpu.yield
      }) : () -> ()
      %add3A_103 = arith.constant 1 : i32
      %add3A_104 = arith.addi %mul3A_88, %add3A_103 : i32
      %dma_wait3A_105 = arith.constant 0 : i32
      %dma_wait3A_106 = tpu.memref_slice %arg6[%add3A_104, %dma_wait3A_105] : memref<40x125xi32, #tpu.memory_space<vmem>> -> memref<1x125xi32, #tpu.memory_space<vmem>>
      %dma_wait3A_107 = tpu.memref_squeeze %dma_wait3A_106 : memref<1x125xi32, #tpu.memory_space<vmem>> -> memref<125xi32, #tpu.memory_space<vmem>>
      %dma_wait3A_108 = arith.constant 0 : i32
      %dma_wait3A_109 = arith.constant 0 : i32
      %dma_wait3A_110 = tpu.memref_slice %arg2[%dma_wait3A_108, %dma_wait3A_109] : memref<20000x128xf32, #tpu.memory_space<hbm>> -> memref<20000x128xf32, #tpu.memory_space<hbm>>
      tpu.wait_indirect_dma semaphore(%arg12 : memref<!tpu.dma_semaphore, #tpu.memory_space<semaphore_mem>>) src(%dma_wait3A_110 : memref<20000x128xf32, #tpu.memory_space<hbm>>) dst(%arg9 : memref<125x128xf32, #tpu.memory_space<vmem>>)
      %add3A_111 = arith.constant 2 : i32
      %add3A_112 = arith.addi %mul3A_88, %add3A_111 : i32
      %dma_start3A_113 = arith.constant 0 : i32
      %dma_start3A_114 = tpu.memref_slice %arg6[%add3A_112, %dma_start3A_113] : memref<40x125xi32, #tpu.memory_space<vmem>> -> memref<1x125xi32, #tpu.memory_space<vmem>>
      %dma_start3A_115 = tpu.memref_squeeze %dma_start3A_114 : memref<1x125xi32, #tpu.memory_space<vmem>> -> memref<125xi32, #tpu.memory_space<vmem>>
      %dma_start3A_116 = arith.constant 0 : i32
      %dma_start3A_117 = arith.constant 0 : i32
      %dma_start3A_118 = tpu.memref_slice %arg2[%dma_start3A_116, %dma_start3A_117] : memref<20000x128xf32, #tpu.memory_space<hbm>> -> memref<20000x128xf32, #tpu.memory_space<hbm>>
      tpu.enqueue_indirect_dma source(%dma_start3A_118 : memref<20000x128xf32, #tpu.memory_space<hbm>>) target(%arg8 : memref<125x128xf32, #tpu.memory_space<vmem>>) offsets(%dma_start3A_115 : memref<125xi32, #tpu.memory_space<vmem>>) semaphore(%arg11 : memref<!tpu.dma_semaphore, #tpu.memory_space<semaphore_mem>>)
      %add3A_119 = arith.constant 1 : i32
      %add3A_120 = arith.addi %mul3A_88, %add3A_119 : i32
      "tpu.region"() ({
        %run_scoped3A_121 = tpu.sem_alloc : memref<!tpu.dma_semaphore, #tpu.memory_space<semaphore_mem>>
        %dma_start3A_122 = arith.constant 0 : i32
        %dma_start3A_123 = tpu.memref_slice %arg7[%add3A_120, %dma_start3A_122] : memref<40x125xi32, #tpu.memory_space<vmem>> -> memref<1x125xi32, #tpu.memory_space<vmem>>
        %dma_start3A_124 = tpu.memref_squeeze %dma_start3A_123 : memref<1x125xi32, #tpu.memory_space<vmem>> -> memref<125xi32, #tpu.memory_space<vmem>>
        %dma_start3A_125 = arith.constant 0 : i32
        %dma_start3A_126 = arith.constant 0 : i32
        %dma_start3A_127 = tpu.memref_slice %arg10[%dma_start3A_125, %dma_start3A_126] : memref<10240x128xf32, #tpu.memory_space<vmem_shared>> -> memref<10240x128xf32, #tpu.memory_space<vmem_shared>>
        tpu.enqueue_indirect_dma source(%arg9 : memref<125x128xf32, #tpu.memory_space<vmem>>) target(%dma_start3A_127 : memref<10240x128xf32, #tpu.memory_space<vmem_shared>>) offsets(%dma_start3A_124 : memref<125xi32, #tpu.memory_space<vmem>>) semaphore(%run_scoped3A_121 : memref<!tpu.dma_semaphore, #tpu.memory_space<semaphore_mem>>) {add = true}
        %dma_wait3A_128 = arith.constant 0 : i32
        %dma_wait3A_129 = tpu.memref_slice %arg7[%add3A_120, %dma_wait3A_128] : memref<40x125xi32, #tpu.memory_space<vmem>> -> memref<1x125xi32, #tpu.memory_space<vmem>>
        %dma_wait3A_130 = tpu.memref_squeeze %dma_wait3A_129 : memref<1x125xi32, #tpu.memory_space<vmem>> -> memref<125xi32, #tpu.memory_space<vmem>>
        %dma_wait3A_131 = arith.constant 0 : i32
        %dma_wait3A_132 = arith.constant 0 : i32
        %dma_wait3A_133 = tpu.memref_slice %arg10[%dma_wait3A_131, %dma_wait3A_132] : memref<10240x128xf32, #tpu.memory_space<vmem_shared>> -> memref<10240x128xf32, #tpu.memory_space<vmem_shared>>
        tpu.wait_indirect_dma semaphore(%run_scoped3A_121 : memref<!tpu.dma_semaphore, #tpu.memory_space<semaphore_mem>>) src(%arg9 : memref<125x128xf32, #tpu.memory_space<vmem>>) dst(%dma_wait3A_133 : memref<10240x128xf32, #tpu.memory_space<vmem_shared>>)
        tpu.yield
      }) : () -> ()
    }
    %scan3A_53 = arith.constant 19 : i32
    %dma_wait3A_54 = arith.constant 38 : i32
    %dma_wait3A_55 = arith.constant 0 : i32
    %dma_wait3A_56 = tpu.memref_slice %arg6[%dma_wait3A_54, %dma_wait3A_55] : memref<40x125xi32, #tpu.memory_space<vmem>> -> memref<1x125xi32, #tpu.memory_space<vmem>>
    %dma_wait3A_57 = tpu.memref_squeeze %dma_wait3A_56 : memref<1x125xi32, #tpu.memory_space<vmem>> -> memref<125xi32, #tpu.memory_space<vmem>>
    %dma_wait3A_58 = arith.constant 0 : i32
    %dma_wait3A_59 = arith.constant 0 : i32
    %dma_wait3A_60 = tpu.memref_slice %arg2[%dma_wait3A_58, %dma_wait3A_59] : memref<20000x128xf32, #tpu.memory_space<hbm>> -> memref<20000x128xf32, #tpu.memory_space<hbm>>
    tpu.wait_indirect_dma semaphore(%arg11 : memref<!tpu.dma_semaphore, #tpu.memory_space<semaphore_mem>>) src(%dma_wait3A_60 : memref<20000x128xf32, #tpu.memory_space<hbm>>) dst(%arg8 : memref<125x128xf32, #tpu.memory_space<vmem>>)
    %dma_start3A_61 = arith.constant 39 : i32
    %dma_start3A_62 = arith.constant 0 : i32
    %dma_start3A_63 = tpu.memref_slice %arg6[%dma_start3A_61, %dma_start3A_62] : memref<40x125xi32, #tpu.memory_space<vmem>> -> memref<1x125xi32, #tpu.memory_space<vmem>>
    %dma_start3A_64 = tpu.memref_squeeze %dma_start3A_63 : memref<1x125xi32, #tpu.memory_space<vmem>> -> memref<125xi32, #tpu.memory_space<vmem>>
    %dma_start3A_65 = arith.constant 0 : i32
    %dma_start3A_66 = arith.constant 0 : i32
    %dma_start3A_67 = tpu.memref_slice %arg2[%dma_start3A_65, %dma_start3A_66] : memref<20000x128xf32, #tpu.memory_space<hbm>> -> memref<20000x128xf32, #tpu.memory_space<hbm>>
    tpu.enqueue_indirect_dma source(%dma_start3A_67 : memref<20000x128xf32, #tpu.memory_space<hbm>>) target(%arg9 : memref<125x128xf32, #tpu.memory_space<vmem>>) offsets(%dma_start3A_64 : memref<125xi32, #tpu.memory_space<vmem>>) semaphore(%arg12 : memref<!tpu.dma_semaphore, #tpu.memory_space<semaphore_mem>>)
    %run_scoped3A_68 = arith.constant 38 : i32
    "tpu.region"() ({
      %run_scoped3A_84 = tpu.sem_alloc : memref<!tpu.dma_semaphore, #tpu.memory_space<semaphore_mem>>
      %dma_start3A_85 = arith.constant 0 : i32
      %dma_start3A_86 = tpu.memref_slice %arg7[%run_scoped3A_68, %dma_start3A_85] : memref<40x125xi32, #tpu.memory_space<vmem>> -> memref<1x125xi32, #tpu.memory_space<vmem>>
      %dma_start3A_87 = tpu.memref_squeeze %dma_start3A_86 : memref<1x125xi32, #tpu.memory_space<vmem>> -> memref<125xi32, #tpu.memory_space<vmem>>
      %dma_start3A_88 = arith.constant 0 : i32
      %dma_start3A_89 = arith.constant 0 : i32
      %dma_start3A_90 = tpu.memref_slice %arg10[%dma_start3A_88, %dma_start3A_89] : memref<10240x128xf32, #tpu.memory_space<vmem_shared>> -> memref<10240x128xf32, #tpu.memory_space<vmem_shared>>
      tpu.enqueue_indirect_dma source(%arg8 : memref<125x128xf32, #tpu.memory_space<vmem>>) target(%dma_start3A_90 : memref<10240x128xf32, #tpu.memory_space<vmem_shared>>) offsets(%dma_start3A_87 : memref<125xi32, #tpu.memory_space<vmem>>) semaphore(%run_scoped3A_84 : memref<!tpu.dma_semaphore, #tpu.memory_space<semaphore_mem>>) {add = true}
      %dma_wait3A_91 = arith.constant 0 : i32
      %dma_wait3A_92 = tpu.memref_slice %arg7[%run_scoped3A_68, %dma_wait3A_91] : memref<40x125xi32, #tpu.memory_space<vmem>> -> memref<1x125xi32, #tpu.memory_space<vmem>>
      %dma_wait3A_93 = tpu.memref_squeeze %dma_wait3A_92 : memref<1x125xi32, #tpu.memory_space<vmem>> -> memref<125xi32, #tpu.memory_space<vmem>>
      %dma_wait3A_94 = arith.constant 0 : i32
      %dma_wait3A_95 = arith.constant 0 : i32
      %dma_wait3A_96 = tpu.memref_slice %arg10[%dma_wait3A_94, %dma_wait3A_95] : memref<10240x128xf32, #tpu.memory_space<vmem_shared>> -> memref<10240x128xf32, #tpu.memory_space<vmem_shared>>
      tpu.wait_indirect_dma semaphore(%run_scoped3A_84 : memref<!tpu.dma_semaphore, #tpu.memory_space<semaphore_mem>>) src(%arg8 : memref<125x128xf32, #tpu.memory_space<vmem>>) dst(%dma_wait3A_96 : memref<10240x128xf32, #tpu.memory_space<vmem_shared>>)
      tpu.yield
    }) : () -> ()
    %dma_wait3A_69 = arith.constant 39 : i32
    %dma_wait3A_70 = arith.constant 0 : i32
    %dma_wait3A_71 = tpu.memref_slice %arg6[%dma_wait3A_69, %dma_wait3A_70] : memref<40x125xi32, #tpu.memory_space<vmem>> -> memref<1x125xi32, #tpu.memory_space<vmem>>
    %dma_wait3A_72 = tpu.memref_squeeze %dma_wait3A_71 : memref<1x125xi32, #tpu.memory_space<vmem>> -> memref<125xi32, #tpu.memory_space<vmem>>
    %dma_wait3A_73 = arith.constant 0 : i32
    %dma_wait3A_74 = arith.constant 0 : i32
    %dma_wait3A_75 = tpu.memref_slice %arg2[%dma_wait3A_73, %dma_wait3A_74] : memref<20000x128xf32, #tpu.memory_space<hbm>> -> memref<20000x128xf32, #tpu.memory_space<hbm>>
    tpu.wait_indirect_dma semaphore(%arg12 : memref<!tpu.dma_semaphore, #tpu.memory_space<semaphore_mem>>) src(%dma_wait3A_75 : memref<20000x128xf32, #tpu.memory_space<hbm>>) dst(%arg9 : memref<125x128xf32, #tpu.memory_space<vmem>>)
    %run_scoped3A_76 = arith.constant 39 : i32
    "tpu.region"() ({
      %run_scoped3A_84 = tpu.sem_alloc : memref<!tpu.dma_semaphore, #tpu.memory_space<semaphore_mem>>
      %dma_start3A_85 = arith.constant 0 : i32
      %dma_start3A_86 = tpu.memref_slice %arg7[%run_scoped3A_76, %dma_start3A_85] : memref<40x125xi32, #tpu.memory_space<vmem>> -> memref<1x125xi32, #tpu.memory_space<vmem>>
      %dma_start3A_87 = tpu.memref_squeeze %dma_start3A_86 : memref<1x125xi32, #tpu.memory_space<vmem>> -> memref<125xi32, #tpu.memory_space<vmem>>
      %dma_start3A_88 = arith.constant 0 : i32
      %dma_start3A_89 = arith.constant 0 : i32
      %dma_start3A_90 = tpu.memref_slice %arg10[%dma_start3A_88, %dma_start3A_89] : memref<10240x128xf32, #tpu.memory_space<vmem_shared>> -> memref<10240x128xf32, #tpu.memory_space<vmem_shared>>
      tpu.enqueue_indirect_dma source(%arg9 : memref<125x128xf32, #tpu.memory_space<vmem>>) target(%dma_start3A_90 : memref<10240x128xf32, #tpu.memory_space<vmem_shared>>) offsets(%dma_start3A_87 : memref<125xi32, #tpu.memory_space<vmem>>) semaphore(%run_scoped3A_84 : memref<!tpu.dma_semaphore, #tpu.memory_space<semaphore_mem>>) {add = true}
      %dma_wait3A_91 = arith.constant 0 : i32
      %dma_wait3A_92 = tpu.memref_slice %arg7[%run_scoped3A_76, %dma_wait3A_91] : memref<40x125xi32, #tpu.memory_space<vmem>> -> memref<1x125xi32, #tpu.memory_space<vmem>>
      %dma_wait3A_93 = tpu.memref_squeeze %dma_wait3A_92 : memref<1x125xi32, #tpu.memory_space<vmem>> -> memref<125xi32, #tpu.memory_space<vmem>>
      %dma_wait3A_94 = arith.constant 0 : i32
      %dma_wait3A_95 = arith.constant 0 : i32
      %dma_wait3A_96 = tpu.memref_slice %arg10[%dma_wait3A_94, %dma_wait3A_95] : memref<10240x128xf32, #tpu.memory_space<vmem_shared>> -> memref<10240x128xf32, #tpu.memory_space<vmem_shared>>
      tpu.wait_indirect_dma semaphore(%run_scoped3A_84 : memref<!tpu.dma_semaphore, #tpu.memory_space<semaphore_mem>>) src(%arg9 : memref<125x128xf32, #tpu.memory_space<vmem>>) dst(%dma_wait3A_96 : memref<10240x128xf32, #tpu.memory_space<vmem_shared>>)
      tpu.yield
    }) : () -> ()
    %barrier3A_77 = arith.constant 0 : index
    tpu.barrier barrier_id(%barrier3A_77)
    %lt3A = arith.constant 15 : i32
    %lt3A_78 = arith.cmpi slt, %arg1, %lt3A : i32
    %convert_element_type3A = arith.extui %lt3A_78 : i1 to i32
    %cond3A = arith.constant 0 : i32
    %cond3A_79 = arith.cmpi ne, %convert_element_type3A, %cond3A : i32
    scf.if %cond3A_79 {
      %mul3A = arith.constant 624 : i32
      %mul3A_84 = arith.muli %arg1, %mul3A : i32
      %mul3A_85 = arith.constant 10000 : i32
      %mul3A_86 = arith.muli %arg0, %mul3A_85 : i32
      %mul3A_87 = arith.constant 624 : i32
      %mul3A_88 = arith.muli %arg1, %mul3A_87 : i32
      %add3A = arith.addi %mul3A_86, %mul3A_88 : i32
      "tpu.region"() ({
        %run_scoped3A_89 = tpu.sem_alloc : memref<!tpu.dma_semaphore, #tpu.memory_space<semaphore_mem>>
        %dma_start3A_90 = arith.constant 0 : i32
        %dma_start3A_91 = tpu.memref_slice %arg5[%add3A, %dma_start3A_90] : memref<20000x128xf32, #tpu.memory_space<hbm>> -> memref<624x128xf32, #tpu.memory_space<hbm>>
        %dma_start3A_92 = arith.constant 0 : i32
        %dma_start3A_93 = tpu.memref_slice %arg10[%mul3A_84, %dma_start3A_92] : memref<10240x128xf32, #tpu.memory_space<vmem_shared>> -> memref<624x128xf32, #tpu.memory_space<vmem_shared>>
        tpu.enqueue_dma source(%dma_start3A_93 : memref<624x128xf32, #tpu.memory_space<vmem_shared>>) target(%dma_start3A_91 : memref<624x128xf32, #tpu.memory_space<hbm>>) target_semaphore(%run_scoped3A_89 : memref<!tpu.dma_semaphore, #tpu.memory_space<semaphore_mem>>)
        %dma_wait3A_94 = arith.constant 0 : i32
        %dma_wait3A_95 = tpu.memref_slice %arg5[%add3A, %dma_wait3A_94] : memref<20000x128xf32, #tpu.memory_space<hbm>> -> memref<624x128xf32, #tpu.memory_space<hbm>>
        %dma_wait3A_96 = arith.constant 0 : i32
        %dma_wait3A_97 = tpu.memref_slice %arg10[%mul3A_84, %dma_wait3A_96] : memref<10240x128xf32, #tpu.memory_space<vmem_shared>> -> memref<624x128xf32, #tpu.memory_space<vmem_shared>>
        tpu.wait_dma2 semaphore(%run_scoped3A_89 : memref<!tpu.dma_semaphore, #tpu.memory_space<semaphore_mem>>) src(%dma_wait3A_97 : memref<624x128xf32, #tpu.memory_space<vmem_shared>>) dst(%dma_wait3A_95 : memref<624x128xf32, #tpu.memory_space<hbm>>)
        tpu.yield
      }) : () -> ()
    } else {
    }
    %eq3A = arith.constant 15 : i32
    %eq3A_80 = arith.cmpi eq, %arg1, %eq3A : i32
    %convert_element_type3A_81 = arith.extui %eq3A_80 : i1 to i32
    %cond3A_82 = arith.constant 0 : i32
    %cond3A_83 = arith.cmpi ne, %convert_element_type3A_81, %cond3A_82 : i32
    scf.if %cond3A_83 {
      %mul3A = arith.constant 10000 : i32
      %mul3A_84 = arith.muli %arg0, %mul3A : i32
      %add3A = arith.constant 9360 : i32
      %add3A_85 = arith.addi %mul3A_84, %add3A : i32
      "tpu.region"() ({
        %run_scoped3A_86 = tpu.sem_alloc : memref<!tpu.dma_semaphore, #tpu.memory_space<semaphore_mem>>
        %dma_start3A_87 = arith.constant 0 : i32
        %dma_start3A_88 = tpu.memref_slice %arg5[%add3A_85, %dma_start3A_87] : memref<20000x128xf32, #tpu.memory_space<hbm>> -> memref<640x128xf32, #tpu.memory_space<hbm>>
        %dma_start3A_89 = arith.constant 9360 : i32
        %dma_start3A_90 = arith.constant 0 : i32
        %dma_start3A_91 = tpu.memref_slice %arg10[%dma_start3A_89, %dma_start3A_90] : memref<10240x128xf32, #tpu.memory_space<vmem_shared>> -> memref<640x128xf32, #tpu.memory_space<vmem_shared>>
        tpu.enqueue_dma source(%dma_start3A_91 : memref<640x128xf32, #tpu.memory_space<vmem_shared>>) target(%dma_start3A_88 : memref<640x128xf32, #tpu.memory_space<hbm>>) target_semaphore(%run_scoped3A_86 : memref<!tpu.dma_semaphore, #tpu.memory_space<semaphore_mem>>)
        %dma_wait3A_92 = arith.constant 0 : i32
        %dma_wait3A_93 = tpu.memref_slice %arg5[%add3A_85, %dma_wait3A_92] : memref<20000x128xf32, #tpu.memory_space<hbm>> -> memref<640x128xf32, #tpu.memory_space<hbm>>
        %dma_wait3A_94 = arith.constant 9360 : i32
        %dma_wait3A_95 = arith.constant 0 : i32
        %dma_wait3A_96 = tpu.memref_slice %arg10[%dma_wait3A_94, %dma_wait3A_95] : memref<10240x128xf32, #tpu.memory_space<vmem_shared>> -> memref<640x128xf32, #tpu.memory_space<vmem_shared>>
        tpu.wait_dma2 semaphore(%run_scoped3A_86 : memref<!tpu.dma_semaphore, #tpu.memory_space<semaphore_mem>>) src(%dma_wait3A_96 : memref<640x128xf32, #tpu.memory_space<vmem_shared>>) dst(%dma_wait3A_93 : memref<640x128xf32, #tpu.memory_space<hbm>>)
        tpu.yield
      }) : () -> ()
    } else {
    }
    return
  }
}

module attributes {stable_mosaic.version = 14 : i64} {
  func.func @_l1a_body(%arg0: i32, %arg1: i32, %arg2: memref<2000x256xf32, #tpu.memory_space<vmem>>, %arg3: memref<128x256xf32, #tpu.memory_space<vmem>>, %arg4: memref<2000x128xf32, #tpu.memory_space<vmem>>) attributes {dimension_semantics = [#tpu.dimension_semantics<arbitrary>, #tpu.dimension_semantics<arbitrary>], iteration_bounds = array<i64: 5, 2>, scalar_prefetch = 0 : i64, scratch_operands = 0 : i64, tpu.core_type = #tpu.core_type<tc>, window_params = [{transform_indices = @transform_0, window_bounds = array<i64: 2000, 256>}, {transform_indices = @transform_1, window_bounds = array<i64: 128, 256>}, {transform_indices = @transform_2, window_bounds = array<i64: 2000, 128>}]} {
    %get3A = arith.constant 0 : index
    %get3A_0 = arith.constant 0 : index
    %get3A_1 = vector.load %arg2[%get3A, %get3A_0] : memref<2000x256xf32, #tpu.memory_space<vmem>>, vector<2000x256xf32>
    %get3A_2 = arith.constant 0 : index
    %get3A_3 = arith.constant 0 : index
    %get3A_4 = vector.load %arg3[%get3A_2, %get3A_3] : memref<128x256xf32, #tpu.memory_space<vmem>>, vector<128x256xf32>
    %dot_general3A = arith.constant dense<0.000000e+00> : vector<2000x128xf32>
    %dot_general3A_5 = tpu.matmul %get3A_1, %get3A_4, %dot_general3A {dimension_numbers = #tpu.dot_dimension_numbers<[1], [1], [0], [0], [0, 0, 1, 0], [], []>, transpose_lhs_hint = false} : vector<2000x256xf32>, vector<128x256xf32>, vector<2000x128xf32> -> vector<2000x128xf32>
    %swap3A = arith.constant 0 : index
    %swap3A_6 = arith.constant 0 : index
    %swap3A_7 = vector.load %arg4[%swap3A, %swap3A_6] : memref<2000x128xf32, #tpu.memory_space<vmem>>, vector<2000x128xf32>
    tpu.vector_store %arg4[%swap3A, %swap3A_6], %dot_general3A_5 {strides = array<i32>} : memref<2000x128xf32, #tpu.memory_space<vmem>>, vector<2000x128xf32>,
    return
  }
  func.func @transform_0(%arg0: i32, %arg1: i32) -> (i32, i32) {
    %c0_i32 = arith.constant 0 : i32
    %c0_i32_0 = arith.constant 0 : i32
    return %arg0, %c0_i32 : i32, i32
  }
  func.func @transform_1(%arg0: i32, %arg1: i32) -> (i32, i32) {
    %c0_i32 = arith.constant 0 : i32
    %c0_i32_0 = arith.constant 0 : i32
    return %arg1, %c0_i32 : i32, i32
  }
  func.func @transform_2(%arg0: i32, %arg1: i32) -> (i32, i32) {
    %mul3A = arith.constant 5 : i32
    %mul3A_0 = arith.muli %arg1, %mul3A : i32
    %add3A = arith.addi %mul3A_0, %arg0 : i32
    %c0_i32 = arith.constant 0 : i32
    %c0_i32_1 = arith.constant 0 : i32
    return %add3A, %c0_i32 : i32, i32
  }
}

module attributes {stable_mosaic.version = 14 : i64} {
  func.func @_l1b_body(%arg0: i32, %arg1: i32, %arg2: memref<2000x256xf32, #tpu.memory_space<vmem>>, %arg3: memref<128x256xf32, #tpu.memory_space<vmem>>, %arg4: memref<1x1x128xf32, #tpu.memory_space<vmem>>, %arg5: memref<2000x128xf32, #tpu.memory_space<vmem>>) attributes {dimension_semantics = [#tpu.dimension_semantics<arbitrary>, #tpu.dimension_semantics<arbitrary>], iteration_bounds = array<i64: 5, 2>, scalar_prefetch = 0 : i64, scratch_operands = 0 : i64, tpu.core_type = #tpu.core_type<tc>, window_params = [{transform_indices = @transform_0, window_bounds = array<i64: 2000, 256>}, {transform_indices = @transform_1, window_bounds = array<i64: 128, 256>}, {transform_indices = @transform_2, window_bounds = array<i64: 1, 1, 128>}, {transform_indices = @transform_3, window_bounds = array<i64: 2000, 128>}]} {
    %get3A = arith.constant 0 : index
    %get3A_0 = arith.constant 0 : index
    %get3A_1 = vector.load %arg2[%get3A, %get3A_0] : memref<2000x256xf32, #tpu.memory_space<vmem>>, vector<2000x256xf32>
    %get3A_2 = arith.constant 0 : index
    %get3A_3 = arith.constant 0 : index
    %get3A_4 = vector.load %arg3[%get3A_2, %get3A_3] : memref<128x256xf32, #tpu.memory_space<vmem>>, vector<128x256xf32>
    %dot_general3A = arith.constant dense<0.000000e+00> : vector<2000x128xf32>
    %dot_general3A_5 = tpu.matmul %get3A_1, %get3A_4, %dot_general3A {dimension_numbers = #tpu.dot_dimension_numbers<[1], [1], [0], [0], [0, 0, 1, 0], [], []>, transpose_lhs_hint = false} : vector<2000x256xf32>, vector<128x256xf32>, vector<2000x128xf32> -> vector<2000x128xf32>
    %get3A_6 = arith.constant 0 : index
    %get3A_7 = arith.constant 0 : index
    %get3A_8 = arith.constant 0 : index
    %get3A_9 = vector.load %arg4[%get3A_6, %get3A_7, %get3A_8] : memref<1x1x128xf32, #tpu.memory_space<vmem>>, vector<1x1x128xf32>
    %get3A_10 = vector.shape_cast %get3A_9 : vector<1x1x128xf32> to vector<1x128xf32>
    %add3A = vector.broadcast %get3A_10 : vector<1x128xf32> to vector<2000x128xf32>
    %add3A_11 = arith.addf %dot_general3A_5, %add3A : vector<2000x128xf32>
    %swap3A = arith.constant 0 : index
    %swap3A_12 = arith.constant 0 : index
    %swap3A_13 = vector.load %arg5[%swap3A, %swap3A_12] : memref<2000x128xf32, #tpu.memory_space<vmem>>, vector<2000x128xf32>
    tpu.vector_store %arg5[%swap3A, %swap3A_12], %add3A_11 {strides = array<i32>} : memref<2000x128xf32, #tpu.memory_space<vmem>>, vector<2000x128xf32>,
    return
  }
  func.func @transform_0(%arg0: i32, %arg1: i32) -> (i32, i32) {
    %c0_i32 = arith.constant 0 : i32
    %c0_i32_0 = arith.constant 0 : i32
    return %arg0, %c0_i32 : i32, i32
  }
  func.func @transform_1(%arg0: i32, %arg1: i32) -> (i32, i32) {
    %c0_i32 = arith.constant 0 : i32
    %c0_i32_0 = arith.constant 0 : i32
    return %arg1, %c0_i32 : i32, i32
  }
  func.func @transform_2(%arg0: i32, %arg1: i32) -> (i32, i32, i32) {
    %c0_i32 = arith.constant 0 : i32
    %c0_i32_0 = arith.constant 0 : i32
    %c0_i32_1 = arith.constant 0 : i32
    return %arg1, %c0_i32, %c0_i32_0 : i32, i32, i32
  }
  func.func @transform_3(%arg0: i32, %arg1: i32) -> (i32, i32) {
    %c0_i32 = arith.constant 0 : i32
    return %arg0, %arg1 : i32, i32
  }
}

module attributes {stable_mosaic.version = 14 : i64} {
  func.func @_l2a_body(%arg0: i32, %arg1: i32, %arg2: memref<2000x128xf32, #tpu.memory_space<vmem>>, %arg3: memref<2000x128xf32, #tpu.memory_space<vmem>>, %arg4: memref<2000x256xf32, #tpu.memory_space<vmem>>, %arg5: memref<128x256xf32, #tpu.memory_space<vmem>>, %arg6: memref<2000x128xf32, #tpu.memory_space<vmem>>) attributes {dimension_semantics = [#tpu.dimension_semantics<arbitrary>, #tpu.dimension_semantics<arbitrary>], iteration_bounds = array<i64: 5, 2>, scalar_prefetch = 0 : i64, scratch_operands = 0 : i64, tpu.core_type = #tpu.core_type<tc>, window_params = [{transform_indices = @transform_0, window_bounds = array<i64: 2000, 128>}, {transform_indices = @transform_1, window_bounds = array<i64: 2000, 128>}, {transform_indices = @transform_2, window_bounds = array<i64: 2000, 256>}, {transform_indices = @transform_3, window_bounds = array<i64: 128, 256>}, {transform_indices = @transform_4, window_bounds = array<i64: 2000, 128>}]} {
    %get3A = arith.constant 0 : index
    %get3A_0 = arith.constant 0 : index
    %get3A_1 = vector.load %arg2[%get3A, %get3A_0] : memref<2000x128xf32, #tpu.memory_space<vmem>>, vector<2000x128xf32>
    %get3A_2 = arith.constant 0 : index
    %get3A_3 = arith.constant 0 : index
    %get3A_4 = vector.load %arg3[%get3A_2, %get3A_3] : memref<2000x128xf32, #tpu.memory_space<vmem>>, vector<2000x128xf32>
    %concatenate3A = tpu.concatenate %get3A_1, %get3A_4 in 1 : vector<2000x128xf32>, vector<2000x128xf32> -> vector<2000x256xf32>
    %get3A_5 = arith.constant 0 : index
    %get3A_6 = arith.constant 0 : index
    %get3A_7 = vector.load %arg4[%get3A_5, %get3A_6] : memref<2000x256xf32, #tpu.memory_space<vmem>>, vector<2000x256xf32>
    %add3A = arith.addf %concatenate3A, %get3A_7 : vector<2000x256xf32>
    %max3A = arith.constant 0.000000e+00 : f32
    %max3A_8 = vector.broadcast %max3A : f32 to vector<2000x256xf32>
    %max3A_9 = arith.maximumf %add3A, %max3A_8 : vector<2000x256xf32>
    %get3A_10 = arith.constant 0 : index
    %get3A_11 = arith.constant 0 : index
    %get3A_12 = vector.load %arg5[%get3A_10, %get3A_11] : memref<128x256xf32, #tpu.memory_space<vmem>>, vector<128x256xf32>
    %dot_general3A = arith.constant dense<0.000000e+00> : vector<2000x128xf32>
    %dot_general3A_13 = tpu.matmul %max3A_9, %get3A_12, %dot_general3A {dimension_numbers = #tpu.dot_dimension_numbers<[1], [1], [0], [0], [0, 0, 1, 0], [], []>, transpose_lhs_hint = false} : vector<2000x256xf32>, vector<128x256xf32>, vector<2000x128xf32> -> vector<2000x128xf32>
    %swap3A = arith.constant 0 : index
    %swap3A_14 = arith.constant 0 : index
    %swap3A_15 = vector.load %arg6[%swap3A, %swap3A_14] : memref<2000x128xf32, #tpu.memory_space<vmem>>, vector<2000x128xf32>
    tpu.vector_store %arg6[%swap3A, %swap3A_14], %dot_general3A_13 {strides = array<i32>} : memref<2000x128xf32, #tpu.memory_space<vmem>>, vector<2000x128xf32>,
    return
  }
  func.func @transform_0(%arg0: i32, %arg1: i32) -> (i32, i32) {
    %c0_i32 = arith.constant 0 : i32
    %c0_i32_0 = arith.constant 0 : i32
    return %arg0, %c0_i32 : i32, i32
  }
  func.func @transform_1(%arg0: i32, %arg1: i32) -> (i32, i32) {
    %add3A = arith.constant 5 : i32
    %add3A_0 = arith.addi %add3A, %arg0 : i32
    %c0_i32 = arith.constant 0 : i32
    %c0_i32_1 = arith.constant 0 : i32
    return %add3A_0, %c0_i32 : i32, i32
  }
  func.func @transform_2(%arg0: i32, %arg1: i32) -> (i32, i32) {
    %c0_i32 = arith.constant 0 : i32
    %c0_i32_0 = arith.constant 0 : i32
    return %arg0, %c0_i32 : i32, i32
  }
  func.func @transform_3(%arg0: i32, %arg1: i32) -> (i32, i32) {
    %c0_i32 = arith.constant 0 : i32
    %c0_i32_0 = arith.constant 0 : i32
    return %arg1, %c0_i32 : i32, i32
  }
  func.func @transform_4(%arg0: i32, %arg1: i32) -> (i32, i32) {
    %mul3A = arith.constant 5 : i32
    %mul3A_0 = arith.muli %arg1, %mul3A : i32
    %add3A = arith.addi %mul3A_0, %arg0 : i32
    %c0_i32 = arith.constant 0 : i32
    %c0_i32_1 = arith.constant 0 : i32
    return %add3A, %c0_i32 : i32, i32
  }
}

module attributes {stable_mosaic.version = 14 : i64} {
  func.func @_head_body(%arg0: i32, %arg1: memref<2000x128xf32, #tpu.memory_space<vmem>>, %arg2: memref<2000x128xf32, #tpu.memory_space<vmem>>, %arg3: memref<2000x256xf32, #tpu.memory_space<vmem>>, %arg4: memref<1x1x2000xi32, #tpu.memory_space<vmem>>, %arg5: memref<256x256xf32, #tpu.memory_space<vmem>>, %arg6: memref<1x256xf32, #tpu.memory_space<vmem>>, %arg7: memref<128x256xf32, #tpu.memory_space<vmem>>, %arg8: memref<1x128xf32, #tpu.memory_space<vmem>>, %arg9: memref<64x128xf32, #tpu.memory_space<vmem>>, %arg10: memref<64x256xf32, #tpu.memory_space<vmem>>, %arg11: memref<64x128xf32, #tpu.memory_space<vmem>>) attributes {dimension_semantics = [#tpu.dimension_semantics<arbitrary>], iteration_bounds = array<i64: 5>, scalar_prefetch = 0 : i64, scratch_operands = 2 : i64, tpu.core_type = #tpu.core_type<tc>, window_params = [{transform_indices = @transform_0, window_bounds = array<i64: 2000, 128>}, {transform_indices = @transform_1, window_bounds = array<i64: 2000, 128>}, {transform_indices = @transform_2, window_bounds = array<i64: 2000, 256>}, {transform_indices = @transform_3, window_bounds = array<i64: 1, 1, 2000>}, {pipeline_mode = #tpu.pipeline_mode<synchronous>, transform_indices = @transform_4, window_bounds = array<i64: 256, 256>}, {pipeline_mode = #tpu.pipeline_mode<synchronous>, transform_indices = @transform_5, window_bounds = array<i64: 1, 256>}, {pipeline_mode = #tpu.pipeline_mode<synchronous>, transform_indices = @transform_6, window_bounds = array<i64: 128, 256>}, {pipeline_mode = #tpu.pipeline_mode<synchronous>, transform_indices = @transform_7, window_bounds = array<i64: 1, 128>}, {pipeline_mode = #tpu.pipeline_mode<synchronous>, transform_indices = @transform_8, window_bounds = array<i64: 64, 128>}]} {
    %eq3A = arith.constant 0 : i32
    %eq3A_0 = arith.cmpi eq, %arg0, %eq3A : i32
    %convert_element_type3A = arith.extui %eq3A_0 : i1 to i32
    %cond3A = arith.constant 0 : i32
    %cond3A_1 = arith.cmpi ne, %convert_element_type3A, %cond3A : i32
    scf.if %cond3A_1 {
      %broadcast_in_dim3A_44 = arith.constant 0.000000e+00 : f32
      %broadcast_in_dim3A_45 = vector.broadcast %broadcast_in_dim3A_44 : f32 to vector<64x256xf32>
      %swap3A_46 = arith.constant 0 : index
      %swap3A_47 = arith.constant 0 : index
      %swap3A_48 = vector.load %arg10[%swap3A_46, %swap3A_47] : memref<64x256xf32, #tpu.memory_space<vmem>>, vector<64x256xf32>
      tpu.vector_store %arg10[%swap3A_46, %swap3A_47], %broadcast_in_dim3A_45 {strides = array<i32>} : memref<64x256xf32, #tpu.memory_space<vmem>>, vector<64x256xf32>,
      %broadcast_in_dim3A_49 = arith.constant 0.000000e+00 : f32
      %broadcast_in_dim3A_50 = vector.broadcast %broadcast_in_dim3A_49 : f32 to vector<64x128xf32>
      %swap3A_51 = arith.constant 0 : index
      %swap3A_52 = arith.constant 0 : index
      %swap3A_53 = vector.load %arg11[%swap3A_51, %swap3A_52] : memref<64x128xf32, #tpu.memory_space<vmem>>, vector<64x128xf32>
      tpu.vector_store %arg11[%swap3A_51, %swap3A_52], %broadcast_in_dim3A_50 {strides = array<i32>} : memref<64x128xf32, #tpu.memory_space<vmem>>, vector<64x128xf32>,
    } else {
    }
    %get3A = arith.constant 0 : index
    %get3A_2 = arith.constant 0 : index
    %get3A_3 = vector.load %arg1[%get3A, %get3A_2] : memref<2000x128xf32, #tpu.memory_space<vmem>>, vector<2000x128xf32>
    %get3A_4 = arith.constant 0 : index
    %get3A_5 = arith.constant 0 : index
    %get3A_6 = vector.load %arg2[%get3A_4, %get3A_5] : memref<2000x128xf32, #tpu.memory_space<vmem>>, vector<2000x128xf32>
    %concatenate3A = tpu.concatenate %get3A_3, %get3A_6 in 1 : vector<2000x128xf32>, vector<2000x128xf32> -> vector<2000x256xf32>
    %get3A_7 = arith.constant 0 : index
    %get3A_8 = arith.constant 0 : index
    %get3A_9 = vector.load %arg3[%get3A_7, %get3A_8] : memref<2000x256xf32, #tpu.memory_space<vmem>>, vector<2000x256xf32>
    %add3A = arith.addf %concatenate3A, %get3A_9 : vector<2000x256xf32>
    %max3A = arith.constant 0.000000e+00 : f32
    %max3A_10 = vector.broadcast %max3A : f32 to vector<2000x256xf32>
    %max3A_11 = arith.maximumf %add3A, %max3A_10 : vector<2000x256xf32>
    %get3A_12 = arith.constant 0 : index
    %get3A_13 = arith.constant 0 : index
    %get3A_14 = arith.constant 0 : index
    %get3A_15 = vector.load %arg4[%get3A_12, %get3A_13, %get3A_14] : memref<1x1x2000xi32, #tpu.memory_space<vmem>>, vector<1x1x2000xi32>
    %get3A_16 = vector.shape_cast %get3A_15 : vector<1x1x2000xi32> to vector<2000xi32>
    %iota3A = tpu.iota {dimensions = array<i32: 0>} : vector<64x2000xi32>
    %broadcast_in_dim3A = vector.shape_cast %get3A_16 : vector<2000xi32> to vector<1x2000xi32>
    %eq3A_17 = vector.broadcast %broadcast_in_dim3A : vector<1x2000xi32> to vector<64x2000xi32>
    %eq3A_18 = arith.cmpi eq, %iota3A, %eq3A_17 : vector<64x2000xi32>
    %convert_element_type3A_19 = arith.extui %eq3A_18 : vector<64x2000xi1> to vector<64x2000xi32>
    %convert_element_type3A_20 = arith.sitofp %convert_element_type3A_19 : vector<64x2000xi32> to vector<64x2000xf32>
    %get3A_21 = arith.constant 0 : index
    %get3A_22 = arith.constant 0 : index
    %get3A_23 = vector.load %arg10[%get3A_21, %get3A_22] : memref<64x256xf32, #tpu.memory_space<vmem>>, vector<64x256xf32>
    %dot_general3A = arith.constant dense<0.000000e+00> : vector<64x256xf32>
    %dot_general3A_24 = tpu.matmul %convert_element_type3A_20, %max3A_11, %dot_general3A {dimension_numbers = #tpu.dot_dimension_numbers<[1], [0], [0], [1], [0, 0, 1, 1], [], []>, transpose_lhs_hint = false} : vector<64x2000xf32>, vector<2000x256xf32>, vector<64x256xf32> -> vector<64x256xf32>
    %add3A_25 = arith.addf %get3A_23, %dot_general3A_24 : vector<64x256xf32>
    %swap3A = arith.constant 0 : index
    %swap3A_26 = arith.constant 0 : index
    %swap3A_27 = vector.load %arg10[%swap3A, %swap3A_26] : memref<64x256xf32, #tpu.memory_space<vmem>>, vector<64x256xf32>
    tpu.vector_store %arg10[%swap3A, %swap3A_26], %add3A_25 {strides = array<i32>} : memref<64x256xf32, #tpu.memory_space<vmem>>, vector<64x256xf32>,
    %get3A_28 = arith.constant 0 : index
    %get3A_29 = arith.constant 0 : index
    %get3A_30 = vector.load %arg11[%get3A_28, %get3A_29] : memref<64x128xf32, #tpu.memory_space<vmem>>, vector<64x128xf32>
    %reduce_sum3A = arith.constant dense<0.000000e+00> : vector<64xf32>
    %reduce_sum3A_31 = vector.multi_reduction <add>, %convert_element_type3A_20, %reduce_sum3A [1] : vector<64x2000xf32> to vector<64xf32>
    %broadcast_in_dim3A_32 = vector.shape_cast %reduce_sum3A_31 : vector<64xf32> to vector<64x1xf32>
    %broadcast_in_dim3A_33 = vector.shape_cast %broadcast_in_dim3A_32 : vector<64x1xf32> to vector<64x1xf32>
    %broadcast_in_dim3A_34 = vector.broadcast %broadcast_in_dim3A_33 : vector<64x1xf32> to vector<64x128xf32>
    %add3A_35 = arith.addf %get3A_30, %broadcast_in_dim3A_34 : vector<64x128xf32>
    %swap3A_36 = arith.constant 0 : index
    %swap3A_37 = arith.constant 0 : index
    %swap3A_38 = vector.load %arg11[%swap3A_36, %swap3A_37] : memref<64x128xf32, #tpu.memory_space<vmem>>, vector<64x128xf32>
    tpu.vector_store %arg11[%swap3A_36, %swap3A_37], %add3A_35 {strides = array<i32>} : memref<64x128xf32, #tpu.memory_space<vmem>>, vector<64x128xf32>,
    %eq3A_39 = arith.constant 4 : i32
    %eq3A_40 = arith.cmpi eq, %arg0, %eq3A_39 : i32
    %convert_element_type3A_41 = arith.extui %eq3A_40 : i1 to i32
    %cond3A_42 = arith.constant 0 : i32
    %cond3A_43 = arith.cmpi ne, %convert_element_type3A_41, %cond3A_42 : i32
    scf.if %cond3A_43 {
      %get3A_44 = arith.constant 0 : index
      %get3A_45 = arith.constant 0 : index
      %get3A_46 = vector.load %arg10[%get3A_44, %get3A_45] : memref<64x256xf32, #tpu.memory_space<vmem>>, vector<64x256xf32>
      %get3A_47 = arith.constant 0 : index
      %get3A_48 = arith.constant 0 : index
      %get3A_49 = vector.load %arg11[%get3A_47, %get3A_48] : memref<64x128xf32, #tpu.memory_space<vmem>>, vector<64x1xf32>
      %jit3A = arith.constant 1.000000e+00 : f32
      %max3A_50 = vector.broadcast %jit3A : f32 to vector<64x1xf32>
      %max3A_51 = arith.maximumf %max3A_50, %get3A_49 : vector<64x1xf32>
      %div3A = vector.broadcast %max3A_51 : vector<64x1xf32> to vector<64x256xf32>
      %div3A_52 = arith.divf %get3A_46, %div3A : vector<64x256xf32>
      %get3A_53 = arith.constant 0 : index
      %get3A_54 = arith.constant 0 : index
      %get3A_55 = vector.load %arg5[%get3A_53, %get3A_54] : memref<256x256xf32, #tpu.memory_space<vmem>>, vector<256x256xf32>
      %dot_general3A_56 = arith.constant dense<0.000000e+00> : vector<64x256xf32>
      %dot_general3A_57 = tpu.matmul %div3A_52, %get3A_55, %dot_general3A_56 {dimension_numbers = #tpu.dot_dimension_numbers<[1], [1], [0], [0], [0, 0, 1, 0], [], []>, transpose_lhs_hint = false} : vector<64x256xf32>, vector<256x256xf32>, vector<64x256xf32> -> vector<64x256xf32>
      %get3A_58 = arith.constant 0 : index
      %get3A_59 = arith.constant 0 : index
      %get3A_60 = vector.load %arg6[%get3A_58, %get3A_59] : memref<1x256xf32, #tpu.memory_space<vmem>>, vector<1x256xf32>
      %add3A_61 = vector.broadcast %get3A_60 : vector<1x256xf32> to vector<64x256xf32>
      %add3A_62 = arith.addf %dot_general3A_57, %add3A_61 : vector<64x256xf32>
      %max3A_63 = arith.constant 0.000000e+00 : f32
      %max3A_64 = vector.broadcast %max3A_63 : f32 to vector<64x256xf32>
      %max3A_65 = arith.maximumf %add3A_62, %max3A_64 : vector<64x256xf32>
      %get3A_66 = arith.constant 0 : index
      %get3A_67 = arith.constant 0 : index
      %get3A_68 = vector.load %arg7[%get3A_66, %get3A_67] : memref<128x256xf32, #tpu.memory_space<vmem>>, vector<128x256xf32>
      %dot_general3A_69 = arith.constant dense<0.000000e+00> : vector<64x128xf32>
      %dot_general3A_70 = tpu.matmul %max3A_65, %get3A_68, %dot_general3A_69 {dimension_numbers = #tpu.dot_dimension_numbers<[1], [1], [0], [0], [0, 0, 1, 0], [], []>, transpose_lhs_hint = false} : vector<64x256xf32>, vector<128x256xf32>, vector<64x128xf32> -> vector<64x128xf32>
      %get3A_71 = arith.constant 0 : index
      %get3A_72 = arith.constant 0 : index
      %get3A_73 = vector.load %arg8[%get3A_71, %get3A_72] : memref<1x128xf32, #tpu.memory_space<vmem>>, vector<1x128xf32>
      %add3A_74 = vector.broadcast %get3A_73 : vector<1x128xf32> to vector<64x128xf32>
      %add3A_75 = arith.addf %dot_general3A_70, %add3A_74 : vector<64x128xf32>
      %swap3A_76 = arith.constant 0 : index
      %swap3A_77 = arith.constant 0 : index
      %swap3A_78 = vector.load %arg9[%swap3A_76, %swap3A_77] : memref<64x128xf32, #tpu.memory_space<vmem>>, vector<64x128xf32>
      tpu.vector_store %arg9[%swap3A_76, %swap3A_77], %add3A_75 {strides = array<i32>} : memref<64x128xf32, #tpu.memory_space<vmem>>, vector<64x128xf32>,
    } else {
    }
    return
  }
  func.func @transform_0(%arg0: i32) -> (i32, i32) {
    %c0_i32 = arith.constant 0 : i32
    %c0_i32_0 = arith.constant 0 : i32
    return %arg0, %c0_i32 : i32, i32
  }
  func.func @transform_1(%arg0: i32) -> (i32, i32) {
    %add3A = arith.constant 5 : i32
    %add3A_0 = arith.addi %add3A, %arg0 : i32
    %c0_i32 = arith.constant 0 : i32
    %c0_i32_1 = arith.constant 0 : i32
    return %add3A_0, %c0_i32 : i32, i32
  }
  func.func @transform_2(%arg0: i32) -> (i32, i32) {
    %c0_i32 = arith.constant 0 : i32
    %c0_i32_0 = arith.constant 0 : i32
    return %arg0, %c0_i32 : i32, i32
  }
  func.func @transform_3(%arg0: i32) -> (i32, i32, i32) {
    %c0_i32 = arith.constant 0 : i32
    %c0_i32_0 = arith.constant 0 : i32
    %c0_i32_1 = arith.constant 0 : i32
    return %arg0, %c0_i32, %c0_i32_0 : i32, i32, i32
  }
  func.func @transform_4(%arg0: i32) -> (i32, i32) {
    %c0_i32 = arith.constant 0 : i32
    %c0_i32_0 = arith.constant 0 : i32
    %c0_i32_1 = arith.constant 0 : i32
    return %c0_i32, %c0_i32_0 : i32, i32
  }
  func.func @transform_5(%arg0: i32) -> (i32, i32) {
    %c0_i32 = arith.constant 0 : i32
    %c0_i32_0 = arith.constant 0 : i32
    %c0_i32_1 = arith.constant 0 : i32
    return %c0_i32, %c0_i32_0 : i32, i32
  }
  func.func @transform_6(%arg0: i32) -> (i32, i32) {
    %c0_i32 = arith.constant 0 : i32
    %c0_i32_0 = arith.constant 0 : i32
    %c0_i32_1 = arith.constant 0 : i32
    return %c0_i32, %c0_i32_0 : i32, i32
  }
  func.func @transform_7(%arg0: i32) -> (i32, i32) {
    %c0_i32 = arith.constant 0 : i32
    %c0_i32_0 = arith.constant 0 : i32
    %c0_i32_1 = arith.constant 0 : i32
    return %c0_i32, %c0_i32_0 : i32, i32
  }
  func.func @transform_8(%arg0: i32) -> (i32, i32) {
    %c0_i32 = arith.constant 0 : i32
    %c0_i32_0 = arith.constant 0 : i32
    %c0_i32_1 = arith.constant 0 : i32
    return %c0_i32, %c0_i32_0 : i32, i32
  }
}

module attributes {stable_mosaic.version = 14 : i64} {
  func.func @_l2b_body(%arg0: i32, %arg1: i32, %arg2: memref<2000x128xf32, #tpu.memory_space<vmem>>, %arg3: memref<2000x128xf32, #tpu.memory_space<vmem>>, %arg4: memref<2000x256xf32, #tpu.memory_space<vmem>>, %arg5: memref<128x256xf32, #tpu.memory_space<vmem>>, %arg6: memref<1x1x128xf32, #tpu.memory_space<vmem>>, %arg7: memref<2000x128xf32, #tpu.memory_space<vmem>>) attributes {dimension_semantics = [#tpu.dimension_semantics<arbitrary>, #tpu.dimension_semantics<arbitrary>], iteration_bounds = array<i64: 5, 2>, scalar_prefetch = 0 : i64, scratch_operands = 0 : i64, tpu.core_type = #tpu.core_type<tc>, window_params = [{transform_indices = @transform_0, window_bounds = array<i64: 2000, 128>}, {transform_indices = @transform_1, window_bounds = array<i64: 2000, 128>}, {transform_indices = @transform_2, window_bounds = array<i64: 2000, 256>}, {transform_indices = @transform_3, window_bounds = array<i64: 128, 256>}, {transform_indices = @transform_4, window_bounds = array<i64: 1, 1, 128>}, {transform_indices = @transform_5, window_bounds = array<i64: 2000, 128>}]} {
    %get3A = arith.constant 0 : index
    %get3A_0 = arith.constant 0 : index
    %get3A_1 = vector.load %arg2[%get3A, %get3A_0] : memref<2000x128xf32, #tpu.memory_space<vmem>>, vector<2000x128xf32>
    %get3A_2 = arith.constant 0 : index
    %get3A_3 = arith.constant 0 : index
    %get3A_4 = vector.load %arg3[%get3A_2, %get3A_3] : memref<2000x128xf32, #tpu.memory_space<vmem>>, vector<2000x128xf32>
    %concatenate3A = tpu.concatenate %get3A_1, %get3A_4 in 1 : vector<2000x128xf32>, vector<2000x128xf32> -> vector<2000x256xf32>
    %get3A_5 = arith.constant 0 : index
    %get3A_6 = arith.constant 0 : index
    %get3A_7 = vector.load %arg4[%get3A_5, %get3A_6] : memref<2000x256xf32, #tpu.memory_space<vmem>>, vector<2000x256xf32>
    %add3A = arith.addf %concatenate3A, %get3A_7 : vector<2000x256xf32>
    %max3A = arith.constant 0.000000e+00 : f32
    %max3A_8 = vector.broadcast %max3A : f32 to vector<2000x256xf32>
    %max3A_9 = arith.maximumf %add3A, %max3A_8 : vector<2000x256xf32>
    %get3A_10 = arith.constant 0 : index
    %get3A_11 = arith.constant 0 : index
    %get3A_12 = vector.load %arg5[%get3A_10, %get3A_11] : memref<128x256xf32, #tpu.memory_space<vmem>>, vector<128x256xf32>
    %dot_general3A = arith.constant dense<0.000000e+00> : vector<2000x128xf32>
    %dot_general3A_13 = tpu.matmul %max3A_9, %get3A_12, %dot_general3A {dimension_numbers = #tpu.dot_dimension_numbers<[1], [1], [0], [0], [0, 0, 1, 0], [], []>, transpose_lhs_hint = false} : vector<2000x256xf32>, vector<128x256xf32>, vector<2000x128xf32> -> vector<2000x128xf32>
    %get3A_14 = arith.constant 0 : index
    %get3A_15 = arith.constant 0 : index
    %get3A_16 = arith.constant 0 : index
    %get3A_17 = vector.load %arg6[%get3A_14, %get3A_15, %get3A_16] : memref<1x1x128xf32, #tpu.memory_space<vmem>>, vector<1x1x128xf32>
    %get3A_18 = vector.shape_cast %get3A_17 : vector<1x1x128xf32> to vector<1x128xf32>
    %add3A_19 = vector.broadcast %get3A_18 : vector<1x128xf32> to vector<2000x128xf32>
    %add3A_20 = arith.addf %dot_general3A_13, %add3A_19 : vector<2000x128xf32>
    %swap3A = arith.constant 0 : index
    %swap3A_21 = arith.constant 0 : index
    %swap3A_22 = vector.load %arg7[%swap3A, %swap3A_21] : memref<2000x128xf32, #tpu.memory_space<vmem>>, vector<2000x128xf32>
    tpu.vector_store %arg7[%swap3A, %swap3A_21], %add3A_20 {strides = array<i32>} : memref<2000x128xf32, #tpu.memory_space<vmem>>, vector<2000x128xf32>,
    return
  }
  func.func @transform_0(%arg0: i32, %arg1: i32) -> (i32, i32) {
    %c0_i32 = arith.constant 0 : i32
    %c0_i32_0 = arith.constant 0 : i32
    return %arg0, %c0_i32 : i32, i32
  }
  func.func @transform_1(%arg0: i32, %arg1: i32) -> (i32, i32) {
    %add3A = arith.constant 5 : i32
    %add3A_0 = arith.addi %add3A, %arg0 : i32
    %c0_i32 = arith.constant 0 : i32
    %c0_i32_1 = arith.constant 0 : i32
    return %add3A_0, %c0_i32 : i32, i32
  }
  func.func @transform_2(%arg0: i32, %arg1: i32) -> (i32, i32) {
    %c0_i32 = arith.constant 0 : i32
    %c0_i32_0 = arith.constant 0 : i32
    return %arg0, %c0_i32 : i32, i32
  }
  func.func @transform_3(%arg0: i32, %arg1: i32) -> (i32, i32) {
    %c0_i32 = arith.constant 0 : i32
    %c0_i32_0 = arith.constant 0 : i32
    return %arg1, %c0_i32 : i32, i32
  }
  func.func @transform_4(%arg0: i32, %arg1: i32) -> (i32, i32, i32) {
    %c0_i32 = arith.constant 0 : i32
    %c0_i32_0 = arith.constant 0 : i32
    %c0_i32_1 = arith.constant 0 : i32
    return %arg1, %c0_i32, %c0_i32_0 : i32, i32, i32
  }
  func.func @transform_5(%arg0: i32, %arg1: i32) -> (i32, i32) {
    %c0_i32 = arith.constant 0 : i32
    return %arg0, %arg1 : i32, i32
  }
}

</mosaic_0001>

<sc_bundles>
// kernel: kernel.12.cloned.1.call-start
scs
__scs_entry_jumppad:
0x0: {  	(pc) =	sbr.rel $0x88, $3  }
0x1: {  	(tag) =	ssettag $0x0;
	lr =	simm.s32 $0x1  }
0x2: {  	[smem:$0x3F94] =	sst lr;
	_ =	strace $0xD0000000  }
0x3: {  	_ = 	snop  }
0x4: {  	_ = 	snop  }
0x5: {  	_ = 	snop  }
0x6: {  	_ = 	snop  }
0x7: {  	_ = 	snop  }
__scs_overlays_trampoline_lowered:
0x8: {  	[smem:$0x3FA3] =	sst s0  }
0x9: {  	[smem:$0x3FA4] =	sst s1  }
0xa: {  	[smem:$0x3FA5] =	sst s2  }
0xb: {  	[smem:$0x3FA6] =	sst s3  }
0xc: {  	[smem:$0x3FA7] =	sst s4  }
0xd: {  	[smem:$0x3FA8] =	sst s5  }
0xe: {  	[smem:$0x3FA9] =	sst s6  }
0xf: {  	[smem:$0x3FAA] =	sst s7  }
0x10: {  	[smem:$0x3FAB] =	sst s8  }
0x11: {  	[smem:$0x3FAC] =	sst s9;
	s0 =	simm.s32 @!p0 $0x0  }
0x12: {  	s1 =	sld [smem:$0x3F92];
	s0 =	simm.s32 @p0 $0x1  }
0x13: {  	[smem:$0x3FAD] =	sst s0;
	s0 =	simm.s32 @!p1 $0x0  }
0x14: {  	s2 =	sld [smem:$0x3F91];
	s0 =	simm.s32 @p1 $0x1  }
0x15: {  	[smem:$0x3FAE] =	sst s0;
	s0 =	simm.s32 @!p2 $0x0  }
0x16: {  	s3 =	sld [smem:$0x3FDB];
	s0 =	simm.s32 @p2 $0x1  }
0x17: {  	s4 =	simm.s32 $0x1BF5;
	[smem:$0x3FB0] =	sst s0  }
0x18: {  	s0 =	sld [smem:$0x3F93];
	_ =	swait.ge [sflag:s4], $0x0  }
0x19: {  	s7 =	sld [smem:$0x3F94]  }
0x1a: {  	s8 =	sadd.s32 $0xFFFFE003, lr  }
0x1b: {  	s9 =	sadd.s32 $0xFFFFFEF7, lr;
	s5 =	simm.s32 $0xFFFFFFFF;
	p2 =	slt.u32 s8, $0xFFFFF086  }
0x1c: {  	p1 =	slt.u32 s9, $0xF7A;
	s5 =	simm.s32 @!p2 $0x0  }
0x1d: {  	s5 =	simm.s32 @p1 $0x1;
	p0 =	seq.s32 s7, s2  }
0x1e: {  	s7 =	smul.u32 @!p0 $0xF7A, s2;
	p2 =	seq.s32 @!p0 s5, $0x0  }
0x1f: {  	s9 =	smul.u32 $0xF7A, s1;
	s8 =	simm.s32 @!p0 $0x1BF5;
	p2 =	por !p2, p0  }
0x20: {  	[sflag:s8] =	ssyncset.s32 @!p0 $0xFFFFF086;
	s6 =	sadd.s32 @!p0 s3, s7;
	s7 =	simm.s32 @!p0 $0x108  }
0x21: {  	s3 =	sadd.s32 s3, s9;
	s6 =	sadd.s32 @!p0 $0x88, s6;
	s7 =	simm.s32 @p2 $0x1082  }
0x22: {  	[simem:s7], [sflag:s8] =	dma.local @!p0 [hbm:s6], $0xF7A  }
0x23: {  	s9 =	sor.u32 $0xD0000000, s2;
	s6 =	simm.s32 $0x108;
	_ =	swait.ge @!p0 [sflag:s8], $0x0  }
0x24: {  	s3 =	sadd.s32 $0x88, s3;
	s6 =	simm.s32 @!p1 $0x1082;
	[sflag:s4] =	ssyncset.s32 $0xFFFFF086  }
0x25: {  	[simem:s6], [sflag:s4] =	dma.local [hbm:s3], $0xF7A  }
0x26: {  	[smem:$0x3F94] =	sst s1;
	(tag) =	ssettag s2;
	_ =	strace s9  }
0x27: {  	s1 =	sld [smem:$0x3FA4]  }
0x28: {  	s2 =	sld [smem:$0x3FA5]  }
0x29: {  	s4 =	sld [smem:$0x3FA7]  }
0x2a: {  	p0 =	seq.s32 s5, $0x0;
	s5 =	sld [smem:$0x3FA8]  }
0x2b: {  	s6 =	sld [smem:$0x3FA9]  }
0x2c: {  	s7 =	sld [smem:$0x3FAA]  }
0x2d: {  	s3 =	simm.s32 $0x108;
	s8 =	sld [smem:$0x3FAB]  }
0x2e: {  	s3 =	simm.s32 @!p0 $0x1082;
	s9 =	sld [smem:$0x3FAC]  }
0x2f: {  	lr =	sadd.s32 s0, s3;
	s0 =	sld [smem:$0x3FA3]  }
0x30: {  	s3 =	sld [smem:$0x3FA6]  }
0x31: {  	[smem:$0x3FAF] =	sst s10  }
0x32: {  	s10 =	sld [smem:$0x3FAD];
	_ =	sdelay $0x3  }
0x33: {  	p0 =	seq.s32 s10, $0x1;
	s10 =	sld [smem:$0x3FAF];
	_ =	sdelay $0x3  }
0x34: {  	[smem:$0x3FAF] =	sst s10  }
0x35: {  	s10 =	sld [smem:$0x3FAE];
	_ =	sdelay $0x3  }
0x36: {  	p1 =	seq.s32 s10, $0x1;
	s10 =	sld [smem:$0x3FAF];
	_ =	sdelay $0x3  }
0x37: {  	[smem:$0x3FAF] =	sst s10  }
0x38: {  	s10 =	sld [smem:$0x3FB0]  }
0x39: {  	_ = 	snop;
	(pc) =	sbr.ind lr, $3  }
0x3a: {  	_ = 	snop  }
0x3b: {  	_ = 	snop  }
0x3c: {  	p2 =	seq.s32 s10, $0x1;
	s10 =	sld [smem:$0x3FAF]  }
0x3d: {  	_ =	shalt  }
0x3e: {  	_ =	shalt  }
0x3f: {  	_ =	shalt  }
0x40: {  	_ =	shalt  }
0x41: {  	_ =	shalt  }
0x42: {  	_ =	shalt  }
0x43: {  	_ =	shalt  }
0x44: {  	_ =	shalt  }
0x45: {  	_ =	shalt  }
0x46: {  	_ =	shalt  }
0x47: {  	_ =	shalt  }
0x48: {  	_ =	shalt  }
0x49: {  	_ =	shalt  }
0x4a: {  	_ =	shalt  }
0x4b: {  	_ =	shalt  }
0x4c: {  	_ =	shalt  }
0x4d: {  	_ =	shalt  }
0x4e: {  	_ =	shalt  }
0x4f: {  	_ =	shalt  }
0x50: {  	_ =	shalt  }
0x51: {  	_ =	shalt  }
0x52: {  	_ =	shalt  }
0x53: {  	_ =	shalt  }
0x54: {  	_ =	shalt  }
0x55: {  	_ =	shalt  }
0x56: {  	_ =	shalt  }
0x57: {  	_ =	shalt  }
0x58: {  	_ =	shalt  }
0x59: {  	_ =	shalt  }
0x5a: {  	_ =	shalt  }
0x5b: {  	_ =	shalt  }
0x5c: {  	_ =	shalt  }
0x5d: {  	_ =	shalt  }
0x5e: {  	_ =	shalt  }
0x5f: {  	_ =	shalt  }
0x60: {  	_ =	shalt  }
0x61: {  	_ =	shalt  }
0x62: {  	_ =	shalt  }
0x63: {  	_ =	shalt  }
0x64: {  	_ =	shalt  }
0x65: {  	_ =	shalt  }
0x66: {  	_ =	shalt  }
0x67: {  	_ =	shalt  }
0x68: {  	_ =	shalt  }
0x69: {  	_ =	shalt  }
0x6a: {  	_ =	shalt  }
0x6b: {  	_ =	shalt  }
0x6c: {  	_ =	shalt  }
0x6d: {  	_ =	shalt  }
0x6e: {  	_ =	shalt  }
0x6f: {  	_ =	shalt  }
0x70: {  	_ =	shalt  }
0x71: {  	_ =	shalt  }
0x72: {  	_ =	shalt  }
0x73: {  	_ =	shalt  }
0x74: {  	_ =	shalt  }
0x75: {  	_ =	shalt  }
0x76: {  	_ =	shalt  }
0x77: {  	_ =	shalt  }
0x78: {  	_ =	shalt  }
0x79: {  	_ =	shalt  }
0x7a: {  	_ =	shalt  }
0x7b: {  	_ =	shalt  }
0x7c: {  	_ =	shalt  }
0x7d: {  	_ =	shalt  }
0x7e: {  	_ =	shalt  }
0x7f: {  	_ =	shalt  }
0x80: {  	_ =	shalt  }
0x81: {  	_ =	shalt  }
0x82: {  	_ =	shalt  }
0x83: {  	_ =	shalt  }
0x84: {  	_ =	shalt  }
0x85: {  	_ =	shalt  }
0x86: {  	_ =	shalt  }
0x87: {  	_ =	shalt  }
.Lfunc_end0:
.L_simem_size_0:
called_computation.1_lowered:
.L_overlay_start_0:
0x88: {  	s2 =	sld [smem:$0x3FD9]  }
0x89: {  	s3 =	sld [smem:$0x3FFE];
	_ =	sdelay $0x1  }
0x8a: {  	s1 =	srdreg.scid  }
0x8b: {  	s0 =	sand.u32 $0x1, s1  }
0x8c: {  	s16 =	sshll.u32 s0, $0xA;
	s2 =	sadd.s32 s3, s2  }
0x8d: {  	s2 =	sadd.s32 s2, s16  }
0x8e: {  	[smem:$0x3FBB] =	sst s2  }
0x8f: {  	_ = 	snop  }
0x90: {  	(tm) =	ssettm $0x1  }
0x91: {  	s17 =	sld [smem:$0x3FFB];
	_ =	sdelay $0x3  }
0x92: {  	_ =	strace s17  }
0x93: {  	s2 =	sld [smem:$0x3FFC];
	_ =	sdelay $0x3  }
0x94: {  	_ =	strace s2  }
0x95: {  	s2 =	sld [smem:$0x3FFD];
	_ =	sdelay $0x3  }
0x96: {  	_ =	strace s2  }
0x97: {  	_ =	strace $0x8FFFFFFF  }
0x98: {  	s18 =	sld [smem:$0x3FDB];
	_ =	sdelay $0x1  }
0x99: {  	s19 =	simm.s32 $_scs_section_size  }
0x9a: {  	s4 =	simm.s32 $_size__tile_overlayer_lowered;
	s5 =	simm.s32 $_tile_overlayer_lowered  }
0x9b: {  	s22 =	simm.s32 $0x1BFF;
	s21 =	sshll.u32 s5, $0x1;
	s2 =	sadd.s32 s19, s18  }
0x9c: {  	s6 =	simm.s32 $0x0;
	s20 =	sshll.u32 s4, $0x1;
	s4 =	sadd.s32 s21, s2  }
0x9d: {  	[timem:s6], [sflag:s22] =	dma.local [hbm:s4], s20  }
0x9e: {  	_ =	swait.ge [sflag:s22], s20  }
0x9f: {  	s3 =	ssub.s32 $0x0, s20;
	[sflag:s22] =	ssyncset.done $0x0  }
0xa0: {  	[sflag:s22] =	ssyncadd.s32 s3;
	_ =	sdelay $0x1  }
0xa1: {  	s23 =	simm.s32 $0x1B8B  }
0xa2: {  	_ =	swait.ge [sflag:s23], $0x1  }
0xa3: {  	[sflag:s23] =	ssyncset.done $0x0  }
0xa4: {  	s25 =	simm.s32 $0x1B8E;
	s24 =	sld [smem:$0x3FFE];
	[sflag:s23] =	ssyncadd.s32 $0xFFFFFFFF  }
0xa5: {  	s26 =	simm.s32 $execute0_lowered;
	[smem:$0x3FD2] =	sst s25  }
0xa6: {  	s4 =	sshll.u32 s26, $0x1;
	_ =	strace $0x80000049;
	[dreg:$0x1] =	wrdreg $0xFFFFFFFF  }
0xa7: {  	s28 =	simm.s32 $_size_execute0_lowered;
	s2 =	sadd.s32 s2, s4;
	[dreg:$0x0] =	wrdreg $0x0  }
0xa8: {  	s4 =	sshll.u32 s28, $0x1;
	[dreg:$0x2] =	wrdreg s2  }
0xa9: {  	[dreg:$0x3] =	wrdreg s4  }
0xaa: {  	[dreg:$0x4] =	wrdreg $0xC0  }
0xab: {  	_ =	task [dreg:s6], $0x5FFFF  }
0xac: {  	[dreg:$0x1] =	wrdreg $0xFFFFFFFF  }
0xad: {  	[dreg:$0x0] =	wrdreg $0x60  }
0xae: {  	[dreg:$0x2] =	wrdreg s24  }
0xaf: {  	[dreg:$0x3] =	wrdreg $0xA8000  }
0xb0: {  	[dreg:$0x4] =	wrdreg $0x9  }
0xb1: {  	_ =	task.clear_ibuf [dreg:s6], $0x5FFFF;
	_ =	strace $0x90000049  }
0xb2: {  	s29 =	simm.s32 $0x9;
	_ =	strace $0x8000004B  }
0xb3: {  	_ =	swait.ge [sflag:s29], $0x1  }
0xb4: {  	[sflag:s29] =	ssyncadd.s32 $0xFFFFFFFF  }
0xb5: {  	_ =	strace $0x9000004B  }
0xb6: {  	_ =	sfence  }
0xb7: {  	s30 =	sld [smem:$0x0];
	_ =	sdelay $0x2  }
0xb8: {  	s31 =	sshll.u32 s1, $0xD;
	s1 =	sshrl.u32 s1, $0x2  }
0xb9: {  	s3 =	sand.u32 $0x4000, s31;
	s1 =	sadd.s32 s1, s30  }
0xba: {  	s0 =	sor.u32 s3, s0;
	s1 =	sshll.u32 s1, $0x11  }
0xbb: {  	s0 =	sor.u32 s1, s0  }
0xbc: {  	s0 =	sadd.s32 $0x8F2B, s0  }
0xbd: {  	[sflag:s0] =	ssyncadd.remote.s32 $0x1  }
0xbe: {  	_ =	sfence.sel $0xFFFF  }
0xbf: {  	[dreg:$0x0] =	wrdreg $0xFFFFFFFF;
	(pc) =	sbr.abs _section_cstart, $3  }
0xc0: {  	[dreg:$0x1] =	wrdreg $0xFFFFFFFF  }
0xc1: {  	_ =	task.clear_ibuf [dreg:s6], $0x2FFFF;
	_ =	strace $0x9FFFFFFF  }
0xc2: {  	(tm) =	ssettm $0x7FFFFFFF  }
0xc3: {  	_ =	shalt  }
tec
execute0_lowered:
.L_overlay_start_1:
0x0: {  	(tag) =	ssettag $0x1  }
0x1: {  	s0 =	rddreg [dreg:$0x0]  }
0x2: {  	s1 =	srdreg.scid;
	s22 =	stileid.u32  }
0x3: {  	s2 =	rddreg [dreg:$0x1];
	s3 =	simm.s32 $0x0;
	s5 =	smul.u32 $0x2800, s22  }
0x4: {  	s28 =	simm.s32 $0x7D;
	s29 =	simm.s32 $0x1;
	s20 =	smul.u32 $0x50000, s22  }
0x5: {  	s30 =	simm.s32 $0x6800;
	s31 =	simm.s32 $0x2;
	s10 =	smul.u32 $0x4E000, s22  }
0x6: {  	s1 =	sand.u32 $0x1, s1;
	[smem:$0x7FF] =	sst s3;
	s12 =	smul.u32 $0x2700, s22  }
0x7: {  	p0 =	seq.s32 s22, $0xF;
	s22 =	simm.s32 $0x2800;
	s4 =	smul.u32 $0x28000, s1  }
0x8: {  	_ =	strace $0x8000004A;
	s8 =	ssub.s32 $0x2, s1;
	s11 =	smul.u32 $0x27100, s1  }
0x9: {  	s1 =	smul.u32 $0x138800, s1;
	s9 =	sshrl.u32 s8, $0x1;
	s25 =	sshrl.u32 s10, $0x2  }
0xa: {  	s6 =	sadd.s32 s5, s4;
	s4 =	sadd.s32 $0x11E00, s0;
	s5 =	sshrl.u32 s5, $0x3  }
0xb: {  	s8 =	ssub.s32 s8, s9;
	s26 =	sadd.s32 s12, s11;
	s1 =	sshrl.u32 s1, $0x3  }
0xc: {  	s6 =	sshrl.u32 s6, $0x3;
	s7 =	sadd.s32 s5, s0;
	s5 =	sshrl.u32 s20, $0x2  }
0xd: {  	s12 =	smax.u32 s8, $0x1;
	s6 =	sadd.s32 s6, s0;
	s0 =	sadd.s32 $0x60000, s0  }
0xe: {  	s5 =	sadd.s32 s5, s2;
	s23 =	sadd.s32 $0xCE00, s7;
	s24 =	sadd.s32 $0xD080, s7  }
0xf: {  	s7 =	sadd.s32 $0x124800, s2;
	s21 =	sadd.s32 $0x2E00, s6;
	[dreg:$0x4] =	wrdreg s23  }
0x10: {  	s6 =	sadd.s32 $0x3080, s6;
	[dreg:$0x6] =	wrdreg s24;
	s10 =	sadd.s32 s0, s26  }
0x11: {  	s0 =	sadd.s32 s0, s1;
	s13 =	sadd.s32 $0x2000, s5;
	s14 =	sadd.s32 $0x4000, s5  }
0x12: {  	s15 =	sadd.s32 $0x6000, s5;
	s16 =	sadd.s32 $0x8000, s5;
	s17 =	sadd.s32 $0xA000, s5  }
0x13: {  	s18 =	sadd.s32 $0xC000, s5;
	s19 =	sadd.s32 $0xE000, s5;
	s20 =	sadd.s32 $0x10000, s5  }
0x14: {  	s23 =	simm.s32 $0x3;
	s24 =	sshrl.u32 @p0 s7, $0x3;
	[dreg:$0x3] =	wrdreg s21  }
0x15: {  	s26 =	simm.s32 $0x1400;
	s1 =	simm.s32 $0x2700;
	[dreg:$0x5] =	wrdreg s6  }
0x16: {  	s6 =	sadd.s32 s25, s2;
	s11 =	sadd.s32 $0x24900, s0;
	s21 =	sadd.s32 $0x12000, s5  }
0x17: {  	v0 =	vimm.f32 $0.0e+00;
	s0 =	simm.s32 $0x1380;
	s25 =	sshrl.u32 @!p0 s6, $0x3;
	s6 =	simm.s32 $0x2780  }
.LBB2_1:
0x18: {  	s7 =	simm.s32 $0x0;
	s8 =	simm.s32 $0x200  }
.LBB2_2:
0x19: {  	p1 =	sne.s32 s8, $0x7E00;
	[tilespmem:s7+$0x2870] =	vst v0  }
0x1a: {  	[tilespmem:s7+$0x2800] =	vst v0  }
0x1b: {  	[tilespmem:s7+$0x2810] =	vst v0  }
.Ltmp0:
0x1c: {  	[tilespmem:s7+$0x2820] =	vst v0;
	(pc) =	sbr.rel @p1 .LBB2_2-.Ltmp0, $4  }
0x1d: {  	[tilespmem:s7+$0x2830] =	vst v0  }
0x1e: {  	[tilespmem:s7+$0x2840] =	vst v0  }
0x1f: {  	[tilespmem:s7+$0x2850] =	vst v0  }
0x20: {  	[tilespmem:s7+$0x2860] =	vst v0;
	s7 =	sshra.s32 s8, $0x2;
	s8 =	sadd.s32 $0x200, s8  }
0x21: {  	[tilespmem:s7+$0x2870] =	vst v0  }
0x22: {  	[tilespmem:s7+$0x2800] =	vst v0  }
0x23: {  	[tilespmem:s7+$0x2810] =	vst v0  }
0x24: {  	[tilespmem:s7+$0x2820] =	vst v0  }
0x25: {  	[tilespmem:s7+$0x2830] =	vst v0  }
0x26: {  	[tilespmem:s7+$0x2840] =	vst v0  }
0x27: {  	[tilespmem:s7+$0x2850] =	vst v0  }
0x28: {  	[tilespmem:s7+$0x2860] =	vst v0  }
0x29: {  	[spmem:s5] =	stream.linear.scatter [tilespmem:s22], [sflag:$0x3], $0x2000, $0x38;
	[tilespmem:$0x1E800] =	vst v63  }
0x2a: {  	_ =	swait.ge [sflag:s23], $0x2000  }
0x2b: {  	[sflag:s23] =	ssyncset.done $0x0  }
0x2c: {  	[sflag:s23] =	ssyncadd.s32 $0xFFFFE000  }
0x2d: {  	[spmem:s13] =	stream.linear.scatter [tilespmem:s22], [sflag:$0x3], $0x2000, $0x38;
	[tilespmem:$0x1E800] =	vst v63  }
0x2e: {  	_ =	swait.ge [sflag:s23], $0x2000  }
0x2f: {  	[sflag:s23] =	ssyncset.done $0x0  }
0x30: {  	[sflag:s23] =	ssyncadd.s32 $0xFFFFE000  }
0x31: {  	[spmem:s14] =	stream.linear.scatter [tilespmem:s22], [sflag:$0x3], $0x2000, $0x38;
	[tilespmem:$0x1E800] =	vst v63  }
0x32: {  	_ =	swait.ge [sflag:s23], $0x2000  }
0x33: {  	[sflag:s23] =	ssyncset.done $0x0  }
0x34: {  	[sflag:s23] =	ssyncadd.s32 $0xFFFFE000  }
0x35: {  	[spmem:s15] =	stream.linear.scatter [tilespmem:s22], [sflag:$0x3], $0x2000, $0x38;
	[tilespmem:$0x1E800] =	vst v63  }
0x36: {  	_ =	swait.ge [sflag:s23], $0x2000  }
0x37: {  	[sflag:s23] =	ssyncset.done $0x0  }
0x38: {  	[sflag:s23] =	ssyncadd.s32 $0xFFFFE000  }
0x39: {  	[spmem:s16] =	stream.linear.scatter [tilespmem:s22], [sflag:$0x3], $0x2000, $0x38;
	[tilespmem:$0x1E800] =	vst v63  }
0x3a: {  	_ =	swait.ge [sflag:s23], $0x2000  }
0x3b: {  	[sflag:s23] =	ssyncset.done $0x0  }
0x3c: {  	[sflag:s23] =	ssyncadd.s32 $0xFFFFE000  }
0x3d: {  	[spmem:s17] =	stream.linear.scatter [tilespmem:s22], [sflag:$0x3], $0x2000, $0x38;
	[tilespmem:$0x1E800] =	vst v63  }
0x3e: {  	_ =	swait.ge [sflag:s23], $0x2000  }
0x3f: {  	[sflag:s23] =	ssyncset.done $0x0  }
0x40: {  	[sflag:s23] =	ssyncadd.s32 $0xFFFFE000  }
0x41: {  	[spmem:s18] =	stream.linear.scatter [tilespmem:s22], [sflag:$0x3], $0x2000, $0x38;
	[tilespmem:$0x1E800] =	vst v63  }
0x42: {  	_ =	swait.ge [sflag:s23], $0x2000  }
0x43: {  	[sflag:s23] =	ssyncset.done $0x0  }
0x44: {  	[sflag:s23] =	ssyncadd.s32 $0xFFFFE000  }
0x45: {  	[spmem:s19] =	stream.linear.scatter [tilespmem:s22], [sflag:$0x3], $0x2000, $0x38;
	[tilespmem:$0x1E800] =	vst v63  }
0x46: {  	_ =	swait.ge [sflag:s23], $0x2000  }
0x47: {  	[sflag:s23] =	ssyncset.done $0x0  }
0x48: {  	[sflag:s23] =	ssyncadd.s32 $0xFFFFE000  }
0x49: {  	[spmem:s20] =	stream.linear.scatter [tilespmem:s22], [sflag:$0x3], $0x2000, $0x38;
	[tilespmem:$0x1E800] =	vst v63  }
0x4a: {  	_ =	swait.ge [sflag:s23], $0x2000  }
0x4b: {  	[sflag:s23] =	ssyncset.done $0x0  }
0x4c: {  	[sflag:s23] =	ssyncadd.s32 $0xFFFFE000  }
0x4d: {  	[spmem:s21] =	stream.linear.scatter [tilespmem:s22], [sflag:$0x3], $0x2000, $0x38;
	[tilespmem:$0x1E800] =	vst v63  }
0x4e: {  	_ =	swait.ge [sflag:s23], $0x2000  }
0x4f: {  	[sflag:s23] =	ssyncset.done $0x0  }
0x50: {  	[sflag:s23] =	ssyncadd.s32 $0xFFFFE000  }
0x51: {  	[bflag:$0x0] =	sbarrier.arrive $0xFFFF  }
0x52: {  	s7 =	simm.s32 $0x0;
	s8 =	rddreg [dreg:$0x3]  }
0x53: {  	[tilespmem:s7], [sflag:$0x3] =	stream.linear.gather [hbm4b:s8+s7], $0x1400, $0x38;
	[tilespmem:$0x1E800] =	vst v63  }
0x54: {  	_ =	swait.ge [sflag:s23], $0x1400  }
0x55: {  	[sflag:s23] =	ssyncset.done $0x0  }
0x56: {  	s9 =	rddreg [dreg:$0x4];
	[sflag:s23] =	ssyncadd.s32 $0xFFFFEC00  }
0x57: {  	[tilespmem:s26], [sflag:$0x3] =	stream.linear.gather [hbm4b:s9+s7], $0x1400, $0x38;
	[tilespmem:$0x1E800] =	vst v63  }
0x58: {  	_ =	swait.ge [sflag:s23], $0x1400  }
0x59: {  	[sflag:s23] =	ssyncset.done $0x0  }
0x5a: {  	[sflag:s23] =	ssyncadd.s32 $0xFFFFEC00  }
0x5b: {  	[tilespmem:s22], [sflag:$0x1] =	stream.indirect.gather [hbm4b:s4+s28], $0x80, s7, s28, $0xb8;
	[tilespmem:$0x1E800] =	vst v63  }
0x5c: {  	_ =	swait.ge [sflag:s29], $0x3E80  }
0x5d: {  	[sflag:s29] =	ssyncset.done $0x0  }
0x5e: {  	s8 =	simm.s32 $0x80;
	[sflag:s29] =	ssyncadd.s32 $0xFFFFC180  }
0x5f: {  	[tilespmem:s30], [sflag:$0x2] =	stream.indirect.gather [hbm4b:s4+s28], $0x80, s8, s28, $0xb8;
	[tilespmem:$0x1E800] =	vst v63  }
0x60: {  	s9 =	simm.s32 $0x1400  }
0x61: {  	[spmem:s2] =	stream.indirect.scatter.add.f32 [tilespmem:s22], [sflag:$0x3], $0x80, s9, s28, $0xb8;
	[tilespmem:$0x1E800] =	vst v63  }
0x62: {  	_ =	swait.ge [sflag:s23], $0x3E80  }
0x63: {  	[sflag:s23] =	ssyncset.done $0x0  }
0x64: {  	[sflag:s23] =	ssyncadd.s32 $0xFFFFC180  }
0x65: {  	_ =	swait.ge [sflag:s31], $0x3E80  }
0x66: {  	[sflag:s31] =	ssyncset.done $0x0  }
0x67: {  	s8 =	simm.s32 $0x100;
	[sflag:s31] =	ssyncadd.s32 $0xFFFFC180  }
0x68: {  	[tilespmem:s22], [sflag:$0x1] =	stream.indirect.gather [hbm4b:s4+s28], $0x80, s8, s28, $0xb8;
	[tilespmem:$0x1E800] =	vst v63  }
0x69: {  	s9 =	simm.s32 $0x1480  }
0x6a: {  	[spmem:s2] =	stream.indirect.scatter.add.f32 [tilespmem:s30], [sflag:$0x3], $0x80, s9, s28, $0xb8;
	[tilespmem:$0x1E800] =	vst v63  }
0x6b: {  	_ =	swait.ge [sflag:s23], $0x3E80  }
0x6c: {  	s7 =	simm.s32 $0x400;
	[sflag:s23] =	ssyncset.done $0x0  }
.LBB2_4:
0x6d: {  	p1 =	sne.s32 s7, $0x4800  }
0x6e: {  	[sflag:s23] =	ssyncadd.s32 $0xFFFFC180;
	s8 =	smov.u32 s7;
	s7 =	sadd.s32 $0x400, s7  }
0x6f: {  	_ = 	snop  }
0x70: {  	_ =	swait.ge [sflag:s29], $0x3E80  }
0x71: {  	s8 =	sshra.s32 s8, $0x2;
	[sflag:s29] =	ssyncset.done $0x0  }
0x72: {  	s9 =	sadd.s32 $0x80, s8;
	[sflag:s29] =	ssyncadd.s32 $0xFFFFC180  }
0x73: {  	[tilespmem:s30], [sflag:$0x2] =	stream.indirect.gather [hbm4b:s4+s28], $0x80, s9, s28, $0xb8;
	[tilespmem:$0x1E800] =	vst v63  }
0x74: {  	s9 =	sadd.s32 $0x1400, s8  }
0x75: {  	[spmem:s2] =	stream.indirect.scatter.add.f32 [tilespmem:s22], [sflag:$0x3], $0x80, s9, s28, $0xb8;
	[tilespmem:$0x1E800] =	vst v63  }
0x76: {  	_ =	swait.ge [sflag:s23], $0x3E80  }
0x77: {  	[sflag:s23] =	ssyncset.done $0x0  }
0x78: {  	[sflag:s23] =	ssyncadd.s32 $0xFFFFC180  }
0x79: {  	_ =	swait.ge [sflag:s31], $0x3E80  }
0x7a: {  	[sflag:s31] =	ssyncset.done $0x0  }
0x7b: {  	s9 =	sadd.s32 $0x100, s8;
	[sflag:s31] =	ssyncadd.s32 $0xFFFFC180  }
0x7c: {  	[tilespmem:s22], [sflag:$0x1] =	stream.indirect.gather [hbm4b:s4+s28], $0x80, s9, s28, $0xb8;
	[tilespmem:$0x1E800] =	vst v63  }
.Ltmp1:
0x7d: {  	_ = 	snop;
	(pc) =	sbr.rel @p1 .LBB2_4-.Ltmp1, $4  }
0x7e: {  	s8 =	sadd.s32 $0x1480, s8  }
0x7f: {  	[spmem:s2] =	stream.indirect.scatter.add.f32 [tilespmem:s30], [sflag:$0x3], $0x80, s8, s28, $0xb8;
	[tilespmem:$0x1E800] =	vst v63  }
0x80: {  	_ =	swait.ge [sflag:s23], $0x3E80  }
0x81: {  	[sflag:s23] =	ssyncset.done $0x0  }
0x82: {  	[sflag:s23] =	ssyncadd.s32 $0xFFFFC180  }
0x83: {  	_ =	swait.ge [sflag:s29], $0x3E80  }
0x84: {  	[sflag:s29] =	ssyncset.done $0x0  }
0x85: {  	[sflag:s29] =	ssyncadd.s32 $0xFFFFC180  }
0x86: {  	[tilespmem:s30], [sflag:$0x2] =	stream.indirect.gather [hbm4b:s4+s28], $0x80, s0, s28, $0xb8;
	[tilespmem:$0x1E800] =	vst v63  }
0x87: {  	_ = 	snop  }
0x88: {  	[spmem:s2] =	stream.indirect.scatter.add.f32 [tilespmem:s22], [sflag:$0x3], $0x80, s1, s28, $0xb8;
	[tilespmem:$0x1E800] =	vst v63  }
0x89: {  	_ =	swait.ge [sflag:s23], $0x3E80  }
0x8a: {  	[sflag:s23] =	ssyncset.done $0x0  }
0x8b: {  	[sflag:s23] =	ssyncadd.s32 $0xFFFFC180  }
0x8c: {  	_ =	swait.ge [sflag:s31], $0x3E80  }
0x8d: {  	[sflag:s31] =	ssyncset.done $0x0  }
0x8e: {  	[sflag:s31] =	ssyncadd.s32 $0xFFFFC180  }
0x8f: {  	[spmem:s2] =	stream.indirect.scatter.add.f32 [tilespmem:s30], [sflag:$0x3], $0x80, s6, s28, $0xb8;
	[tilespmem:$0x1E800] =	vst v63  }
0x90: {  	_ =	swait.ge [sflag:s23], $0x3E80  }
0x91: {  	[sflag:s23] =	ssyncset.done $0x0  }
0x92: {  	s7 =	simm.s32 $0x0;
	s8 =	rddreg [dreg:$0x5];
	[sflag:s23] =	ssyncadd.s32 $0xFFFFC180  }
0x93: {  	[tilespmem:s7], [sflag:$0x3] =	stream.linear.gather [hbm4b:s8+s7], $0x1400, $0x38;
	[tilespmem:$0x1E800] =	vst v63  }
0x94: {  	_ =	swait.ge [sflag:s23], $0x1400  }
0x95: {  	[sflag:s23] =	ssyncset.done $0x0  }
0x96: {  	s9 =	rddreg [dreg:$0x6];
	[sflag:s23] =	ssyncadd.s32 $0xFFFFEC00  }
0x97: {  	[tilespmem:s26], [sflag:$0x3] =	stream.linear.gather [hbm4b:s9+s7], $0x1400, $0x38;
	[tilespmem:$0x1E800] =	vst v63  }
0x98: {  	_ =	swait.ge [sflag:s23], $0x1400  }
0x99: {  	[sflag:s23] =	ssyncset.done $0x0  }
0x9a: {  	[sflag:s23] =	ssyncadd.s32 $0xFFFFEC00  }
0x9b: {  	[tilespmem:s22], [sflag:$0x1] =	stream.indirect.gather [hbm4b:s4+s28], $0x80, s7, s28, $0xb8;
	[tilespmem:$0x1E800] =	vst v63  }
0x9c: {  	_ =	swait.ge [sflag:s29], $0x3E80  }
0x9d: {  	[sflag:s29] =	ssyncset.done $0x0  }
0x9e: {  	s8 =	simm.s32 $0x80;
	[sflag:s29] =	ssyncadd.s32 $0xFFFFC180  }
0x9f: {  	[tilespmem:s30], [sflag:$0x2] =	stream.indirect.gather [hbm4b:s4+s28], $0x80, s8, s28, $0xb8;
	[tilespmem:$0x1E800] =	vst v63  }
0xa0: {  	s9 =	simm.s32 $0x1400  }
0xa1: {  	[spmem:s2] =	stream.indirect.scatter.add.f32 [tilespmem:s22], [sflag:$0x3], $0x80, s9, s28, $0xb8;
	[tilespmem:$0x1E800] =	vst v63  }
0xa2: {  	_ =	swait.ge [sflag:s23], $0x3E80  }
0xa3: {  	[sflag:s23] =	ssyncset.done $0x0  }
0xa4: {  	[sflag:s23] =	ssyncadd.s32 $0xFFFFC180  }
0xa5: {  	_ =	swait.ge [sflag:s31], $0x3E80  }
0xa6: {  	[sflag:s31] =	ssyncset.done $0x0  }
0xa7: {  	s8 =	simm.s32 $0x100;
	[sflag:s31] =	ssyncadd.s32 $0xFFFFC180  }
0xa8: {  	[tilespmem:s22], [sflag:$0x1] =	stream.indirect.gather [hbm4b:s4+s28], $0x80, s8, s28, $0xb8;
	[tilespmem:$0x1E800] =	vst v63  }
0xa9: {  	s9 =	simm.s32 $0x1480  }
0xaa: {  	[spmem:s2] =	stream.indirect.scatter.add.f32 [tilespmem:s30], [sflag:$0x3], $0x80, s9, s28, $0xb8;
	[tilespmem:$0x1E800] =	vst v63  }
0xab: {  	_ =	swait.ge [sflag:s23], $0x3E80  }
0xac: {  	s7 =	simm.s32 $0x400;
	[sflag:s23] =	ssyncset.done $0x0  }
.LBB2_6:
0xad: {  	p1 =	sne.s32 s7, $0x4800  }
0xae: {  	[sflag:s23] =	ssyncadd.s32 $0xFFFFC180;
	s8 =	smov.u32 s7;
	s7 =	sadd.s32 $0x400, s7  }
0xaf: {  	_ = 	snop  }
0xb0: {  	_ =	swait.ge [sflag:s29], $0x3E80  }
0xb1: {  	s8 =	sshra.s32 s8, $0x2;
	[sflag:s29] =	ssyncset.done $0x0  }
0xb2: {  	s9 =	sadd.s32 $0x80, s8;
	[sflag:s29] =	ssyncadd.s32 $0xFFFFC180  }
0xb3: {  	[tilespmem:s30], [sflag:$0x2] =	stream.indirect.gather [hbm4b:s4+s28], $0x80, s9, s28, $0xb8;
	[tilespmem:$0x1E800] =	vst v63  }
0xb4: {  	s9 =	sadd.s32 $0x1400, s8  }
0xb5: {  	[spmem:s2] =	stream.indirect.scatter.add.f32 [tilespmem:s22], [sflag:$0x3], $0x80, s9, s28, $0xb8;
	[tilespmem:$0x1E800] =	vst v63  }
0xb6: {  	_ =	swait.ge [sflag:s23], $0x3E80  }
0xb7: {  	[sflag:s23] =	ssyncset.done $0x0  }
0xb8: {  	[sflag:s23] =	ssyncadd.s32 $0xFFFFC180  }
0xb9: {  	_ =	swait.ge [sflag:s31], $0x3E80  }
0xba: {  	[sflag:s31] =	ssyncset.done $0x0  }
0xbb: {  	s9 =	sadd.s32 $0x100, s8;
	[sflag:s31] =	ssyncadd.s32 $0xFFFFC180  }
0xbc: {  	[tilespmem:s22], [sflag:$0x1] =	stream.indirect.gather [hbm4b:s4+s28], $0x80, s9, s28, $0xb8;
	[tilespmem:$0x1E800] =	vst v63  }
.Ltmp2:
0xbd: {  	_ = 	snop;
	(pc) =	sbr.rel @p1 .LBB2_6-.Ltmp2, $4  }
0xbe: {  	s8 =	sadd.s32 $0x1480, s8  }
0xbf: {  	[spmem:s2] =	stream.indirect.scatter.add.f32 [tilespmem:s30], [sflag:$0x3], $0x80, s8, s28, $0xb8;
	[tilespmem:$0x1E800] =	vst v63  }
0xc0: {  	_ =	swait.ge [sflag:s23], $0x3E80  }
0xc1: {  	[sflag:s23] =	ssyncset.done $0x0  }
0xc2: {  	[sflag:s23] =	ssyncadd.s32 $0xFFFFC180  }
0xc3: {  	_ =	swait.ge [sflag:s29], $0x3E80  }
0xc4: {  	[sflag:s29] =	ssyncset.done $0x0  }
0xc5: {  	[sflag:s29] =	ssyncadd.s32 $0xFFFFC180  }
0xc6: {  	[tilespmem:s30], [sflag:$0x2] =	stream.indirect.gather [hbm4b:s4+s28], $0x80, s0, s28, $0xb8;
	[tilespmem:$0x1E800] =	vst v63  }
0xc7: {  	_ = 	snop  }
0xc8: {  	[spmem:s2] =	stream.indirect.scatter.add.f32 [tilespmem:s22], [sflag:$0x3], $0x80, s1, s28, $0xb8;
	[tilespmem:$0x1E800] =	vst v63  }
0xc9: {  	_ =	swait.ge [sflag:s23], $0x3E80  }
0xca: {  	[sflag:s23] =	ssyncset.done $0x0  }
0xcb: {  	[sflag:s23] =	ssyncadd.s32 $0xFFFFC180  }
0xcc: {  	_ =	swait.ge [sflag:s31], $0x3E80  }
0xcd: {  	[sflag:s31] =	ssyncset.done $0x0  }
0xce: {  	[sflag:s31] =	ssyncadd.s32 $0xFFFFC180  }
0xcf: {  	[spmem:s2] =	stream.indirect.scatter.add.f32 [tilespmem:s30], [sflag:$0x3], $0x80, s6, s28, $0xb8;
	[tilespmem:$0x1E800] =	vst v63  }
0xd0: {  	_ =	swait.ge [sflag:s23], $0x3E80  }
0xd1: {  	[sflag:s23] =	ssyncset.done $0x0  }
0xd2: {  	[sflag:s23] =	ssyncadd.s32 $0xFFFFC180  }
0xd3: {  	s7 =	simm.s32 @p0 $0x1FC3;
	[bflag:$0x0] =	sbarrier.arrive $0xFFFF  }
0xd4: {  	[hbm:s11], [sflag:s7] =	dma.local @p0 [spmem:s24], $0x2800  }
0xd5: {  	s7 =	simm.s32 @p0 $0x3  }
0xd6: {  	s8 =	stileid.u32;
	_ =	swait.ge @p0 [sflag:s7], $0x2800  }
0xd7: {  	s3 =	sadd.s32 $0x1, s3;
	s8 =	sshll.u32 @!p0 s8, $0x6;
	[sflag:s7] =	ssyncset.done @p0 $0x0  }
0xd8: {  	p1 =	sne.s32 s3, s12;
	[sflag:s7] =	ssyncadd.s32 @p0 $0xFFFFD800;
	s7 =	sor.u32 @!p0 $0x1C03, s8  }
0xd9: {  	[hbm:s10], [sflag:s7] =	dma.local @!p0 [spmem:s25], $0x2700  }
.Ltmp3:
0xda: {  	_ = 	snop;
	(pc) =	sbr.rel @p1 .LBB2_1-.Ltmp3, $4  }
0xdb: {  	s7 =	simm.s32 @!p0 $0x3  }
0xdc: {  	_ =	swait.ge @!p0 [sflag:s7], $0x2700  }
0xdd: {  	[sflag:s7] =	ssyncset.done @!p0 $0x0  }
0xde: {  	[sflag:s7] =	ssyncadd.s32 @!p0 $0xFFFFD900  }
0xdf: {  	_ =	sfence.sel $0x180000  }
0xe0: {  	[bflag:$0x0] =	sbarrier.arrive $0xFFFF  }
0xe1: {  	_ =	strace $0x9000004A  }
0xe2: {  	s0 =	stileid.u32;
	[bflag:$0x2] =	sbarrier.arrive $0xFFFF  }
0xe3: {  	p0 =	sne.s32 s0, $0x0;
	s0 =	rddreg [dreg:$0x2]  }
0xe4: {  	s0 =	sadd.s32 @!p0 $0x100000, s0  }
0xe5: {  	[sflag:s0] =	ssyncadd.tile.s32 @!p0 $0x1;
	_ =	shalt  }
.Lfunc_end2:
_tile_overlayer_lowered:
.L_overlay_start_2:
0xe6: {  	(tag) =	ssettag $0x2  }
0xe7: {  	s0 =	rddreg [dreg:$0x0];
	s2 =	stileid.u32  }
0xe8: {  	s1 =	rddreg [dreg:$0x1];
	p0 =	sne.s32 s2, $0x0  }
0xe9: {  	s3 =	rddreg [dreg:$0x2];
	[bflag:$0x3] =	sbarrier.arrive $0xFFFF;
	s2 =	simm.s32 @!p0 $0x1C03  }
0xea: {  	[timem:s3], [sflag:s2] =	dma.local @!p0 [hbm:s0], s1  }
0xeb: {  	s0 =	simm.s32 @!p0 $0x3  }
0xec: {  	_ =	swait.ge @!p0 [sflag:s0], s1  }
0xed: {  	s1 =	ssub.s32 @!p0 $0x0, s1;
	[sflag:s0] =	ssyncset.done @!p0 $0x0  }
0xee: {  	[sflag:s0] =	ssyncadd.s32 @!p0 s1  }
0xef: {  	[bflag:$0x3] =	sbarrier.arrive $0xFFFF  }
0xf0: {  	_ =	shalt  }

// kernel: kernel.9.cloned.1.call-start
scs
__scs_entry_jumppad:
0x0: {  	(pc) =	sbr.rel $0x88, $3  }
0x1: {  	(tag) =	ssettag $0x0;
	lr =	simm.s32 $0x1  }
0x2: {  	[smem:$0x3F94] =	sst lr;
	_ =	strace $0xD0000000  }
0x3: {  	_ = 	snop  }
0x4: {  	_ = 	snop  }
0x5: {  	_ = 	snop  }
0x6: {  	_ = 	snop  }
0x7: {  	_ = 	snop  }
__scs_overlays_trampoline_lowered:
0x8: {  	[smem:$0x3FA3] =	sst s0  }
0x9: {  	[smem:$0x3FA4] =	sst s1  }
0xa: {  	[smem:$0x3FA5] =	sst s2  }
0xb: {  	[smem:$0x3FA6] =	sst s3  }
0xc: {  	[smem:$0x3FA7] =	sst s4  }
0xd: {  	[smem:$0x3FA8] =	sst s5  }
0xe: {  	[smem:$0x3FA9] =	sst s6  }
0xf: {  	[smem:$0x3FAA] =	sst s7  }
0x10: {  	[smem:$0x3FAB] =	sst s8  }
0x11: {  	[smem:$0x3FAC] =	sst s9;
	s0 =	simm.s32 @!p0 $0x0  }
0x12: {  	s1 =	sld [smem:$0x3F92];
	s0 =	simm.s32 @p0 $0x1  }
0x13: {  	[smem:$0x3FAD] =	sst s0;
	s0 =	simm.s32 @!p1 $0x0  }
0x14: {  	s2 =	sld [smem:$0x3F91];
	s0 =	simm.s32 @p1 $0x1  }
0x15: {  	[smem:$0x3FAE] =	sst s0;
	s0 =	simm.s32 @!p2 $0x0  }
0x16: {  	s3 =	sld [smem:$0x3FDB];
	s0 =	simm.s32 @p2 $0x1  }
0x17: {  	s4 =	simm.s32 $0x1BF5;
	[smem:$0x3FB0] =	sst s0  }
0x18: {  	s0 =	sld [smem:$0x3F93];
	_ =	swait.ge [sflag:s4], $0x0  }
0x19: {  	s7 =	sld [smem:$0x3F94]  }
0x1a: {  	s8 =	sadd.s32 $0xFFFFE003, lr  }
0x1b: {  	s9 =	sadd.s32 $0xFFFFFEF7, lr;
	s5 =	simm.s32 $0xFFFFFFFF;
	p2 =	slt.u32 s8, $0xFFFFF086  }
0x1c: {  	p1 =	slt.u32 s9, $0xF7A;
	s5 =	simm.s32 @!p2 $0x0  }
0x1d: {  	s5 =	simm.s32 @p1 $0x1;
	p0 =	seq.s32 s7, s2  }
0x1e: {  	s7 =	smul.u32 @!p0 $0xF7A, s2;
	p2 =	seq.s32 @!p0 s5, $0x0  }
0x1f: {  	s9 =	smul.u32 $0xF7A, s1;
	s8 =	simm.s32 @!p0 $0x1BF5;
	p2 =	por !p2, p0  }
0x20: {  	[sflag:s8] =	ssyncset.s32 @!p0 $0xFFFFF086;
	s6 =	sadd.s32 @!p0 s3, s7;
	s7 =	simm.s32 @!p0 $0x108  }
0x21: {  	s3 =	sadd.s32 s3, s9;
	s6 =	sadd.s32 @!p0 $0x88, s6;
	s7 =	simm.s32 @p2 $0x1082  }
0x22: {  	[simem:s7], [sflag:s8] =	dma.local @!p0 [hbm:s6], $0xF7A  }
0x23: {  	s9 =	sor.u32 $0xD0000000, s2;
	s6 =	simm.s32 $0x108;
	_ =	swait.ge @!p0 [sflag:s8], $0x0  }
0x24: {  	s3 =	sadd.s32 $0x88, s3;
	s6 =	simm.s32 @!p1 $0x1082;
	[sflag:s4] =	ssyncset.s32 $0xFFFFF086  }
0x25: {  	[simem:s6], [sflag:s4] =	dma.local [hbm:s3], $0xF7A  }
0x26: {  	[smem:$0x3F94] =	sst s1;
	(tag) =	ssettag s2;
	_ =	strace s9  }
0x27: {  	s1 =	sld [smem:$0x3FA4]  }
0x28: {  	s2 =	sld [smem:$0x3FA5]  }
0x29: {  	s4 =	sld [smem:$0x3FA7]  }
0x2a: {  	p0 =	seq.s32 s5, $0x0;
	s5 =	sld [smem:$0x3FA8]  }
0x2b: {  	s6 =	sld [smem:$0x3FA9]  }
0x2c: {  	s7 =	sld [smem:$0x3FAA]  }
0x2d: {  	s3 =	simm.s32 $0x108;
	s8 =	sld [smem:$0x3FAB]  }
0x2e: {  	s3 =	simm.s32 @!p0 $0x1082;
	s9 =	sld [smem:$0x3FAC]  }
0x2f: {  	lr =	sadd.s32 s0, s3;
	s0 =	sld [smem:$0x3FA3]  }
0x30: {  	s3 =	sld [smem:$0x3FA6]  }
0x31: {  	[smem:$0x3FAF] =	sst s10  }
0x32: {  	s10 =	sld [smem:$0x3FAD];
	_ =	sdelay $0x3  }
0x33: {  	p0 =	seq.s32 s10, $0x1;
	s10 =	sld [smem:$0x3FAF];
	_ =	sdelay $0x3  }
0x34: {  	[smem:$0x3FAF] =	sst s10  }
0x35: {  	s10 =	sld [smem:$0x3FAE];
	_ =	sdelay $0x3  }
0x36: {  	p1 =	seq.s32 s10, $0x1;
	s10 =	sld [smem:$0x3FAF];
	_ =	sdelay $0x3  }
0x37: {  	[smem:$0x3FAF] =	sst s10  }
0x38: {  	s10 =	sld [smem:$0x3FB0]  }
0x39: {  	_ = 	snop;
	(pc) =	sbr.ind lr, $3  }
0x3a: {  	_ = 	snop  }
0x3b: {  	_ = 	snop  }
0x3c: {  	p2 =	seq.s32 s10, $0x1;
	s10 =	sld [smem:$0x3FAF]  }
0x3d: {  	_ =	shalt  }
0x3e: {  	_ =	shalt  }
0x3f: {  	_ =	shalt  }
0x40: {  	_ =	shalt  }
0x41: {  	_ =	shalt  }
0x42: {  	_ =	shalt  }
0x43: {  	_ =	shalt  }
0x44: {  	_ =	shalt  }
0x45: {  	_ =	shalt  }
0x46: {  	_ =	shalt  }
0x47: {  	_ =	shalt  }
0x48: {  	_ =	shalt  }
0x49: {  	_ =	shalt  }
0x4a: {  	_ =	shalt  }
0x4b: {  	_ =	shalt  }
0x4c: {  	_ =	shalt  }
0x4d: {  	_ =	shalt  }
0x4e: {  	_ =	shalt  }
0x4f: {  	_ =	shalt  }
0x50: {  	_ =	shalt  }
0x51: {  	_ =	shalt  }
0x52: {  	_ =	shalt  }
0x53: {  	_ =	shalt  }
0x54: {  	_ =	shalt  }
0x55: {  	_ =	shalt  }
0x56: {  	_ =	shalt  }
0x57: {  	_ =	shalt  }
0x58: {  	_ =	shalt  }
0x59: {  	_ =	shalt  }
0x5a: {  	_ =	shalt  }
0x5b: {  	_ =	shalt  }
0x5c: {  	_ =	shalt  }
0x5d: {  	_ =	shalt  }
0x5e: {  	_ =	shalt  }
0x5f: {  	_ =	shalt  }
0x60: {  	_ =	shalt  }
0x61: {  	_ =	shalt  }
0x62: {  	_ =	shalt  }
0x63: {  	_ =	shalt  }
0x64: {  	_ =	shalt  }
0x65: {  	_ =	shalt  }
0x66: {  	_ =	shalt  }
0x67: {  	_ =	shalt  }
0x68: {  	_ =	shalt  }
0x69: {  	_ =	shalt  }
0x6a: {  	_ =	shalt  }
0x6b: {  	_ =	shalt  }
0x6c: {  	_ =	shalt  }
0x6d: {  	_ =	shalt  }
0x6e: {  	_ =	shalt  }
0x6f: {  	_ =	shalt  }
0x70: {  	_ =	shalt  }
0x71: {  	_ =	shalt  }
0x72: {  	_ =	shalt  }
0x73: {  	_ =	shalt  }
0x74: {  	_ =	shalt  }
0x75: {  	_ =	shalt  }
0x76: {  	_ =	shalt  }
0x77: {  	_ =	shalt  }
0x78: {  	_ =	shalt  }
0x79: {  	_ =	shalt  }
0x7a: {  	_ =	shalt  }
0x7b: {  	_ =	shalt  }
0x7c: {  	_ =	shalt  }
0x7d: {  	_ =	shalt  }
0x7e: {  	_ =	shalt  }
0x7f: {  	_ =	shalt  }
0x80: {  	_ =	shalt  }
0x81: {  	_ =	shalt  }
0x82: {  	_ =	shalt  }
0x83: {  	_ =	shalt  }
0x84: {  	_ =	shalt  }
0x85: {  	_ =	shalt  }
0x86: {  	_ =	shalt  }
0x87: {  	_ =	shalt  }
.Lfunc_end0:
.L_simem_size_0:
called_computation_lowered:
.L_overlay_start_0:
0x88: {  	s2 =	sld [smem:$0x3FD9]  }
0x89: {  	s3 =	sld [smem:$0x3FFE];
	_ =	sdelay $0x1  }
0x8a: {  	s1 =	srdreg.scid  }
0x8b: {  	s0 =	sand.u32 $0x1, s1  }
0x8c: {  	s16 =	sshll.u32 s0, $0xA;
	s2 =	sadd.s32 s3, s2  }
0x8d: {  	s2 =	sadd.s32 s2, s16  }
0x8e: {  	[smem:$0x3FBB] =	sst s2  }
0x8f: {  	_ = 	snop  }
0x90: {  	(tm) =	ssettm $0x1  }
0x91: {  	s17 =	sld [smem:$0x3FFB];
	_ =	sdelay $0x3  }
0x92: {  	_ =	strace s17  }
0x93: {  	s2 =	sld [smem:$0x3FFC];
	_ =	sdelay $0x3  }
0x94: {  	_ =	strace s2  }
0x95: {  	s2 =	sld [smem:$0x3FFD];
	_ =	sdelay $0x3  }
0x96: {  	_ =	strace s2  }
0x97: {  	_ =	strace $0x8FFFFFFF  }
0x98: {  	s18 =	sld [smem:$0x3FDB];
	_ =	sdelay $0x1  }
0x99: {  	s19 =	simm.s32 $_scs_section_size  }
0x9a: {  	s4 =	simm.s32 $_size__tile_overlayer_lowered;
	s5 =	simm.s32 $_tile_overlayer_lowered  }
0x9b: {  	s22 =	simm.s32 $0x1BFF;
	s21 =	sshll.u32 s5, $0x1;
	s2 =	sadd.s32 s19, s18  }
0x9c: {  	s6 =	simm.s32 $0x0;
	s20 =	sshll.u32 s4, $0x1;
	s4 =	sadd.s32 s21, s2  }
0x9d: {  	[timem:s6], [sflag:s22] =	dma.local [hbm:s4], s20  }
0x9e: {  	_ =	swait.ge [sflag:s22], s20  }
0x9f: {  	s3 =	ssub.s32 $0x0, s20;
	[sflag:s22] =	ssyncset.done $0x0  }
0xa0: {  	[sflag:s22] =	ssyncadd.s32 s3;
	_ =	sdelay $0x1  }
0xa1: {  	s23 =	simm.s32 $0x1B8B  }
0xa2: {  	_ =	swait.ge [sflag:s23], $0x1  }
0xa3: {  	[sflag:s23] =	ssyncset.done $0x0  }
0xa4: {  	s25 =	simm.s32 $0x1B8E;
	s24 =	sld [smem:$0x3FFE];
	[sflag:s23] =	ssyncadd.s32 $0xFFFFFFFF  }
0xa5: {  	s26 =	simm.s32 $execute0_lowered;
	[smem:$0x3FD2] =	sst s25  }
0xa6: {  	s4 =	sshll.u32 s26, $0x1;
	_ =	strace $0x80000046;
	[dreg:$0x1] =	wrdreg $0xFFFFFFFF  }
0xa7: {  	s28 =	simm.s32 $_size_execute0_lowered;
	s2 =	sadd.s32 s2, s4;
	[dreg:$0x0] =	wrdreg $0x0  }
0xa8: {  	s4 =	sshll.u32 s28, $0x1;
	[dreg:$0x2] =	wrdreg s2  }
0xa9: {  	[dreg:$0x3] =	wrdreg s4  }
0xaa: {  	[dreg:$0x4] =	wrdreg $0xC0  }
0xab: {  	_ =	task [dreg:s6], $0x5FFFF  }
0xac: {  	[dreg:$0x1] =	wrdreg $0xFFFFFFFF  }
0xad: {  	[dreg:$0x0] =	wrdreg $0x60  }
0xae: {  	[dreg:$0x2] =	wrdreg s24  }
0xaf: {  	[dreg:$0x3] =	wrdreg $0xA8000  }
0xb0: {  	[dreg:$0x4] =	wrdreg $0x9  }
0xb1: {  	_ =	task.clear_ibuf [dreg:s6], $0x5FFFF;
	_ =	strace $0x90000046  }
0xb2: {  	s29 =	simm.s32 $0x9;
	_ =	strace $0x80000048  }
0xb3: {  	_ =	swait.ge [sflag:s29], $0x1  }
0xb4: {  	[sflag:s29] =	ssyncadd.s32 $0xFFFFFFFF  }
0xb5: {  	_ =	strace $0x90000048  }
0xb6: {  	_ =	sfence  }
0xb7: {  	s30 =	sld [smem:$0x0];
	_ =	sdelay $0x2  }
0xb8: {  	s31 =	sshll.u32 s1, $0xD;
	s1 =	sshrl.u32 s1, $0x2  }
0xb9: {  	s3 =	sand.u32 $0x4000, s31;
	s1 =	sadd.s32 s1, s30  }
0xba: {  	s0 =	sor.u32 s3, s0;
	s1 =	sshll.u32 s1, $0x11  }
0xbb: {  	s0 =	sor.u32 s1, s0  }
0xbc: {  	s0 =	sadd.s32 $0x8F2B, s0  }
0xbd: {  	[sflag:s0] =	ssyncadd.remote.s32 $0x1  }
0xbe: {  	_ =	sfence.sel $0xFFFF  }
0xbf: {  	[dreg:$0x0] =	wrdreg $0xFFFFFFFF;
	(pc) =	sbr.abs _section_cstart, $3  }
0xc0: {  	[dreg:$0x1] =	wrdreg $0xFFFFFFFF  }
0xc1: {  	_ =	task.clear_ibuf [dreg:s6], $0x2FFFF;
	_ =	strace $0x9FFFFFFF  }
0xc2: {  	(tm) =	ssettm $0x7FFFFFFF  }
0xc3: {  	_ =	shalt  }
tec
execute0_lowered:
.L_overlay_start_1:
0x0: {  	(tag) =	ssettag $0x1  }
0x1: {  	s0 =	rddreg [dreg:$0x0]  }
0x2: {  	s1 =	srdreg.scid;
	s22 =	stileid.u32  }
0x3: {  	s2 =	rddreg [dreg:$0x1];
	s3 =	simm.s32 $0x0;
	s5 =	smul.u32 $0x2800, s22  }
0x4: {  	s28 =	simm.s32 $0x7D;
	s29 =	simm.s32 $0x1;
	s20 =	smul.u32 $0x50000, s22  }
0x5: {  	s30 =	simm.s32 $0x6800;
	s31 =	simm.s32 $0x2;
	s10 =	smul.u32 $0x4E000, s22  }
0x6: {  	s1 =	sand.u32 $0x1, s1;
	[smem:$0x7FF] =	sst s3;
	s12 =	smul.u32 $0x2700, s22  }
0x7: {  	p0 =	seq.s32 s22, $0xF;
	s22 =	simm.s32 $0x2800;
	s4 =	smul.u32 $0x28000, s1  }
0x8: {  	_ =	strace $0x80000047;
	s8 =	ssub.s32 $0x2, s1;
	s11 =	smul.u32 $0x27100, s1  }
0x9: {  	s1 =	smul.u32 $0x138800, s1;
	s9 =	sshrl.u32 s8, $0x1;
	s25 =	sshrl.u32 s10, $0x2  }
0xa: {  	s6 =	sadd.s32 s5, s4;
	s4 =	sadd.s32 $0x11E00, s0;
	s5 =	sshrl.u32 s5, $0x3  }
0xb: {  	s8 =	ssub.s32 s8, s9;
	s26 =	sadd.s32 s12, s11;
	s1 =	sshrl.u32 s1, $0x3  }
0xc: {  	s6 =	sshrl.u32 s6, $0x3;
	s7 =	sadd.s32 s5, s0;
	s5 =	sshrl.u32 s20, $0x2  }
0xd: {  	s12 =	smax.u32 s8, $0x1;
	s6 =	sadd.s32 s6, s0;
	s0 =	sadd.s32 $0x60000, s0  }
0xe: {  	s5 =	sadd.s32 s5, s2;
	s23 =	sadd.s32 $0xCE00, s7;
	s24 =	sadd.s32 $0xD080, s7  }
0xf: {  	s7 =	sadd.s32 $0x124800, s2;
	s21 =	sadd.s32 $0x2E00, s6;
	[dreg:$0x4] =	wrdreg s23  }
0x10: {  	s6 =	sadd.s32 $0x3080, s6;
	[dreg:$0x6] =	wrdreg s24;
	s10 =	sadd.s32 s0, s26  }
0x11: {  	s0 =	sadd.s32 s0, s1;
	s13 =	sadd.s32 $0x2000, s5;
	s14 =	sadd.s32 $0x4000, s5  }
0x12: {  	s15 =	sadd.s32 $0x6000, s5;
	s16 =	sadd.s32 $0x8000, s5;
	s17 =	sadd.s32 $0xA000, s5  }
0x13: {  	s18 =	sadd.s32 $0xC000, s5;
	s19 =	sadd.s32 $0xE000, s5;
	s20 =	sadd.s32 $0x10000, s5  }
0x14: {  	s23 =	simm.s32 $0x3;
	s24 =	sshrl.u32 @p0 s7, $0x3;
	[dreg:$0x3] =	wrdreg s21  }
0x15: {  	s26 =	simm.s32 $0x1400;
	s1 =	simm.s32 $0x2700;
	[dreg:$0x5] =	wrdreg s6  }
0x16: {  	s6 =	sadd.s32 s25, s2;
	s11 =	sadd.s32 $0x24900, s0;
	s21 =	sadd.s32 $0x12000, s5  }
0x17: {  	v0 =	vimm.f32 $0.0e+00;
	s0 =	simm.s32 $0x1380;
	s25 =	sshrl.u32 @!p0 s6, $0x3;
	s6 =	simm.s32 $0x2780  }
.LBB2_1:
0x18: {  	s7 =	simm.s32 $0x0;
	s8 =	simm.s32 $0x200  }
.LBB2_2:
0x19: {  	p1 =	sne.s32 s8, $0x7E00;
	[tilespmem:s7+$0x2870] =	vst v0  }
0x1a: {  	[tilespmem:s7+$0x2800] =	vst v0  }
0x1b: {  	[tilespmem:s7+$0x2810] =	vst v0  }
.Ltmp0:
0x1c: {  	[tilespmem:s7+$0x2820] =	vst v0;
	(pc) =	sbr.rel @p1 .LBB2_2-.Ltmp0, $4  }
0x1d: {  	[tilespmem:s7+$0x2830] =	vst v0  }
0x1e: {  	[tilespmem:s7+$0x2840] =	vst v0  }
0x1f: {  	[tilespmem:s7+$0x2850] =	vst v0  }
0x20: {  	[tilespmem:s7+$0x2860] =	vst v0;
	s7 =	sshra.s32 s8, $0x2;
	s8 =	sadd.s32 $0x200, s8  }
0x21: {  	[tilespmem:s7+$0x2870] =	vst v0  }
0x22: {  	[tilespmem:s7+$0x2800] =	vst v0  }
0x23: {  	[tilespmem:s7+$0x2810] =	vst v0  }
0x24: {  	[tilespmem:s7+$0x2820] =	vst v0  }
0x25: {  	[tilespmem:s7+$0x2830] =	vst v0  }
0x26: {  	[tilespmem:s7+$0x2840] =	vst v0  }
0x27: {  	[tilespmem:s7+$0x2850] =	vst v0  }
0x28: {  	[tilespmem:s7+$0x2860] =	vst v0  }
0x29: {  	[spmem:s5] =	stream.linear.scatter [tilespmem:s22], [sflag:$0x3], $0x2000, $0x38;
	[tilespmem:$0x1E800] =	vst v63  }
0x2a: {  	_ =	swait.ge [sflag:s23], $0x2000  }
0x2b: {  	[sflag:s23] =	ssyncset.done $0x0  }
0x2c: {  	[sflag:s23] =	ssyncadd.s32 $0xFFFFE000  }
0x2d: {  	[spmem:s13] =	stream.linear.scatter [tilespmem:s22], [sflag:$0x3], $0x2000, $0x38;
	[tilespmem:$0x1E800] =	vst v63  }
0x2e: {  	_ =	swait.ge [sflag:s23], $0x2000  }
0x2f: {  	[sflag:s23] =	ssyncset.done $0x0  }
0x30: {  	[sflag:s23] =	ssyncadd.s32 $0xFFFFE000  }
0x31: {  	[spmem:s14] =	stream.linear.scatter [tilespmem:s22], [sflag:$0x3], $0x2000, $0x38;
	[tilespmem:$0x1E800] =	vst v63  }
0x32: {  	_ =	swait.ge [sflag:s23], $0x2000  }
0x33: {  	[sflag:s23] =	ssyncset.done $0x0  }
0x34: {  	[sflag:s23] =	ssyncadd.s32 $0xFFFFE000  }
0x35: {  	[spmem:s15] =	stream.linear.scatter [tilespmem:s22], [sflag:$0x3], $0x2000, $0x38;
	[tilespmem:$0x1E800] =	vst v63  }
0x36: {  	_ =	swait.ge [sflag:s23], $0x2000  }
0x37: {  	[sflag:s23] =	ssyncset.done $0x0  }
0x38: {  	[sflag:s23] =	ssyncadd.s32 $0xFFFFE000  }
0x39: {  	[spmem:s16] =	stream.linear.scatter [tilespmem:s22], [sflag:$0x3], $0x2000, $0x38;
	[tilespmem:$0x1E800] =	vst v63  }
0x3a: {  	_ =	swait.ge [sflag:s23], $0x2000  }
0x3b: {  	[sflag:s23] =	ssyncset.done $0x0  }
0x3c: {  	[sflag:s23] =	ssyncadd.s32 $0xFFFFE000  }
0x3d: {  	[spmem:s17] =	stream.linear.scatter [tilespmem:s22], [sflag:$0x3], $0x2000, $0x38;
	[tilespmem:$0x1E800] =	vst v63  }
0x3e: {  	_ =	swait.ge [sflag:s23], $0x2000  }
0x3f: {  	[sflag:s23] =	ssyncset.done $0x0  }
0x40: {  	[sflag:s23] =	ssyncadd.s32 $0xFFFFE000  }
0x41: {  	[spmem:s18] =	stream.linear.scatter [tilespmem:s22], [sflag:$0x3], $0x2000, $0x38;
	[tilespmem:$0x1E800] =	vst v63  }
0x42: {  	_ =	swait.ge [sflag:s23], $0x2000  }
0x43: {  	[sflag:s23] =	ssyncset.done $0x0  }
0x44: {  	[sflag:s23] =	ssyncadd.s32 $0xFFFFE000  }
0x45: {  	[spmem:s19] =	stream.linear.scatter [tilespmem:s22], [sflag:$0x3], $0x2000, $0x38;
	[tilespmem:$0x1E800] =	vst v63  }
0x46: {  	_ =	swait.ge [sflag:s23], $0x2000  }
0x47: {  	[sflag:s23] =	ssyncset.done $0x0  }
0x48: {  	[sflag:s23] =	ssyncadd.s32 $0xFFFFE000  }
0x49: {  	[spmem:s20] =	stream.linear.scatter [tilespmem:s22], [sflag:$0x3], $0x2000, $0x38;
	[tilespmem:$0x1E800] =	vst v63  }
0x4a: {  	_ =	swait.ge [sflag:s23], $0x2000  }
0x4b: {  	[sflag:s23] =	ssyncset.done $0x0  }
0x4c: {  	[sflag:s23] =	ssyncadd.s32 $0xFFFFE000  }
0x4d: {  	[spmem:s21] =	stream.linear.scatter [tilespmem:s22], [sflag:$0x3], $0x2000, $0x38;
	[tilespmem:$0x1E800] =	vst v63  }
0x4e: {  	_ =	swait.ge [sflag:s23], $0x2000  }
0x4f: {  	[sflag:s23] =	ssyncset.done $0x0  }
0x50: {  	[sflag:s23] =	ssyncadd.s32 $0xFFFFE000  }
0x51: {  	[bflag:$0x0] =	sbarrier.arrive $0xFFFF  }
0x52: {  	s7 =	simm.s32 $0x0;
	s8 =	rddreg [dreg:$0x3]  }
0x53: {  	[tilespmem:s7], [sflag:$0x3] =	stream.linear.gather [hbm4b:s8+s7], $0x1400, $0x38;
	[tilespmem:$0x1E800] =	vst v63  }
0x54: {  	_ =	swait.ge [sflag:s23], $0x1400  }
0x55: {  	[sflag:s23] =	ssyncset.done $0x0  }
0x56: {  	s9 =	rddreg [dreg:$0x4];
	[sflag:s23] =	ssyncadd.s32 $0xFFFFEC00  }
0x57: {  	[tilespmem:s26], [sflag:$0x3] =	stream.linear.gather [hbm4b:s9+s7], $0x1400, $0x38;
	[tilespmem:$0x1E800] =	vst v63  }
0x58: {  	_ =	swait.ge [sflag:s23], $0x1400  }
0x59: {  	[sflag:s23] =	ssyncset.done $0x0  }
0x5a: {  	[sflag:s23] =	ssyncadd.s32 $0xFFFFEC00  }
0x5b: {  	[tilespmem:s22], [sflag:$0x1] =	stream.indirect.gather [hbm4b:s4+s28], $0x80, s7, s28, $0xb8;
	[tilespmem:$0x1E800] =	vst v63  }
0x5c: {  	_ =	swait.ge [sflag:s29], $0x3E80  }
0x5d: {  	[sflag:s29] =	ssyncset.done $0x0  }
0x5e: {  	s8 =	simm.s32 $0x80;
	[sflag:s29] =	ssyncadd.s32 $0xFFFFC180  }
0x5f: {  	[tilespmem:s30], [sflag:$0x2] =	stream.indirect.gather [hbm4b:s4+s28], $0x80, s8, s28, $0xb8;
	[tilespmem:$0x1E800] =	vst v63  }
0x60: {  	s9 =	simm.s32 $0x1400  }
0x61: {  	[spmem:s2] =	stream.indirect.scatter.add.f32 [tilespmem:s22], [sflag:$0x3], $0x80, s9, s28, $0xb8;
	[tilespmem:$0x1E800] =	vst v63  }
0x62: {  	_ =	swait.ge [sflag:s23], $0x3E80  }
0x63: {  	[sflag:s23] =	ssyncset.done $0x0  }
0x64: {  	[sflag:s23] =	ssyncadd.s32 $0xFFFFC180  }
0x65: {  	_ =	swait.ge [sflag:s31], $0x3E80  }
0x66: {  	[sflag:s31] =	ssyncset.done $0x0  }
0x67: {  	s8 =	simm.s32 $0x100;
	[sflag:s31] =	ssyncadd.s32 $0xFFFFC180  }
0x68: {  	[tilespmem:s22], [sflag:$0x1] =	stream.indirect.gather [hbm4b:s4+s28], $0x80, s8, s28, $0xb8;
	[tilespmem:$0x1E800] =	vst v63  }
0x69: {  	s9 =	simm.s32 $0x1480  }
0x6a: {  	[spmem:s2] =	stream.indirect.scatter.add.f32 [tilespmem:s30], [sflag:$0x3], $0x80, s9, s28, $0xb8;
	[tilespmem:$0x1E800] =	vst v63  }
0x6b: {  	_ =	swait.ge [sflag:s23], $0x3E80  }
0x6c: {  	s7 =	simm.s32 $0x400;
	[sflag:s23] =	ssyncset.done $0x0  }
.LBB2_4:
0x6d: {  	p1 =	sne.s32 s7, $0x4800  }
0x6e: {  	[sflag:s23] =	ssyncadd.s32 $0xFFFFC180;
	s8 =	smov.u32 s7;
	s7 =	sadd.s32 $0x400, s7  }
0x6f: {  	_ = 	snop  }
0x70: {  	_ =	swait.ge [sflag:s29], $0x3E80  }
0x71: {  	s8 =	sshra.s32 s8, $0x2;
	[sflag:s29] =	ssyncset.done $0x0  }
0x72: {  	s9 =	sadd.s32 $0x80, s8;
	[sflag:s29] =	ssyncadd.s32 $0xFFFFC180  }
0x73: {  	[tilespmem:s30], [sflag:$0x2] =	stream.indirect.gather [hbm4b:s4+s28], $0x80, s9, s28, $0xb8;
	[tilespmem:$0x1E800] =	vst v63  }
0x74: {  	s9 =	sadd.s32 $0x1400, s8  }
0x75: {  	[spmem:s2] =	stream.indirect.scatter.add.f32 [tilespmem:s22], [sflag:$0x3], $0x80, s9, s28, $0xb8;
	[tilespmem:$0x1E800] =	vst v63  }
0x76: {  	_ =	swait.ge [sflag:s23], $0x3E80  }
0x77: {  	[sflag:s23] =	ssyncset.done $0x0  }
0x78: {  	[sflag:s23] =	ssyncadd.s32 $0xFFFFC180  }
0x79: {  	_ =	swait.ge [sflag:s31], $0x3E80  }
0x7a: {  	[sflag:s31] =	ssyncset.done $0x0  }
0x7b: {  	s9 =	sadd.s32 $0x100, s8;
	[sflag:s31] =	ssyncadd.s32 $0xFFFFC180  }
0x7c: {  	[tilespmem:s22], [sflag:$0x1] =	stream.indirect.gather [hbm4b:s4+s28], $0x80, s9, s28, $0xb8;
	[tilespmem:$0x1E800] =	vst v63  }
.Ltmp1:
0x7d: {  	_ = 	snop;
	(pc) =	sbr.rel @p1 .LBB2_4-.Ltmp1, $4  }
0x7e: {  	s8 =	sadd.s32 $0x1480, s8  }
0x7f: {  	[spmem:s2] =	stream.indirect.scatter.add.f32 [tilespmem:s30], [sflag:$0x3], $0x80, s8, s28, $0xb8;
	[tilespmem:$0x1E800] =	vst v63  }
0x80: {  	_ =	swait.ge [sflag:s23], $0x3E80  }
0x81: {  	[sflag:s23] =	ssyncset.done $0x0  }
0x82: {  	[sflag:s23] =	ssyncadd.s32 $0xFFFFC180  }
0x83: {  	_ =	swait.ge [sflag:s29], $0x3E80  }
0x84: {  	[sflag:s29] =	ssyncset.done $0x0  }
0x85: {  	[sflag:s29] =	ssyncadd.s32 $0xFFFFC180  }
0x86: {  	[tilespmem:s30], [sflag:$0x2] =	stream.indirect.gather [hbm4b:s4+s28], $0x80, s0, s28, $0xb8;
	[tilespmem:$0x1E800] =	vst v63  }
0x87: {  	_ = 	snop  }
0x88: {  	[spmem:s2] =	stream.indirect.scatter.add.f32 [tilespmem:s22], [sflag:$0x3], $0x80, s1, s28, $0xb8;
	[tilespmem:$0x1E800] =	vst v63  }
0x89: {  	_ =	swait.ge [sflag:s23], $0x3E80  }
0x8a: {  	[sflag:s23] =	ssyncset.done $0x0  }
0x8b: {  	[sflag:s23] =	ssyncadd.s32 $0xFFFFC180  }
0x8c: {  	_ =	swait.ge [sflag:s31], $0x3E80  }
0x8d: {  	[sflag:s31] =	ssyncset.done $0x0  }
0x8e: {  	[sflag:s31] =	ssyncadd.s32 $0xFFFFC180  }
0x8f: {  	[spmem:s2] =	stream.indirect.scatter.add.f32 [tilespmem:s30], [sflag:$0x3], $0x80, s6, s28, $0xb8;
	[tilespmem:$0x1E800] =	vst v63  }
0x90: {  	_ =	swait.ge [sflag:s23], $0x3E80  }
0x91: {  	[sflag:s23] =	ssyncset.done $0x0  }
0x92: {  	s7 =	simm.s32 $0x0;
	s8 =	rddreg [dreg:$0x5];
	[sflag:s23] =	ssyncadd.s32 $0xFFFFC180  }
0x93: {  	[tilespmem:s7], [sflag:$0x3] =	stream.linear.gather [hbm4b:s8+s7], $0x1400, $0x38;
	[tilespmem:$0x1E800] =	vst v63  }
0x94: {  	_ =	swait.ge [sflag:s23], $0x1400  }
0x95: {  	[sflag:s23] =	ssyncset.done $0x0  }
0x96: {  	s9 =	rddreg [dreg:$0x6];
	[sflag:s23] =	ssyncadd.s32 $0xFFFFEC00  }
0x97: {  	[tilespmem:s26], [sflag:$0x3] =	stream.linear.gather [hbm4b:s9+s7], $0x1400, $0x38;
	[tilespmem:$0x1E800] =	vst v63  }
0x98: {  	_ =	swait.ge [sflag:s23], $0x1400  }
0x99: {  	[sflag:s23] =	ssyncset.done $0x0  }
0x9a: {  	[sflag:s23] =	ssyncadd.s32 $0xFFFFEC00  }
0x9b: {  	[tilespmem:s22], [sflag:$0x1] =	stream.indirect.gather [hbm4b:s4+s28], $0x80, s7, s28, $0xb8;
	[tilespmem:$0x1E800] =	vst v63  }
0x9c: {  	_ =	swait.ge [sflag:s29], $0x3E80  }
0x9d: {  	[sflag:s29] =	ssyncset.done $0x0  }
0x9e: {  	s8 =	simm.s32 $0x80;
	[sflag:s29] =	ssyncadd.s32 $0xFFFFC180  }
0x9f: {  	[tilespmem:s30], [sflag:$0x2] =	stream.indirect.gather [hbm4b:s4+s28], $0x80, s8, s28, $0xb8;
	[tilespmem:$0x1E800] =	vst v63  }
0xa0: {  	s9 =	simm.s32 $0x1400  }
0xa1: {  	[spmem:s2] =	stream.indirect.scatter.add.f32 [tilespmem:s22], [sflag:$0x3], $0x80, s9, s28, $0xb8;
	[tilespmem:$0x1E800] =	vst v63  }
0xa2: {  	_ =	swait.ge [sflag:s23], $0x3E80  }
0xa3: {  	[sflag:s23] =	ssyncset.done $0x0  }
0xa4: {  	[sflag:s23] =	ssyncadd.s32 $0xFFFFC180  }
0xa5: {  	_ =	swait.ge [sflag:s31], $0x3E80  }
0xa6: {  	[sflag:s31] =	ssyncset.done $0x0  }
0xa7: {  	s8 =	simm.s32 $0x100;
	[sflag:s31] =	ssyncadd.s32 $0xFFFFC180  }
0xa8: {  	[tilespmem:s22], [sflag:$0x1] =	stream.indirect.gather [hbm4b:s4+s28], $0x80, s8, s28, $0xb8;
	[tilespmem:$0x1E800] =	vst v63  }
0xa9: {  	s9 =	simm.s32 $0x1480  }
0xaa: {  	[spmem:s2] =	stream.indirect.scatter.add.f32 [tilespmem:s30], [sflag:$0x3], $0x80, s9, s28, $0xb8;
	[tilespmem:$0x1E800] =	vst v63  }
0xab: {  	_ =	swait.ge [sflag:s23], $0x3E80  }
0xac: {  	s7 =	simm.s32 $0x400;
	[sflag:s23] =	ssyncset.done $0x0  }
.LBB2_6:
0xad: {  	p1 =	sne.s32 s7, $0x4800  }
0xae: {  	[sflag:s23] =	ssyncadd.s32 $0xFFFFC180;
	s8 =	smov.u32 s7;
	s7 =	sadd.s32 $0x400, s7  }
0xaf: {  	_ = 	snop  }
0xb0: {  	_ =	swait.ge [sflag:s29], $0x3E80  }
0xb1: {  	s8 =	sshra.s32 s8, $0x2;
	[sflag:s29] =	ssyncset.done $0x0  }
0xb2: {  	s9 =	sadd.s32 $0x80, s8;
	[sflag:s29] =	ssyncadd.s32 $0xFFFFC180  }
0xb3: {  	[tilespmem:s30], [sflag:$0x2] =	stream.indirect.gather [hbm4b:s4+s28], $0x80, s9, s28, $0xb8;
	[tilespmem:$0x1E800] =	vst v63  }
0xb4: {  	s9 =	sadd.s32 $0x1400, s8  }
0xb5: {  	[spmem:s2] =	stream.indirect.scatter.add.f32 [tilespmem:s22], [sflag:$0x3], $0x80, s9, s28, $0xb8;
	[tilespmem:$0x1E800] =	vst v63  }
0xb6: {  	_ =	swait.ge [sflag:s23], $0x3E80  }
0xb7: {  	[sflag:s23] =	ssyncset.done $0x0  }
0xb8: {  	[sflag:s23] =	ssyncadd.s32 $0xFFFFC180  }
0xb9: {  	_ =	swait.ge [sflag:s31], $0x3E80  }
0xba: {  	[sflag:s31] =	ssyncset.done $0x0  }
0xbb: {  	s9 =	sadd.s32 $0x100, s8;
	[sflag:s31] =	ssyncadd.s32 $0xFFFFC180  }
0xbc: {  	[tilespmem:s22], [sflag:$0x1] =	stream.indirect.gather [hbm4b:s4+s28], $0x80, s9, s28, $0xb8;
	[tilespmem:$0x1E800] =	vst v63  }
.Ltmp2:
0xbd: {  	_ = 	snop;
	(pc) =	sbr.rel @p1 .LBB2_6-.Ltmp2, $4  }
0xbe: {  	s8 =	sadd.s32 $0x1480, s8  }
0xbf: {  	[spmem:s2] =	stream.indirect.scatter.add.f32 [tilespmem:s30], [sflag:$0x3], $0x80, s8, s28, $0xb8;
	[tilespmem:$0x1E800] =	vst v63  }
0xc0: {  	_ =	swait.ge [sflag:s23], $0x3E80  }
0xc1: {  	[sflag:s23] =	ssyncset.done $0x0  }
0xc2: {  	[sflag:s23] =	ssyncadd.s32 $0xFFFFC180  }
0xc3: {  	_ =	swait.ge [sflag:s29], $0x3E80  }
0xc4: {  	[sflag:s29] =	ssyncset.done $0x0  }
0xc5: {  	[sflag:s29] =	ssyncadd.s32 $0xFFFFC180  }
0xc6: {  	[tilespmem:s30], [sflag:$0x2] =	stream.indirect.gather [hbm4b:s4+s28], $0x80, s0, s28, $0xb8;
	[tilespmem:$0x1E800] =	vst v63  }
0xc7: {  	_ = 	snop  }
0xc8: {  	[spmem:s2] =	stream.indirect.scatter.add.f32 [tilespmem:s22], [sflag:$0x3], $0x80, s1, s28, $0xb8;
	[tilespmem:$0x1E800] =	vst v63  }
0xc9: {  	_ =	swait.ge [sflag:s23], $0x3E80  }
0xca: {  	[sflag:s23] =	ssyncset.done $0x0  }
0xcb: {  	[sflag:s23] =	ssyncadd.s32 $0xFFFFC180  }
0xcc: {  	_ =	swait.ge [sflag:s31], $0x3E80  }
0xcd: {  	[sflag:s31] =	ssyncset.done $0x0  }
0xce: {  	[sflag:s31] =	ssyncadd.s32 $0xFFFFC180  }
0xcf: {  	[spmem:s2] =	stream.indirect.scatter.add.f32 [tilespmem:s30], [sflag:$0x3], $0x80, s6, s28, $0xb8;
	[tilespmem:$0x1E800] =	vst v63  }
0xd0: {  	_ =	swait.ge [sflag:s23], $0x3E80  }
0xd1: {  	[sflag:s23] =	ssyncset.done $0x0  }
0xd2: {  	[sflag:s23] =	ssyncadd.s32 $0xFFFFC180  }
0xd3: {  	s7 =	simm.s32 @p0 $0x1FC3;
	[bflag:$0x0] =	sbarrier.arrive $0xFFFF  }
0xd4: {  	[hbm:s11], [sflag:s7] =	dma.local @p0 [spmem:s24], $0x2800  }
0xd5: {  	s7 =	simm.s32 @p0 $0x3  }
0xd6: {  	s8 =	stileid.u32;
	_ =	swait.ge @p0 [sflag:s7], $0x2800  }
0xd7: {  	s3 =	sadd.s32 $0x1, s3;
	s8 =	sshll.u32 @!p0 s8, $0x6;
	[sflag:s7] =	ssyncset.done @p0 $0x0  }
0xd8: {  	p1 =	sne.s32 s3, s12;
	[sflag:s7] =	ssyncadd.s32 @p0 $0xFFFFD800;
	s7 =	sor.u32 @!p0 $0x1C03, s8  }
0xd9: {  	[hbm:s10], [sflag:s7] =	dma.local @!p0 [spmem:s25], $0x2700  }
.Ltmp3:
0xda: {  	_ = 	snop;
	(pc) =	sbr.rel @p1 .LBB2_1-.Ltmp3, $4  }
0xdb: {  	s7 =	simm.s32 @!p0 $0x3  }
0xdc: {  	_ =	swait.ge @!p0 [sflag:s7], $0x2700  }
0xdd: {  	[sflag:s7] =	ssyncset.done @!p0 $0x0  }
0xde: {  	[sflag:s7] =	ssyncadd.s32 @!p0 $0xFFFFD900  }
0xdf: {  	_ =	sfence.sel $0x180000  }
0xe0: {  	[bflag:$0x0] =	sbarrier.arrive $0xFFFF  }
0xe1: {  	_ =	strace $0x90000047  }
0xe2: {  	s0 =	stileid.u32;
	[bflag:$0x2] =	sbarrier.arrive $0xFFFF  }
0xe3: {  	p0 =	sne.s32 s0, $0x0;
	s0 =	rddreg [dreg:$0x2]  }
0xe4: {  	s0 =	sadd.s32 @!p0 $0x100000, s0  }
0xe5: {  	[sflag:s0] =	ssyncadd.tile.s32 @!p0 $0x1;
	_ =	shalt  }
.Lfunc_end2:
_tile_overlayer_lowered:
.L_overlay_start_2:
0xe6: {  	(tag) =	ssettag $0x2  }
0xe7: {  	s0 =	rddreg [dreg:$0x0];
	s2 =	stileid.u32  }
0xe8: {  	s1 =	rddreg [dreg:$0x1];
	p0 =	sne.s32 s2, $0x0  }
0xe9: {  	s3 =	rddreg [dreg:$0x2];
	[bflag:$0x3] =	sbarrier.arrive $0xFFFF;
	s2 =	simm.s32 @!p0 $0x1C03  }
0xea: {  	[timem:s3], [sflag:s2] =	dma.local @!p0 [hbm:s0], s1  }
0xeb: {  	s0 =	simm.s32 @!p0 $0x3  }
0xec: {  	_ =	swait.ge @!p0 [sflag:s0], s1  }
0xed: {  	s1 =	ssub.s32 @!p0 $0x0, s1;
	[sflag:s0] =	ssyncset.done @!p0 $0x0  }
0xee: {  	[sflag:s0] =	ssyncadd.s32 @!p0 s1  }
0xef: {  	[bflag:$0x3] =	sbarrier.arrive $0xFFFF  }
0xf0: {  	_ =	shalt  }

</sc_bundles>
